<compile_context>
chip_gen: v7x
topology: tpu7x:2x2x1
jax: 0.10.2.dev20260603
libtpu: 0.0.44.dev20260713+nightly
codegen_flags: <defaults>
</compile_context>

<pallas_src>
import functools

import jax
import jax.numpy as jnp
from jax import lax
from jax.experimental import pallas as pl
from jax.experimental.pallas import tpu as pltpu
from jax.experimental.pallas import tpu_sc as plsc


@functools.lru_cache(maxsize=None)
def _make_embed_kernel(V, D, B, S):
    info = plsc.get_sparse_core_info()
    NC, NS, L = info.num_cores, info.num_subcores, info.num_lanes
    NW = NC * NS
    SGRP = 2
    BCH = NW // SGRP
    NBH = B // 128 // BCH
    Bc = NBH * 128
    T = S // SGRP
    DH = D // 8
    NB = B // 128
    SKR = NBH * 8 + 8
    assert D % L == 0 and S % 8 == 0 and T % 2 == 0 and B % (128 * BCH) == 0

    mesh = plsc.VectorSubcoreMesh(core_axis_name="c", subcore_axis_name="s")

    @functools.partial(
        pl.kernel,
        mesh=mesh,
        compiler_params=pltpu.CompilerParams(
            use_tc_tiling_on_sc=False, needs_layout_passes=False
        ),
        out_type=jax.ShapeDtypeStruct((B * S * D // 128, 128), jnp.float32),
        scratch_types=[
            pltpu.VMEM((2, NBH, 128), jnp.int32),
            pltpu.VMEM((2, Bc, 128), jnp.float32),
            pltpu.VMEM((DH * (NBH * 8 + 8), 129), jnp.float32),
            pltpu.VMEM((S, D), jnp.float32),
            pltpu.SemaphoreType.DMA,
            pltpu.SemaphoreType.DMA,
            pltpu.SemaphoreType.DMA,
            pltpu.SemaphoreType.DMA,
            pltpu.SemaphoreType.DMA,
        ],
    )
    def embed(table_hbm, x2_hbm, pos_hbm, out_hbm, idx_v, rows_v, tv, pos_v,
              isem0, isem1, gsem0, gsem1, osem):
        iota = lax.iota(jnp.int32, L)
        dh_base = iota // 8
        dl_base = iota % 8
        wid = lax.axis_index("s") * NC + lax.axis_index("c")
        sgrp = wid // BCH
        bh0 = (wid % BCH) * NBH
        isems = (isem0, isem1)
        gsems = (gsem0, gsem1)

        def stage_idx(t, buf, sem):
            s = sgrp * T + t
            xrow0 = ((s // 8) * NB + bh0) * 8 + (s % 8)
            for j in range(NBH):
                pltpu.async_copy(x2_hbm.at[xrow0 + j * 8], idx_v.at[buf, j], sem)

        def drain_idx(buf, sem):
            for j in range(NBH):
                pltpu.make_async_copy(x2_hbm.at[0], idx_v.at[buf, j], sem).wait()

        def fire_gathers(buf, sem):
            for j in range(NBH):
                pltpu.async_copy(
                    table_hbm.at[idx_v.at[buf, j]],
                    rows_v.at[buf, pl.ds(j * 128, 128)],
                    sem,
                )

        def drain_gathers(buf, sem):
            pltpu.make_async_copy(
                table_hbm.at[pl.ds(0, Bc)], rows_v.at[buf], sem
            ).wait()

        def transpose(t, buf):
            s = sgrp * T + t
            pos_u = [pos_v[s, pl.ds(u * L, L)] for u in range(D // L)]

            @plsc.parallel_loop(0, Bc, 1, unroll=8)
            def b_body(b):
                bh_loc = b // 128
                bl16 = jnp.full((L,), b % 128, jnp.int32)
                row16 = bh_loc * 8 + dl_base
                for u in range(D // L):
                    val = rows_v[buf, b, pl.ds(u * L, L)] + pos_u[u]
                    plsc.store_scatter(
                        tv, [(2 * u + dh_base) * SKR + row16, bl16], val)

        def fire_out(t):
            s = sgrp * T + t
            for dh in range(DH):
                pltpu.async_copy(
                    tv.at[pl.ds(dh * SKR, NBH * 8), pl.ds(0, 128)],
                    out_hbm.at[pl.ds(((s * DH + dh) * NB + bh0) * 8, NBH * 8)],
                    osem,
                )

        def drain_out():
            for dh in range(DH):
                pltpu.make_async_copy(
                    out_hbm.at[pl.ds(0, NBH * 8)],
                    tv.at[pl.ds(dh * SKR, NBH * 8), pl.ds(0, 128)], osem
                ).wait()

        pltpu.sync_copy(pos_hbm, pos_v)
        stage_idx(0, 0, isem0)
        drain_idx(0, isem0)
        fire_gathers(0, gsem0)
        stage_idx(1, 1, isem1)

        def pair_body(m, carry):
            t0 = 2 * m

            def half(t, buf):
                nbuf = 1 - buf
                drain_idx(nbuf, isems[nbuf])
                fire_gathers(nbuf, gsems[nbuf])
                drain_gathers(buf, gsems[buf])
                stage_idx(lax.rem(t + 2, T), buf, isems[buf])

                @pl.when(t > 0)
                def _():
                    drain_out()

                transpose(t, buf)
                fire_out(t)

            half(t0, 0)
            half(t0 + 1, 1)
            return carry

        lax.fori_loop(0, T // 2, pair_body, 0)
        drain_out()
        drain_idx(1, isem1)
        drain_gathers(0, gsem0)

    return embed


@functools.lru_cache(maxsize=None)
def _make_detile(V, D):
    VC = 2048
    G = -(-V // VC)

    def body(tT_ref, out_ref):
        out_ref[:, pl.ds(0, D)] = tT_ref[...].T

    return pl.pallas_call(
        body,
        grid=(G,),
        in_specs=[pl.BlockSpec((D, VC), lambda i: (0, i))],
        out_specs=pl.BlockSpec((VC, 128), lambda i: (i, 0)),
        out_shape=jax.ShapeDtypeStruct((V, 128), jnp.float32),
    )


def kernel(x, token_table, pos_table):
    B, S = x.shape
    V, D = token_table.shape
    x2 = (
        x.astype(jnp.int32)
        .reshape(B // 128, 128, S // 8, 8)
        .transpose(2, 0, 3, 1)
        .reshape(B * S // 128, 128)
    )
    t128 = _make_detile(V, D)(token_table.T)
    embed = _make_embed_kernel(V, D, B, S)
    out2 = embed(t128, x2, pos_table)
    return (
        out2.reshape(S, D // 8, B // 128, 8, 128)
        .transpose(2, 4, 0, 1, 3)
        .reshape(B, S, D)
    )

# --- scband reference (transcript-rebuilt; emitter-appended) ---
"""Pipeline reference for scband-token-and-position-embedding-46291157516589 (READ-ONLY COPY).

The authoritative reference and input builder live on the scoring server;
editing this copy changes nothing except your own understanding.
"""

import jax, jax.numpy as jnp
import numpy as np

VOCAB = 1000000
MAX_LEN = 200
EMBED_DIM = 64
BATCH = 4096
SEQ = 200

def setup_inputs(seed: int = 0) -> dict:
    key = jax.random.key(seed)
    k1, k2, k3 = jax.random.split(key, 3)
    x = jax.random.randint(k1, (BATCH, SEQ), 0, VOCAB, dtype=jnp.int64 if jax.config.jax_enable_x64 else jnp.int32)
    token_table = jax.random.normal(k2, (VOCAB, EMBED_DIM), dtype=jnp.float32) * 0.02
    pos_table = jax.random.normal(k3, (MAX_LEN, EMBED_DIM), dtype=jnp.float32) * 0.02
    return {"x": x, "token_table": token_table, "pos_table": pos_table}

def reference(x, token_table, pos_table):
    seq_len = x.shape[-1]
    positions = jnp.arange(seq_len)
    pos_emb = jnp.take(pos_table, positions, axis=0)  # [seq_len, embed_dim]
    tok_emb = jnp.take(token_table, x, axis=0)        # [batch, seq_len, embed_dim]
    return tok_emb + pos_emb

if __name__ == "__main__":
    import jax
    _d = setup_inputs()
    print(jax.jit(kernel)(*tuple(_d.values())))

</pallas_src>

<mosaic_0001>
#map = affine_map<(d0, d1) -> (0, 0)>
module attributes {stable_mosaic.version = 14 : i64} {
  func.func @embed(%arg0: i32, %arg1: i32, %arg2: memref<1000000x128xf32, #tpu.memory_space<hbm>>, %arg3: memref<6400x128xi32, #tpu.memory_space<hbm>>, %arg4: memref<200x64xf32, #tpu.memory_space<hbm>>, %arg5: memref<409600x128xf32, #tpu.memory_space<hbm>>, %arg6: memref<2x2x128xi32, #tpu.memory_space<vmem>>, %arg7: memref<2x256x128xf32, #tpu.memory_space<vmem>>, %arg8: memref<192x129xf32, #tpu.memory_space<vmem>>, %arg9: memref<200x64xf32, #tpu.memory_space<vmem>>, %arg10: memref<!tpu.dma_semaphore, #tpu.memory_space<semaphore_mem>>, %arg11: memref<!tpu.dma_semaphore, #tpu.memory_space<semaphore_mem>>, %arg12: memref<!tpu.dma_semaphore, #tpu.memory_space<semaphore_mem>>, %arg13: memref<!tpu.dma_semaphore, #tpu.memory_space<semaphore_mem>>, %arg14: memref<!tpu.dma_semaphore, #tpu.memory_space<semaphore_mem>>) attributes {dimension_semantics = [#tpu.dimension_semantics<core_parallel>, #tpu.dimension_semantics<subcore_parallel>], iteration_bounds = array<i64: 2, 16>, scalar_prefetch = 0 : i64, scratch_operands = 9 : i64, tpu.core_type = #tpu.core_type<sc_vector_subcore>, window_params = [{transform_indices = #map}, {transform_indices = #map}, {transform_indices = #map}, {transform_indices = #map}]} {
    %iota3A = tpu.iota {dimensions = array<i32: 0>} : vector<16xi32>
    %jit3A = arith.constant 8 : i32
    %div3A = vector.broadcast %jit3A : i32 to vector<16xi32>
    %div3A_0 = arith.divsi %iota3A, %div3A : vector<16xi32>
    %sign3A = arith.constant 0 : i32
    %sign3A_1 = vector.broadcast %sign3A : i32 to vector<16xi32>
    %sign3A_2 = arith.cmpi sgt, %iota3A, %sign3A_1 : vector<16xi32>
    %sign3A_3 = arith.extui %sign3A_2 : vector<16xi1> to vector<16xi32>
    %sign3A_4 = arith.constant 0 : i32
    %sign3A_5 = vector.broadcast %sign3A_4 : i32 to vector<16xi32>
    %sign3A_6 = arith.cmpi slt, %iota3A, %sign3A_5 : vector<16xi32>
    %sign3A_7 = arith.extui %sign3A_6 : vector<16xi1> to vector<16xi32>
    %sign3A_8 = arith.subi %sign3A_3, %sign3A_7 : vector<16xi32>
    %sign3A_9 = arith.constant 0 : i32
    %sign3A_10 = arith.cmpi sgt, %jit3A, %sign3A_9 : i32
    %sign3A_11 = arith.extui %sign3A_10 : i1 to i32
    %sign3A_12 = arith.constant 0 : i32
    %sign3A_13 = arith.cmpi slt, %jit3A, %sign3A_12 : i32
    %sign3A_14 = arith.extui %sign3A_13 : i1 to i32
    %sign3A_15 = arith.subi %sign3A_11, %sign3A_14 : i32
    %ne3A = vector.broadcast %sign3A_15 : i32 to vector<16xi32>
    %ne3A_16 = arith.cmpi ne, %sign3A_8, %ne3A : vector<16xi32>
    %rem3A = vector.broadcast %jit3A : i32 to vector<16xi32>
    %rem3A_17 = arith.remsi %iota3A, %rem3A : vector<16xi32>
    %ne3A_18 = arith.constant 0 : i32
    %ne3A_19 = vector.broadcast %ne3A_18 : i32 to vector<16xi32>
    %ne3A_20 = arith.cmpi ne, %rem3A_17, %ne3A_19 : vector<16xi32>
    %and3A = arith.andi %ne3A_16, %ne3A_20 : vector<16xi1>
    %sub3A = arith.constant 1 : i32
    %sub3A_21 = vector.broadcast %sub3A : i32 to vector<16xi32>
    %sub3A_22 = arith.subi %div3A_0, %sub3A_21 : vector<16xi32>
    %select_n3A = arith.select %and3A, %sub3A_22, %div3A_0 : vector<16xi1>, vector<16xi32>
    %jit3A_23 = arith.constant 8 : i32
    %eq3A = arith.constant 0 : i32
    %eq3A_24 = arith.cmpi eq, %jit3A_23, %eq3A : i32
    %jit3A_25 = arith.constant 1 : i32
    %select_n3A_26 = arith.select %eq3A_24, %jit3A_25, %jit3A_23 : i32
    %rem3A_27 = vector.broadcast %select_n3A_26 : i32 to vector<16xi32>
    %rem3A_28 = arith.remsi %iota3A, %rem3A_27 : vector<16xi32>
    %ne3A_29 = arith.constant 0 : i32
    %ne3A_30 = vector.broadcast %ne3A_29 : i32 to vector<16xi32>
    %ne3A_31 = arith.cmpi ne, %rem3A_28, %ne3A_30 : vector<16xi32>
    %lt3A = arith.constant 0 : i32
    %lt3A_32 = vector.broadcast %lt3A : i32 to vector<16xi32>
    %lt3A_33 = arith.cmpi slt, %rem3A_28, %lt3A_32 : vector<16xi32>
    %lt3A_34 = arith.constant 0 : i32
    %lt3A_35 = arith.cmpi slt, %select_n3A_26, %lt3A_34 : i32
    %ne3A_36 = vector.broadcast %lt3A_35 : i1 to vector<16xi1>
    %ne3A_37 = vector.broadcast %ne3A_36 : vector<16xi1> to vector<16xi1>
    %ne3A_38 = arith.xori %lt3A_33, %ne3A_37 : vector<16xi1>
    %and3A_39 = arith.andi %ne3A_38, %ne3A_31 : vector<16xi1>
    %add3A = vector.broadcast %select_n3A_26 : i32 to vector<16xi32>
    %add3A_40 = arith.addi %rem3A_28, %add3A : vector<16xi32>
    %select_n3A_41 = arith.select %and3A_39, %add3A_40, %rem3A_28 : vector<16xi1>, vector<16xi32>
    %mul3A = arith.constant 2 : i32
    %mul3A_42 = arith.muli %arg1, %mul3A : i32
    %add3A_43 = arith.addi %mul3A_42, %arg0 : i32
    %jit3A_44 = arith.constant 16 : i32
    %div3A_45 = arith.divsi %add3A_43, %jit3A_44 : i32
    %sign3A_46 = arith.constant 0 : i32
    %sign3A_47 = arith.cmpi sgt, %add3A_43, %sign3A_46 : i32
    %sign3A_48 = arith.extui %sign3A_47 : i1 to i32
    %sign3A_49 = arith.constant 0 : i32
    %sign3A_50 = arith.cmpi slt, %add3A_43, %sign3A_49 : i32
    %sign3A_51 = arith.extui %sign3A_50 : i1 to i32
    %sign3A_52 = arith.subi %sign3A_48, %sign3A_51 : i32
    %sign3A_53 = arith.constant 0 : i32
    %sign3A_54 = arith.cmpi sgt, %jit3A_44, %sign3A_53 : i32
    %sign3A_55 = arith.extui %sign3A_54 : i1 to i32
    %sign3A_56 = arith.constant 0 : i32
    %sign3A_57 = arith.cmpi slt, %jit3A_44, %sign3A_56 : i32
    %sign3A_58 = arith.extui %sign3A_57 : i1 to i32
    %sign3A_59 = arith.subi %sign3A_55, %sign3A_58 : i32
    %ne3A_60 = arith.cmpi ne, %sign3A_52, %sign3A_59 : i32
    %rem3A_61 = arith.remsi %add3A_43, %jit3A_44 : i32
    %ne3A_62 = arith.constant 0 : i32
    %ne3A_63 = arith.cmpi ne, %rem3A_61, %ne3A_62 : i32
    %and3A_64 = arith.andi %ne3A_60, %ne3A_63 : i1
    %sub3A_65 = arith.constant 1 : i32
    %sub3A_66 = arith.subi %div3A_45, %sub3A_65 : i32
    %select_n3A_67 = arith.select %and3A_64, %sub3A_66, %div3A_45 : i32
    %jit3A_68 = arith.constant 16 : i32
    %eq3A_69 = arith.constant 0 : i32
    %eq3A_70 = arith.cmpi eq, %jit3A_68, %eq3A_69 : i32
    %jit3A_71 = arith.constant 1 : i32
    %select_n3A_72 = arith.select %eq3A_70, %jit3A_71, %jit3A_68 : i32
    %rem3A_73 = arith.remsi %add3A_43, %select_n3A_72 : i32
    %ne3A_74 = arith.constant 0 : i32
    %ne3A_75 = arith.cmpi ne, %rem3A_73, %ne3A_74 : i32
    %lt3A_76 = arith.constant 0 : i32
    %lt3A_77 = arith.cmpi slt, %rem3A_73, %lt3A_76 : i32
    %lt3A_78 = arith.constant 0 : i32
    %lt3A_79 = arith.cmpi slt, %select_n3A_72, %lt3A_78 : i32
    %ne3A_80 = arith.xori %lt3A_77, %lt3A_79 : i1
    %and3A_81 = arith.andi %ne3A_80, %ne3A_75 : i1
    %add3A_82 = arith.addi %rem3A_73, %select_n3A_72 : i32
    %select_n3A_83 = arith.select %and3A_81, %add3A_82, %rem3A_73 : i32
    %mul3A_84 = arith.constant 2 : i32
    %mul3A_85 = arith.muli %select_n3A_83, %mul3A_84 : i32
    "tpu.region"() ({
      %run_scoped3A = tpu.sem_alloc : memref<!tpu.dma_semaphore, #tpu.memory_space<semaphore_mem>>
      tpu.enqueue_dma source(%arg4 : memref<200x64xf32, #tpu.memory_space<hbm>>) target(%arg9 : memref<200x64xf32, #tpu.memory_space<vmem>>) target_semaphore(%run_scoped3A : memref<!tpu.dma_semaphore, #tpu.memory_space<semaphore_mem>>)
      tpu.wait_dma2 semaphore(%run_scoped3A : memref<!tpu.dma_semaphore, #tpu.memory_space<semaphore_mem>>) src(%arg4 : memref<200x64xf32, #tpu.memory_space<hbm>>) dst(%arg9 : memref<200x64xf32, #tpu.memory_space<vmem>>)
      tpu.yield
    }) : () -> ()
    %mul3A_86 = arith.constant 100 : i32
    %mul3A_87 = arith.muli %select_n3A_67, %mul3A_86 : i32
    %add3A_88 = arith.constant 0 : i32
    %add3A_89 = arith.addi %mul3A_87, %add3A_88 : i32
    %jit3A_90 = arith.constant 8 : i32
    %div3A_91 = arith.divsi %add3A_89, %jit3A_90 : i32
    %sign3A_92 = arith.constant 0 : i32
    %sign3A_93 = arith.cmpi sgt, %add3A_89, %sign3A_92 : i32
    %sign3A_94 = arith.extui %sign3A_93 : i1 to i32
    %sign3A_95 = arith.constant 0 : i32
    %sign3A_96 = arith.cmpi slt, %add3A_89, %sign3A_95 : i32
    %sign3A_97 = arith.extui %sign3A_96 : i1 to i32
    %sign3A_98 = arith.subi %sign3A_94, %sign3A_97 : i32
    %sign3A_99 = arith.constant 0 : i32
    %sign3A_100 = arith.cmpi sgt, %jit3A_90, %sign3A_99 : i32
    %sign3A_101 = arith.extui %sign3A_100 : i1 to i32
    %sign3A_102 = arith.constant 0 : i32
    %sign3A_103 = arith.cmpi slt, %jit3A_90, %sign3A_102 : i32
    %sign3A_104 = arith.extui %sign3A_103 : i1 to i32
    %sign3A_105 = arith.subi %sign3A_101, %sign3A_104 : i32
    %ne3A_106 = arith.cmpi ne, %sign3A_98, %sign3A_105 : i32
    %rem3A_107 = arith.remsi %add3A_89, %jit3A_90 : i32
    %ne3A_108 = arith.constant 0 : i32
    %ne3A_109 = arith.cmpi ne, %rem3A_107, %ne3A_108 : i32
    %and3A_110 = arith.andi %ne3A_106, %ne3A_109 : i1
    %sub3A_111 = arith.constant 1 : i32
    %sub3A_112 = arith.subi %div3A_91, %sub3A_111 : i32
    %select_n3A_113 = arith.select %and3A_110, %sub3A_112, %div3A_91 : i32
    %mul3A_114 = arith.constant 32 : i32
    %mul3A_115 = arith.muli %select_n3A_113, %mul3A_114 : i32
    %add3A_116 = arith.addi %mul3A_115, %mul3A_85 : i32
    %mul3A_117 = arith.constant 8 : i32
    %mul3A_118 = arith.muli %add3A_116, %mul3A_117 : i32
    %jit3A_119 = arith.constant 8 : i32
    %eq3A_120 = arith.constant 0 : i32
    %eq3A_121 = arith.cmpi eq, %jit3A_119, %eq3A_120 : i32
    %jit3A_122 = arith.constant 1 : i32
    %select_n3A_123 = arith.select %eq3A_121, %jit3A_122, %jit3A_119 : i32
    %rem3A_124 = arith.remsi %add3A_89, %select_n3A_123 : i32
    %ne3A_125 = arith.constant 0 : i32
    %ne3A_126 = arith.cmpi ne, %rem3A_124, %ne3A_125 : i32
    %lt3A_127 = arith.constant 0 : i32
    %lt3A_128 = arith.cmpi slt, %rem3A_124, %lt3A_127 : i32
    %lt3A_129 = arith.constant 0 : i32
    %lt3A_130 = arith.cmpi slt, %select_n3A_123, %lt3A_129 : i32
    %ne3A_131 = arith.xori %lt3A_128, %lt3A_130 : i1
    %and3A_132 = arith.andi %ne3A_131, %ne3A_126 : i1
    %add3A_133 = arith.addi %rem3A_124, %select_n3A_123 : i32
    %select_n3A_134 = arith.select %and3A_132, %add3A_133, %rem3A_124 : i32
    %add3A_135 = arith.addi %mul3A_118, %select_n3A_134 : i32
    %add3A_136 = arith.constant 0 : i32
    %add3A_137 = arith.addi %add3A_135, %add3A_136 : i32
    %dma_start3A = arith.constant 0 : i32
    %dma_start3A_138 = arith.constant 0 : i32
    %dma_start3A_139 = arith.constant 0 : i32
    %dma_start3A_140 = tpu.memref_slice %arg6[%dma_start3A, %dma_start3A_138, %dma_start3A_139] : memref<2x2x128xi32, #tpu.memory_space<vmem>> -> memref<1x1x128xi32, #tpu.memory_space<vmem>>
    %dma_start3A_141 = tpu.memref_squeeze %dma_start3A_140 : memref<1x1x128xi32, #tpu.memory_space<vmem>> -> memref<128xi32, #tpu.memory_space<vmem>>
    %dma_start3A_142 = arith.constant 0 : i32
    %dma_start3A_143 = tpu.memref_slice %arg3[%add3A_137, %dma_start3A_142] : memref<6400x128xi32, #tpu.memory_space<hbm>> -> memref<1x128xi32, #tpu.memory_space<hbm>>
    %dma_start3A_144 = tpu.memref_squeeze %dma_start3A_143 : memref<1x128xi32, #tpu.memory_space<hbm>> -> memref<128xi32, #tpu.memory_space<hbm>>
    %dma_start3A_145 = arith.constant 0 : i32
    %dma_start3A_146 = tpu.memref_slice %arg6[%dma_start3A, %dma_start3A_138, %dma_start3A_145] : memref<2x2x128xi32, #tpu.memory_space<vmem>> -> memref<1x1x128xi32, #tpu.memory_space<vmem>>
    %dma_start3A_147 = tpu.memref_squeeze %dma_start3A_146 : memref<1x1x128xi32, #tpu.memory_space<vmem>> -> memref<128xi32, #tpu.memory_space<vmem>>
    %dma_start3A_148 = arith.constant 0 : i32
    %dma_start3A_149 = tpu.memref_slice %arg3[%add3A_137, %dma_start3A_148] : memref<6400x128xi32, #tpu.memory_space<hbm>> -> memref<1x128xi32, #tpu.memory_space<hbm>>
    %dma_start3A_150 = tpu.memref_squeeze %dma_start3A_149 : memref<1x128xi32, #tpu.memory_space<hbm>> -> memref<128xi32, #tpu.memory_space<hbm>>
    tpu.enqueue_dma source(%dma_start3A_150 : memref<128xi32, #tpu.memory_space<hbm>>) target(%dma_start3A_147 : memref<128xi32, #tpu.memory_space<vmem>>) target_semaphore(%arg10 : memref<!tpu.dma_semaphore, #tpu.memory_space<semaphore_mem>>)
    %add3A_151 = arith.constant 8 : i32
    %add3A_152 = arith.addi %add3A_135, %add3A_151 : i32
    %dma_start3A_153 = arith.constant 0 : i32
    %dma_start3A_154 = arith.constant 1 : i32
    %dma_start3A_155 = arith.constant 0 : i32
    %dma_start3A_156 = tpu.memref_slice %arg6[%dma_start3A_153, %dma_start3A_154, %dma_start3A_155] : memref<2x2x128xi32, #tpu.memory_space<vmem>> -> memref<1x1x128xi32, #tpu.memory_space<vmem>>
    %dma_start3A_157 = tpu.memref_squeeze %dma_start3A_156 : memref<1x1x128xi32, #tpu.memory_space<vmem>> -> memref<128xi32, #tpu.memory_space<vmem>>
    %dma_start3A_158 = arith.constant 0 : i32
    %dma_start3A_159 = tpu.memref_slice %arg3[%add3A_152, %dma_start3A_158] : memref<6400x128xi32, #tpu.memory_space<hbm>> -> memref<1x128xi32, #tpu.memory_space<hbm>>
    %dma_start3A_160 = tpu.memref_squeeze %dma_start3A_159 : memref<1x128xi32, #tpu.memory_space<hbm>> -> memref<128xi32, #tpu.memory_space<hbm>>
    %dma_start3A_161 = arith.constant 0 : i32
    %dma_start3A_162 = tpu.memref_slice %arg6[%dma_start3A_153, %dma_start3A_154, %dma_start3A_161] : memref<2x2x128xi32, #tpu.memory_space<vmem>> -> memref<1x1x128xi32, #tpu.memory_space<vmem>>
    %dma_start3A_163 = tpu.memref_squeeze %dma_start3A_162 : memref<1x1x128xi32, #tpu.memory_space<vmem>> -> memref<128xi32, #tpu.memory_space<vmem>>
    %dma_start3A_164 = arith.constant 0 : i32
    %dma_start3A_165 = tpu.memref_slice %arg3[%add3A_152, %dma_start3A_164] : memref<6400x128xi32, #tpu.memory_space<hbm>> -> memref<1x128xi32, #tpu.memory_space<hbm>>
    %dma_start3A_166 = tpu.memref_squeeze %dma_start3A_165 : memref<1x128xi32, #tpu.memory_space<hbm>> -> memref<128xi32, #tpu.memory_space<hbm>>
    tpu.enqueue_dma source(%dma_start3A_166 : memref<128xi32, #tpu.memory_space<hbm>>) target(%dma_start3A_163 : memref<128xi32, #tpu.memory_space<vmem>>) target_semaphore(%arg10 : memref<!tpu.dma_semaphore, #tpu.memory_space<semaphore_mem>>)
    %dma_wait3A = arith.constant 0 : i32
    %dma_wait3A_167 = arith.constant 0 : i32
    %dma_wait3A_168 = arith.constant 0 : i32
    %dma_wait3A_169 = arith.constant 0 : i32
    %dma_wait3A_170 = tpu.memref_slice %arg6[%dma_wait3A_167, %dma_wait3A_168, %dma_wait3A_169] : memref<2x2x128xi32, #tpu.memory_space<vmem>> -> memref<1x1x128xi32, #tpu.memory_space<vmem>>
    %dma_wait3A_171 = tpu.memref_squeeze %dma_wait3A_170 : memref<1x1x128xi32, #tpu.memory_space<vmem>> -> memref<128xi32, #tpu.memory_space<vmem>>
    %dma_wait3A_172 = arith.constant 0 : i32
    %dma_wait3A_173 = tpu.memref_slice %arg3[%dma_wait3A, %dma_wait3A_172] : memref<6400x128xi32, #tpu.memory_space<hbm>> -> memref<1x128xi32, #tpu.memory_space<hbm>>
    %dma_wait3A_174 = tpu.memref_squeeze %dma_wait3A_173 : memref<1x128xi32, #tpu.memory_space<hbm>> -> memref<128xi32, #tpu.memory_space<hbm>>
    %dma_wait3A_175 = arith.constant 0 : i32
    %dma_wait3A_176 = tpu.memref_slice %arg6[%dma_wait3A_167, %dma_wait3A_168, %dma_wait3A_175] : memref<2x2x128xi32, #tpu.memory_space<vmem>> -> memref<1x1x128xi32, #tpu.memory_space<vmem>>
    %dma_wait3A_177 = tpu.memref_squeeze %dma_wait3A_176 : memref<1x1x128xi32, #tpu.memory_space<vmem>> -> memref<128xi32, #tpu.memory_space<vmem>>
    %dma_wait3A_178 = arith.constant 0 : i32
    %dma_wait3A_179 = tpu.memref_slice %arg3[%dma_wait3A, %dma_wait3A_178] : memref<6400x128xi32, #tpu.memory_space<hbm>> -> memref<1x128xi32, #tpu.memory_space<hbm>>
    %dma_wait3A_180 = tpu.memref_squeeze %dma_wait3A_179 : memref<1x128xi32, #tpu.memory_space<hbm>> -> memref<128xi32, #tpu.memory_space<hbm>>
    tpu.wait_dma2 semaphore(%arg10 : memref<!tpu.dma_semaphore, #tpu.memory_space<semaphore_mem>>) src(%dma_wait3A_180 : memref<128xi32, #tpu.memory_space<hbm>>) dst(%dma_wait3A_177 : memref<128xi32, #tpu.memory_space<vmem>>)
    %dma_wait3A_181 = arith.constant 0 : i32
    %dma_wait3A_182 = arith.constant 0 : i32
    %dma_wait3A_183 = arith.constant 1 : i32
    %dma_wait3A_184 = arith.constant 0 : i32
    %dma_wait3A_185 = tpu.memref_slice %arg6[%dma_wait3A_182, %dma_wait3A_183, %dma_wait3A_184] : memref<2x2x128xi32, #tpu.memory_space<vmem>> -> memref<1x1x128xi32, #tpu.memory_space<vmem>>
    %dma_wait3A_186 = tpu.memref_squeeze %dma_wait3A_185 : memref<1x1x128xi32, #tpu.memory_space<vmem>> -> memref<128xi32, #tpu.memory_space<vmem>>
    %dma_wait3A_187 = arith.constant 0 : i32
    %dma_wait3A_188 = tpu.memref_slice %arg3[%dma_wait3A_181, %dma_wait3A_187] : memref<6400x128xi32, #tpu.memory_space<hbm>> -> memref<1x128xi32, #tpu.memory_space<hbm>>
    %dma_wait3A_189 = tpu.memref_squeeze %dma_wait3A_188 : memref<1x128xi32, #tpu.memory_space<hbm>> -> memref<128xi32, #tpu.memory_space<hbm>>
    %dma_wait3A_190 = arith.constant 0 : i32
    %dma_wait3A_191 = tpu.memref_slice %arg6[%dma_wait3A_182, %dma_wait3A_183, %dma_wait3A_190] : memref<2x2x128xi32, #tpu.memory_space<vmem>> -> memref<1x1x128xi32, #tpu.memory_space<vmem>>
    %dma_wait3A_192 = tpu.memref_squeeze %dma_wait3A_191 : memref<1x1x128xi32, #tpu.memory_space<vmem>> -> memref<128xi32, #tpu.memory_space<vmem>>
    %dma_wait3A_193 = arith.constant 0 : i32
    %dma_wait3A_194 = tpu.memref_slice %arg3[%dma_wait3A_181, %dma_wait3A_193] : memref<6400x128xi32, #tpu.memory_space<hbm>> -> memref<1x128xi32, #tpu.memory_space<hbm>>
    %dma_wait3A_195 = tpu.memref_squeeze %dma_wait3A_194 : memref<1x128xi32, #tpu.memory_space<hbm>> -> memref<128xi32, #tpu.memory_space<hbm>>
    tpu.wait_dma2 semaphore(%arg10 : memref<!tpu.dma_semaphore, #tpu.memory_space<semaphore_mem>>) src(%dma_wait3A_195 : memref<128xi32, #tpu.memory_space<hbm>>) dst(%dma_wait3A_192 : memref<128xi32, #tpu.memory_space<vmem>>)
    %dma_start3A_196 = arith.constant 0 : i32
    %dma_start3A_197 = arith.constant 0 : i32
    %dma_start3A_198 = arith.constant 0 : i32
    %dma_start3A_199 = arith.constant 0 : i32
    %dma_start3A_200 = arith.constant 0 : i32
    %dma_start3A_201 = tpu.memref_slice %arg7[%dma_start3A_198, %dma_start3A_199, %dma_start3A_200] : memref<2x256x128xf32, #tpu.memory_space<vmem>> -> memref<1x128x128xf32, #tpu.memory_space<vmem>>
    %dma_start3A_202 = tpu.memref_squeeze %dma_start3A_201 : memref<1x128x128xf32, #tpu.memory_space<vmem>> -> memref<128x128xf32, #tpu.memory_space<vmem>>
    %dma_start3A_203 = arith.constant 0 : i32
    %dma_start3A_204 = tpu.memref_slice %arg6[%dma_start3A_196, %dma_start3A_197, %dma_start3A_203] : memref<2x2x128xi32, #tpu.memory_space<vmem>> -> memref<1x1x128xi32, #tpu.memory_space<vmem>>
    %dma_start3A_205 = tpu.memref_squeeze %dma_start3A_204 : memref<1x1x128xi32, #tpu.memory_space<vmem>> -> memref<128xi32, #tpu.memory_space<vmem>>
    %dma_start3A_206 = arith.constant 0 : i32
    %dma_start3A_207 = arith.constant 0 : i32
    %dma_start3A_208 = tpu.memref_slice %arg2[%dma_start3A_206, %dma_start3A_207] : memref<1000000x128xf32, #tpu.memory_space<hbm>> -> memref<1000000x128xf32, #tpu.memory_space<hbm>>
    tpu.enqueue_indirect_dma source(%dma_start3A_208 : memref<1000000x128xf32, #tpu.memory_space<hbm>>) target(%dma_start3A_202 : memref<128x128xf32, #tpu.memory_space<vmem>>) offsets(%dma_start3A_205 : memref<128xi32, #tpu.memory_space<vmem>>) semaphore(%arg12 : memref<!tpu.dma_semaphore, #tpu.memory_space<semaphore_mem>>)
    %dma_start3A_209 = arith.constant 0 : i32
    %dma_start3A_210 = arith.constant 1 : i32
    %dma_start3A_211 = arith.constant 0 : i32
    %dma_start3A_212 = arith.constant 128 : i32
    %dma_start3A_213 = arith.constant 0 : i32
    %dma_start3A_214 = tpu.memref_slice %arg7[%dma_start3A_211, %dma_start3A_212, %dma_start3A_213] : memref<2x256x128xf32, #tpu.memory_space<vmem>> -> memref<1x128x128xf32, #tpu.memory_space<vmem>>
    %dma_start3A_215 = tpu.memref_squeeze %dma_start3A_214 : memref<1x128x128xf32, #tpu.memory_space<vmem>> -> memref<128x128xf32, #tpu.memory_space<vmem>>
    %dma_start3A_216 = arith.constant 0 : i32
    %dma_start3A_217 = tpu.memref_slice %arg6[%dma_start3A_209, %dma_start3A_210, %dma_start3A_216] : memref<2x2x128xi32, #tpu.memory_space<vmem>> -> memref<1x1x128xi32, #tpu.memory_space<vmem>>
    %dma_start3A_218 = tpu.memref_squeeze %dma_start3A_217 : memref<1x1x128xi32, #tpu.memory_space<vmem>> -> memref<128xi32, #tpu.memory_space<vmem>>
    %dma_start3A_219 = arith.constant 0 : i32
    %dma_start3A_220 = arith.constant 0 : i32
    %dma_start3A_221 = tpu.memref_slice %arg2[%dma_start3A_219, %dma_start3A_220] : memref<1000000x128xf32, #tpu.memory_space<hbm>> -> memref<1000000x128xf32, #tpu.memory_space<hbm>>
    tpu.enqueue_indirect_dma source(%dma_start3A_221 : memref<1000000x128xf32, #tpu.memory_space<hbm>>) target(%dma_start3A_215 : memref<128x128xf32, #tpu.memory_space<vmem>>) offsets(%dma_start3A_218 : memref<128xi32, #tpu.memory_space<vmem>>) semaphore(%arg12 : memref<!tpu.dma_semaphore, #tpu.memory_space<semaphore_mem>>)
    %mul3A_222 = arith.constant 100 : i32
    %mul3A_223 = arith.muli %select_n3A_67, %mul3A_222 : i32
    %add3A_224 = arith.constant 1 : i32
    %add3A_225 = arith.addi %mul3A_223, %add3A_224 : i32
    %jit3A_226 = arith.constant 8 : i32
    %div3A_227 = arith.divsi %add3A_225, %jit3A_226 : i32
    %sign3A_228 = arith.constant 0 : i32
    %sign3A_229 = arith.cmpi sgt, %add3A_225, %sign3A_228 : i32
    %sign3A_230 = arith.extui %sign3A_229 : i1 to i32
    %sign3A_231 = arith.constant 0 : i32
    %sign3A_232 = arith.cmpi slt, %add3A_225, %sign3A_231 : i32
    %sign3A_233 = arith.extui %sign3A_232 : i1 to i32
    %sign3A_234 = arith.subi %sign3A_230, %sign3A_233 : i32
    %sign3A_235 = arith.constant 0 : i32
    %sign3A_236 = arith.cmpi sgt, %jit3A_226, %sign3A_235 : i32
    %sign3A_237 = arith.extui %sign3A_236 : i1 to i32
    %sign3A_238 = arith.constant 0 : i32
    %sign3A_239 = arith.cmpi slt, %jit3A_226, %sign3A_238 : i32
    %sign3A_240 = arith.extui %sign3A_239 : i1 to i32
    %sign3A_241 = arith.subi %sign3A_237, %sign3A_240 : i32
    %ne3A_242 = arith.cmpi ne, %sign3A_234, %sign3A_241 : i32
    %rem3A_243 = arith.remsi %add3A_225, %jit3A_226 : i32
    %ne3A_244 = arith.constant 0 : i32
    %ne3A_245 = arith.cmpi ne, %rem3A_243, %ne3A_244 : i32
    %and3A_246 = arith.andi %ne3A_242, %ne3A_245 : i1
    %sub3A_247 = arith.constant 1 : i32
    %sub3A_248 = arith.subi %div3A_227, %sub3A_247 : i32
    %select_n3A_249 = arith.select %and3A_246, %sub3A_248, %div3A_227 : i32
    %mul3A_250 = arith.constant 32 : i32
    %mul3A_251 = arith.muli %select_n3A_249, %mul3A_250 : i32
    %add3A_252 = arith.addi %mul3A_251, %mul3A_85 : i32
    %mul3A_253 = arith.constant 8 : i32
    %mul3A_254 = arith.muli %add3A_252, %mul3A_253 : i32
    %jit3A_255 = arith.constant 8 : i32
    %eq3A_256 = arith.constant 0 : i32
    %eq3A_257 = arith.cmpi eq, %jit3A_255, %eq3A_256 : i32
    %jit3A_258 = arith.constant 1 : i32
    %select_n3A_259 = arith.select %eq3A_257, %jit3A_258, %jit3A_255 : i32
    %rem3A_260 = arith.remsi %add3A_225, %select_n3A_259 : i32
    %ne3A_261 = arith.constant 0 : i32
    %ne3A_262 = arith.cmpi ne, %rem3A_260, %ne3A_261 : i32
    %lt3A_263 = arith.constant 0 : i32
    %lt3A_264 = arith.cmpi slt, %rem3A_260, %lt3A_263 : i32
    %lt3A_265 = arith.constant 0 : i32
    %lt3A_266 = arith.cmpi slt, %select_n3A_259, %lt3A_265 : i32
    %ne3A_267 = arith.xori %lt3A_264, %lt3A_266 : i1
    %and3A_268 = arith.andi %ne3A_267, %ne3A_262 : i1
    %add3A_269 = arith.addi %rem3A_260, %select_n3A_259 : i32
    %select_n3A_270 = arith.select %and3A_268, %add3A_269, %rem3A_260 : i32
    %add3A_271 = arith.addi %mul3A_254, %select_n3A_270 : i32
    %add3A_272 = arith.constant 0 : i32
    %add3A_273 = arith.addi %add3A_271, %add3A_272 : i32
    %dma_start3A_274 = arith.constant 1 : i32
    %dma_start3A_275 = arith.constant 0 : i32
    %dma_start3A_276 = arith.constant 0 : i32
    %dma_start3A_277 = tpu.memref_slice %arg6[%dma_start3A_274, %dma_start3A_275, %dma_start3A_276] : memref<2x2x128xi32, #tpu.memory_space<vmem>> -> memref<1x1x128xi32, #tpu.memory_space<vmem>>
    %dma_start3A_278 = tpu.memref_squeeze %dma_start3A_277 : memref<1x1x128xi32, #tpu.memory_space<vmem>> -> memref<128xi32, #tpu.memory_space<vmem>>
    %dma_start3A_279 = arith.constant 0 : i32
    %dma_start3A_280 = tpu.memref_slice %arg3[%add3A_273, %dma_start3A_279] : memref<6400x128xi32, #tpu.memory_space<hbm>> -> memref<1x128xi32, #tpu.memory_space<hbm>>
    %dma_start3A_281 = tpu.memref_squeeze %dma_start3A_280 : memref<1x128xi32, #tpu.memory_space<hbm>> -> memref<128xi32, #tpu.memory_space<hbm>>
    %dma_start3A_282 = arith.constant 0 : i32
    %dma_start3A_283 = tpu.memref_slice %arg6[%dma_start3A_274, %dma_start3A_275, %dma_start3A_282] : memref<2x2x128xi32, #tpu.memory_space<vmem>> -> memref<1x1x128xi32, #tpu.memory_space<vmem>>
    %dma_start3A_284 = tpu.memref_squeeze %dma_start3A_283 : memref<1x1x128xi32, #tpu.memory_space<vmem>> -> memref<128xi32, #tpu.memory_space<vmem>>
    %dma_start3A_285 = arith.constant 0 : i32
    %dma_start3A_286 = tpu.memref_slice %arg3[%add3A_273, %dma_start3A_285] : memref<6400x128xi32, #tpu.memory_space<hbm>> -> memref<1x128xi32, #tpu.memory_space<hbm>>
    %dma_start3A_287 = tpu.memref_squeeze %dma_start3A_286 : memref<1x128xi32, #tpu.memory_space<hbm>> -> memref<128xi32, #tpu.memory_space<hbm>>
    tpu.enqueue_dma source(%dma_start3A_287 : memref<128xi32, #tpu.memory_space<hbm>>) target(%dma_start3A_284 : memref<128xi32, #tpu.memory_space<vmem>>) target_semaphore(%arg11 : memref<!tpu.dma_semaphore, #tpu.memory_space<semaphore_mem>>)
    %add3A_288 = arith.constant 8 : i32
    %add3A_289 = arith.addi %add3A_271, %add3A_288 : i32
    %dma_start3A_290 = arith.constant 1 : i32
    %dma_start3A_291 = arith.constant 1 : i32
    %dma_start3A_292 = arith.constant 0 : i32
    %dma_start3A_293 = tpu.memref_slice %arg6[%dma_start3A_290, %dma_start3A_291, %dma_start3A_292] : memref<2x2x128xi32, #tpu.memory_space<vmem>> -> memref<1x1x128xi32, #tpu.memory_space<vmem>>
    %dma_start3A_294 = tpu.memref_squeeze %dma_start3A_293 : memref<1x1x128xi32, #tpu.memory_space<vmem>> -> memref<128xi32, #tpu.memory_space<vmem>>
    %dma_start3A_295 = arith.constant 0 : i32
    %dma_start3A_296 = tpu.memref_slice %arg3[%add3A_289, %dma_start3A_295] : memref<6400x128xi32, #tpu.memory_space<hbm>> -> memref<1x128xi32, #tpu.memory_space<hbm>>
    %dma_start3A_297 = tpu.memref_squeeze %dma_start3A_296 : memref<1x128xi32, #tpu.memory_space<hbm>> -> memref<128xi32, #tpu.memory_space<hbm>>
    %dma_start3A_298 = arith.constant 0 : i32
    %dma_start3A_299 = tpu.memref_slice %arg6[%dma_start3A_290, %dma_start3A_291, %dma_start3A_298] : memref<2x2x128xi32, #tpu.memory_space<vmem>> -> memref<1x1x128xi32, #tpu.memory_space<vmem>>
    %dma_start3A_300 = tpu.memref_squeeze %dma_start3A_299 : memref<1x1x128xi32, #tpu.memory_space<vmem>> -> memref<128xi32, #tpu.memory_space<vmem>>
    %dma_start3A_301 = arith.constant 0 : i32
    %dma_start3A_302 = tpu.memref_slice %arg3[%add3A_289, %dma_start3A_301] : memref<6400x128xi32, #tpu.memory_space<hbm>> -> memref<1x128xi32, #tpu.memory_space<hbm>>
    %dma_start3A_303 = tpu.memref_squeeze %dma_start3A_302 : memref<1x128xi32, #tpu.memory_space<hbm>> -> memref<128xi32, #tpu.memory_space<hbm>>
    tpu.enqueue_dma source(%dma_start3A_303 : memref<128xi32, #tpu.memory_space<hbm>>) target(%dma_start3A_300 : memref<128xi32, #tpu.memory_space<vmem>>) target_semaphore(%arg11 : memref<!tpu.dma_semaphore, #tpu.memory_space<semaphore_mem>>)
    %scan3A = arith.constant 0 : i32
    %scan3A_304 = arith.constant 0 : i32
    %scan3A_305 = arith.constant 50 : i32
    %scan3A_306 = arith.addi %scan3A_304, %scan3A_305 : i32
    %scan3A_307 = arith.constant 1 : i32
    scf.for %scan3A_450 = %scan3A_304 to %scan3A_306 step %scan3A_307  : i32 {
      %mul3A_451 = arith.constant 2 : i32
      %mul3A_452 = arith.muli %mul3A_451, %scan3A_450 : i32
      %dma_wait3A_453 = arith.constant 0 : i32
      %dma_wait3A_454 = arith.constant 1 : i32
      %dma_wait3A_455 = arith.constant 0 : i32
      %dma_wait3A_456 = arith.constant 0 : i32
      %dma_wait3A_457 = tpu.memref_slice %arg6[%dma_wait3A_454, %dma_wait3A_455, %dma_wait3A_456] : memref<2x2x128xi32, #tpu.memory_space<vmem>> -> memref<1x1x128xi32, #tpu.memory_space<vmem>>
      %dma_wait3A_458 = tpu.memref_squeeze %dma_wait3A_457 : memref<1x1x128xi32, #tpu.memory_space<vmem>> -> memref<128xi32, #tpu.memory_space<vmem>>
      %dma_wait3A_459 = arith.constant 0 : i32
      %dma_wait3A_460 = tpu.memref_slice %arg3[%dma_wait3A_453, %dma_wait3A_459] : memref<6400x128xi32, #tpu.memory_space<hbm>> -> memref<1x128xi32, #tpu.memory_space<hbm>>
      %dma_wait3A_461 = tpu.memref_squeeze %dma_wait3A_460 : memref<1x128xi32, #tpu.memory_space<hbm>> -> memref<128xi32, #tpu.memory_space<hbm>>
      %dma_wait3A_462 = arith.constant 0 : i32
      %dma_wait3A_463 = tpu.memref_slice %arg6[%dma_wait3A_454, %dma_wait3A_455, %dma_wait3A_462] : memref<2x2x128xi32, #tpu.memory_space<vmem>> -> memref<1x1x128xi32, #tpu.memory_space<vmem>>
      %dma_wait3A_464 = tpu.memref_squeeze %dma_wait3A_463 : memref<1x1x128xi32, #tpu.memory_space<vmem>> -> memref<128xi32, #tpu.memory_space<vmem>>
      %dma_wait3A_465 = arith.constant 0 : i32
      %dma_wait3A_466 = tpu.memref_slice %arg3[%dma_wait3A_453, %dma_wait3A_465] : memref<6400x128xi32, #tpu.memory_space<hbm>> -> memref<1x128xi32, #tpu.memory_space<hbm>>
      %dma_wait3A_467 = tpu.memref_squeeze %dma_wait3A_466 : memref<1x128xi32, #tpu.memory_space<hbm>> -> memref<128xi32, #tpu.memory_space<hbm>>
      tpu.wait_dma2 semaphore(%arg11 : memref<!tpu.dma_semaphore, #tpu.memory_space<semaphore_mem>>) src(%dma_wait3A_467 : memref<128xi32, #tpu.memory_space<hbm>>) dst(%dma_wait3A_464 : memref<128xi32, #tpu.memory_space<vmem>>)
      %dma_wait3A_468 = arith.constant 0 : i32
      %dma_wait3A_469 = arith.constant 1 : i32
      %dma_wait3A_470 = arith.constant 1 : i32
      %dma_wait3A_471 = arith.constant 0 : i32
      %dma_wait3A_472 = tpu.memref_slice %arg6[%dma_wait3A_469, %dma_wait3A_470, %dma_wait3A_471] : memref<2x2x128xi32, #tpu.memory_space<vmem>> -> memref<1x1x128xi32, #tpu.memory_space<vmem>>
      %dma_wait3A_473 = tpu.memref_squeeze %dma_wait3A_472 : memref<1x1x128xi32, #tpu.memory_space<vmem>> -> memref<128xi32, #tpu.memory_space<vmem>>
      %dma_wait3A_474 = arith.constant 0 : i32
      %dma_wait3A_475 = tpu.memref_slice %arg3[%dma_wait3A_468, %dma_wait3A_474] : memref<6400x128xi32, #tpu.memory_space<hbm>> -> memref<1x128xi32, #tpu.memory_space<hbm>>
      %dma_wait3A_476 = tpu.memref_squeeze %dma_wait3A_475 : memref<1x128xi32, #tpu.memory_space<hbm>> -> memref<128xi32, #tpu.memory_space<hbm>>
      %dma_wait3A_477 = arith.constant 0 : i32
      %dma_wait3A_478 = tpu.memref_slice %arg6[%dma_wait3A_469, %dma_wait3A_470, %dma_wait3A_477] : memref<2x2x128xi32, #tpu.memory_space<vmem>> -> memref<1x1x128xi32, #tpu.memory_space<vmem>>
      %dma_wait3A_479 = tpu.memref_squeeze %dma_wait3A_478 : memref<1x1x128xi32, #tpu.memory_space<vmem>> -> memref<128xi32, #tpu.memory_space<vmem>>
      %dma_wait3A_480 = arith.constant 0 : i32
      %dma_wait3A_481 = tpu.memref_slice %arg3[%dma_wait3A_468, %dma_wait3A_480] : memref<6400x128xi32, #tpu.memory_space<hbm>> -> memref<1x128xi32, #tpu.memory_space<hbm>>
      %dma_wait3A_482 = tpu.memref_squeeze %dma_wait3A_481 : memref<1x128xi32, #tpu.memory_space<hbm>> -> memref<128xi32, #tpu.memory_space<hbm>>
      tpu.wait_dma2 semaphore(%arg11 : memref<!tpu.dma_semaphore, #tpu.memory_space<semaphore_mem>>) src(%dma_wait3A_482 : memref<128xi32, #tpu.memory_space<hbm>>) dst(%dma_wait3A_479 : memref<128xi32, #tpu.memory_space<vmem>>)
      %dma_start3A_483 = arith.constant 1 : i32
      %dma_start3A_484 = arith.constant 0 : i32
      %dma_start3A_485 = arith.constant 1 : i32
      %dma_start3A_486 = arith.constant 0 : i32
      %dma_start3A_487 = arith.constant 0 : i32
      %dma_start3A_488 = tpu.memref_slice %arg7[%dma_start3A_485, %dma_start3A_486, %dma_start3A_487] : memref<2x256x128xf32, #tpu.memory_space<vmem>> -> memref<1x128x128xf32, #tpu.memory_space<vmem>>
      %dma_start3A_489 = tpu.memref_squeeze %dma_start3A_488 : memref<1x128x128xf32, #tpu.memory_space<vmem>> -> memref<128x128xf32, #tpu.memory_space<vmem>>
      %dma_start3A_490 = arith.constant 0 : i32
      %dma_start3A_491 = tpu.memref_slice %arg6[%dma_start3A_483, %dma_start3A_484, %dma_start3A_490] : memref<2x2x128xi32, #tpu.memory_space<vmem>> -> memref<1x1x128xi32, #tpu.memory_space<vmem>>
      %dma_start3A_492 = tpu.memref_squeeze %dma_start3A_491 : memref<1x1x128xi32, #tpu.memory_space<vmem>> -> memref<128xi32, #tpu.memory_space<vmem>>
      %dma_start3A_493 = arith.constant 0 : i32
      %dma_start3A_494 = arith.constant 0 : i32
      %dma_start3A_495 = tpu.memref_slice %arg2[%dma_start3A_493, %dma_start3A_494] : memref<1000000x128xf32, #tpu.memory_space<hbm>> -> memref<1000000x128xf32, #tpu.memory_space<hbm>>
      tpu.enqueue_indirect_dma source(%dma_start3A_495 : memref<1000000x128xf32, #tpu.memory_space<hbm>>) target(%dma_start3A_489 : memref<128x128xf32, #tpu.memory_space<vmem>>) offsets(%dma_start3A_492 : memref<128xi32, #tpu.memory_space<vmem>>) semaphore(%arg13 : memref<!tpu.dma_semaphore, #tpu.memory_space<semaphore_mem>>)
      %dma_start3A_496 = arith.constant 1 : i32
      %dma_start3A_497 = arith.constant 1 : i32
      %dma_start3A_498 = arith.constant 1 : i32
      %dma_start3A_499 = arith.constant 128 : i32
      %dma_start3A_500 = arith.constant 0 : i32
      %dma_start3A_501 = tpu.memref_slice %arg7[%dma_start3A_498, %dma_start3A_499, %dma_start3A_500] : memref<2x256x128xf32, #tpu.memory_space<vmem>> -> memref<1x128x128xf32, #tpu.memory_space<vmem>>
      %dma_start3A_502 = tpu.memref_squeeze %dma_start3A_501 : memref<1x128x128xf32, #tpu.memory_space<vmem>> -> memref<128x128xf32, #tpu.memory_space<vmem>>
      %dma_start3A_503 = arith.constant 0 : i32
      %dma_start3A_504 = tpu.memref_slice %arg6[%dma_start3A_496, %dma_start3A_497, %dma_start3A_503] : memref<2x2x128xi32, #tpu.memory_space<vmem>> -> memref<1x1x128xi32, #tpu.memory_space<vmem>>
      %dma_start3A_505 = tpu.memref_squeeze %dma_start3A_504 : memref<1x1x128xi32, #tpu.memory_space<vmem>> -> memref<128xi32, #tpu.memory_space<vmem>>
      %dma_start3A_506 = arith.constant 0 : i32
      %dma_start3A_507 = arith.constant 0 : i32
      %dma_start3A_508 = tpu.memref_slice %arg2[%dma_start3A_506, %dma_start3A_507] : memref<1000000x128xf32, #tpu.memory_space<hbm>> -> memref<1000000x128xf32, #tpu.memory_space<hbm>>
      tpu.enqueue_indirect_dma source(%dma_start3A_508 : memref<1000000x128xf32, #tpu.memory_space<hbm>>) target(%dma_start3A_502 : memref<128x128xf32, #tpu.memory_space<vmem>>) offsets(%dma_start3A_505 : memref<128xi32, #tpu.memory_space<vmem>>) semaphore(%arg13 : memref<!tpu.dma_semaphore, #tpu.memory_space<semaphore_mem>>)
      %dma_wait3A_509 = arith.constant 0 : i32
      %dma_wait3A_510 = arith.constant 0 : i32
      %dma_wait3A_511 = arith.constant 0 : i32
      %dma_wait3A_512 = tpu.memref_slice %arg7[%dma_wait3A_509, %dma_wait3A_510, %dma_wait3A_511] : memref<2x256x128xf32, #tpu.memory_space<vmem>> -> memref<1x256x128xf32, #tpu.memory_space<vmem>>
      %dma_wait3A_513 = tpu.memref_squeeze %dma_wait3A_512 : memref<1x256x128xf32, #tpu.memory_space<vmem>> -> memref<256x128xf32, #tpu.memory_space<vmem>>
      %dma_wait3A_514 = arith.constant 0 : i32
      %dma_wait3A_515 = arith.constant 0 : i32
      %dma_wait3A_516 = tpu.memref_slice %arg2[%dma_wait3A_514, %dma_wait3A_515] : memref<1000000x128xf32, #tpu.memory_space<hbm>> -> memref<256x128xf32, #tpu.memory_space<hbm>>
      %dma_wait3A_517 = arith.constant 0 : i32
      %dma_wait3A_518 = arith.constant 0 : i32
      %dma_wait3A_519 = tpu.memref_slice %arg7[%dma_wait3A_509, %dma_wait3A_517, %dma_wait3A_518] : memref<2x256x128xf32, #tpu.memory_space<vmem>> -> memref<1x256x128xf32, #tpu.memory_space<vmem>>
      %dma_wait3A_520 = tpu.memref_squeeze %dma_wait3A_519 : memref<1x256x128xf32, #tpu.memory_space<vmem>> -> memref<256x128xf32, #tpu.memory_space<vmem>>
      %dma_wait3A_521 = arith.constant 0 : i32
      %dma_wait3A_522 = arith.constant 0 : i32
      %dma_wait3A_523 = tpu.memref_slice %arg2[%dma_wait3A_521, %dma_wait3A_522] : memref<1000000x128xf32, #tpu.memory_space<hbm>> -> memref<256x128xf32, #tpu.memory_space<hbm>>
      tpu.wait_dma2 semaphore(%arg12 : memref<!tpu.dma_semaphore, #tpu.memory_space<semaphore_mem>>) src(%dma_wait3A_523 : memref<256x128xf32, #tpu.memory_space<hbm>>) dst(%dma_wait3A_520 : memref<256x128xf32, #tpu.memory_space<vmem>>)
      %add3A_524 = arith.constant 2 : i32
      %add3A_525 = arith.addi %mul3A_452, %add3A_524 : i32
      %rem3A_526 = arith.constant 100 : i32
      %rem3A_527 = arith.remsi %add3A_525, %rem3A_526 : i32
      %mul3A_528 = arith.constant 100 : i32
      %mul3A_529 = arith.muli %select_n3A_67, %mul3A_528 : i32
      %add3A_530 = arith.addi %mul3A_529, %rem3A_527 : i32
      %jit3A_531 = arith.constant 8 : i32
      %div3A_532 = arith.divsi %add3A_530, %jit3A_531 : i32
      %sign3A_533 = arith.constant 0 : i32
      %sign3A_534 = arith.cmpi sgt, %add3A_530, %sign3A_533 : i32
      %sign3A_535 = arith.extui %sign3A_534 : i1 to i32
      %sign3A_536 = arith.constant 0 : i32
      %sign3A_537 = arith.cmpi slt, %add3A_530, %sign3A_536 : i32
      %sign3A_538 = arith.extui %sign3A_537 : i1 to i32
      %sign3A_539 = arith.subi %sign3A_535, %sign3A_538 : i32
      %sign3A_540 = arith.constant 0 : i32
      %sign3A_541 = arith.cmpi sgt, %jit3A_531, %sign3A_540 : i32
      %sign3A_542 = arith.extui %sign3A_541 : i1 to i32
      %sign3A_543 = arith.constant 0 : i32
      %sign3A_544 = arith.cmpi slt, %jit3A_531, %sign3A_543 : i32
      %sign3A_545 = arith.extui %sign3A_544 : i1 to i32
      %sign3A_546 = arith.subi %sign3A_542, %sign3A_545 : i32
      %ne3A_547 = arith.cmpi ne, %sign3A_539, %sign3A_546 : i32
      %rem3A_548 = arith.remsi %add3A_530, %jit3A_531 : i32
      %ne3A_549 = arith.constant 0 : i32
      %ne3A_550 = arith.cmpi ne, %rem3A_548, %ne3A_549 : i32
      %and3A_551 = arith.andi %ne3A_547, %ne3A_550 : i1
      %sub3A_552 = arith.constant 1 : i32
      %sub3A_553 = arith.subi %div3A_532, %sub3A_552 : i32
      %select_n3A_554 = arith.select %and3A_551, %sub3A_553, %div3A_532 : i32
      %mul3A_555 = arith.constant 32 : i32
      %mul3A_556 = arith.muli %select_n3A_554, %mul3A_555 : i32
      %add3A_557 = arith.addi %mul3A_556, %mul3A_85 : i32
      %mul3A_558 = arith.constant 8 : i32
      %mul3A_559 = arith.muli %add3A_557, %mul3A_558 : i32
      %jit3A_560 = arith.constant 8 : i32
      %eq3A_561 = arith.constant 0 : i32
      %eq3A_562 = arith.cmpi eq, %jit3A_560, %eq3A_561 : i32
      %jit3A_563 = arith.constant 1 : i32
      %select_n3A_564 = arith.select %eq3A_562, %jit3A_563, %jit3A_560 : i32
      %rem3A_565 = arith.remsi %add3A_530, %select_n3A_564 : i32
      %ne3A_566 = arith.constant 0 : i32
      %ne3A_567 = arith.cmpi ne, %rem3A_565, %ne3A_566 : i32
      %lt3A_568 = arith.constant 0 : i32
      %lt3A_569 = arith.cmpi slt, %rem3A_565, %lt3A_568 : i32
      %lt3A_570 = arith.constant 0 : i32
      %lt3A_571 = arith.cmpi slt, %select_n3A_564, %lt3A_570 : i32
      %ne3A_572 = arith.xori %lt3A_569, %lt3A_571 : i1
      %and3A_573 = arith.andi %ne3A_572, %ne3A_567 : i1
      %add3A_574 = arith.addi %rem3A_565, %select_n3A_564 : i32
      %select_n3A_575 = arith.select %and3A_573, %add3A_574, %rem3A_565 : i32
      %add3A_576 = arith.addi %mul3A_559, %select_n3A_575 : i32
      %add3A_577 = arith.constant 0 : i32
      %add3A_578 = arith.addi %add3A_576, %add3A_577 : i32
      %dma_start3A_579 = arith.constant 0 : i32
      %dma_start3A_580 = arith.constant 0 : i32
      %dma_start3A_581 = arith.constant 0 : i32
      %dma_start3A_582 = tpu.memref_slice %arg6[%dma_start3A_579, %dma_start3A_580, %dma_start3A_581] : memref<2x2x128xi32, #tpu.memory_space<vmem>> -> memref<1x1x128xi32, #tpu.memory_space<vmem>>
      %dma_start3A_583 = tpu.memref_squeeze %dma_start3A_582 : memref<1x1x128xi32, #tpu.memory_space<vmem>> -> memref<128xi32, #tpu.memory_space<vmem>>
      %dma_start3A_584 = arith.constant 0 : i32
      %dma_start3A_585 = tpu.memref_slice %arg3[%add3A_578, %dma_start3A_584] : memref<6400x128xi32, #tpu.memory_space<hbm>> -> memref<1x128xi32, #tpu.memory_space<hbm>>
      %dma_start3A_586 = tpu.memref_squeeze %dma_start3A_585 : memref<1x128xi32, #tpu.memory_space<hbm>> -> memref<128xi32, #tpu.memory_space<hbm>>
      %dma_start3A_587 = arith.constant 0 : i32
      %dma_start3A_588 = tpu.memref_slice %arg6[%dma_start3A_579, %dma_start3A_580, %dma_start3A_587] : memref<2x2x128xi32, #tpu.memory_space<vmem>> -> memref<1x1x128xi32, #tpu.memory_space<vmem>>
      %dma_start3A_589 = tpu.memref_squeeze %dma_start3A_588 : memref<1x1x128xi32, #tpu.memory_space<vmem>> -> memref<128xi32, #tpu.memory_space<vmem>>
      %dma_start3A_590 = arith.constant 0 : i32
      %dma_start3A_591 = tpu.memref_slice %arg3[%add3A_578, %dma_start3A_590] : memref<6400x128xi32, #tpu.memory_space<hbm>> -> memref<1x128xi32, #tpu.memory_space<hbm>>
      %dma_start3A_592 = tpu.memref_squeeze %dma_start3A_591 : memref<1x128xi32, #tpu.memory_space<hbm>> -> memref<128xi32, #tpu.memory_space<hbm>>
      tpu.enqueue_dma source(%dma_start3A_592 : memref<128xi32, #tpu.memory_space<hbm>>) target(%dma_start3A_589 : memref<128xi32, #tpu.memory_space<vmem>>) target_semaphore(%arg10 : memref<!tpu.dma_semaphore, #tpu.memory_space<semaphore_mem>>)
      %add3A_593 = arith.constant 8 : i32
      %add3A_594 = arith.addi %add3A_576, %add3A_593 : i32
      %dma_start3A_595 = arith.constant 0 : i32
      %dma_start3A_596 = arith.constant 1 : i32
      %dma_start3A_597 = arith.constant 0 : i32
      %dma_start3A_598 = tpu.memref_slice %arg6[%dma_start3A_595, %dma_start3A_596, %dma_start3A_597] : memref<2x2x128xi32, #tpu.memory_space<vmem>> -> memref<1x1x128xi32, #tpu.memory_space<vmem>>
      %dma_start3A_599 = tpu.memref_squeeze %dma_start3A_598 : memref<1x1x128xi32, #tpu.memory_space<vmem>> -> memref<128xi32, #tpu.memory_space<vmem>>
      %dma_start3A_600 = arith.constant 0 : i32
      %dma_start3A_601 = tpu.memref_slice %arg3[%add3A_594, %dma_start3A_600] : memref<6400x128xi32, #tpu.memory_space<hbm>> -> memref<1x128xi32, #tpu.memory_space<hbm>>
      %dma_start3A_602 = tpu.memref_squeeze %dma_start3A_601 : memref<1x128xi32, #tpu.memory_space<hbm>> -> memref<128xi32, #tpu.memory_space<hbm>>
      %dma_start3A_603 = arith.constant 0 : i32
      %dma_start3A_604 = tpu.memref_slice %arg6[%dma_start3A_595, %dma_start3A_596, %dma_start3A_603] : memref<2x2x128xi32, #tpu.memory_space<vmem>> -> memref<1x1x128xi32, #tpu.memory_space<vmem>>
      %dma_start3A_605 = tpu.memref_squeeze %dma_start3A_604 : memref<1x1x128xi32, #tpu.memory_space<vmem>> -> memref<128xi32, #tpu.memory_space<vmem>>
      %dma_start3A_606 = arith.constant 0 : i32
      %dma_start3A_607 = tpu.memref_slice %arg3[%add3A_594, %dma_start3A_606] : memref<6400x128xi32, #tpu.memory_space<hbm>> -> memref<1x128xi32, #tpu.memory_space<hbm>>
      %dma_start3A_608 = tpu.memref_squeeze %dma_start3A_607 : memref<1x128xi32, #tpu.memory_space<hbm>> -> memref<128xi32, #tpu.memory_space<hbm>>
      tpu.enqueue_dma source(%dma_start3A_608 : memref<128xi32, #tpu.memory_space<hbm>>) target(%dma_start3A_605 : memref<128xi32, #tpu.memory_space<vmem>>) target_semaphore(%arg10 : memref<!tpu.dma_semaphore, #tpu.memory_space<semaphore_mem>>)
      %gt3A = arith.constant 0 : i32
      %gt3A_609 = arith.cmpi sgt, %mul3A_452, %gt3A : i32
      %convert_element_type3A = arith.extui %gt3A_609 : i1 to i32
      %cond3A = arith.constant 0 : i32
      %cond3A_610 = arith.cmpi ne, %convert_element_type3A, %cond3A : i32
      scf.if %cond3A_610 {
        %dma_wait3A_1118 = arith.constant 0 : i32
        %dma_wait3A_1119 = arith.constant 0 : i32
        %dma_wait3A_1120 = tpu.memref_slice %arg8[%dma_wait3A_1118, %dma_wait3A_1119] : memref<192x129xf32, #tpu.memory_space<vmem>> -> memref<16x128xf32, #tpu.memory_space<vmem>>
        %dma_wait3A_1121 = arith.constant 0 : i32
        %dma_wait3A_1122 = arith.constant 0 : i32
        %dma_wait3A_1123 = tpu.memref_slice %arg5[%dma_wait3A_1121, %dma_wait3A_1122] : memref<409600x128xf32, #tpu.memory_space<hbm>> -> memref<16x128xf32, #tpu.memory_space<hbm>>
        %dma_wait3A_1124 = arith.constant 0 : i32
        %dma_wait3A_1125 = arith.constant 0 : i32
        %dma_wait3A_1126 = tpu.memref_slice %arg8[%dma_wait3A_1124, %dma_wait3A_1125] : memref<192x129xf32, #tpu.memory_space<vmem>> -> memref<16x128xf32, #tpu.memory_space<vmem>>
        %dma_wait3A_1127 = arith.constant 0 : i32
        %dma_wait3A_1128 = arith.constant 0 : i32
        %dma_wait3A_1129 = tpu.memref_slice %arg5[%dma_wait3A_1127, %dma_wait3A_1128] : memref<409600x128xf32, #tpu.memory_space<hbm>> -> memref<16x128xf32, #tpu.memory_space<hbm>>
        tpu.wait_dma2 semaphore(%arg14 : memref<!tpu.dma_semaphore, #tpu.memory_space<semaphore_mem>>) src(%dma_wait3A_1129 : memref<16x128xf32, #tpu.memory_space<hbm>>) dst(%dma_wait3A_1126 : memref<16x128xf32, #tpu.memory_space<vmem>>)
        %dma_wait3A_1130 = arith.constant 24 : i32
        %dma_wait3A_1131 = arith.constant 0 : i32
        %dma_wait3A_1132 = tpu.memref_slice %arg8[%dma_wait3A_1130, %dma_wait3A_1131] : memref<192x129xf32, #tpu.memory_space<vmem>> -> memref<16x128xf32, #tpu.memory_space<vmem>>
        %dma_wait3A_1133 = arith.constant 0 : i32
        %dma_wait3A_1134 = arith.constant 0 : i32
        %dma_wait3A_1135 = tpu.memref_slice %arg5[%dma_wait3A_1133, %dma_wait3A_1134] : memref<409600x128xf32, #tpu.memory_space<hbm>> -> memref<16x128xf32, #tpu.memory_space<hbm>>
        %dma_wait3A_1136 = arith.constant 24 : i32
        %dma_wait3A_1137 = arith.constant 0 : i32
        %dma_wait3A_1138 = tpu.memref_slice %arg8[%dma_wait3A_1136, %dma_wait3A_1137] : memref<192x129xf32, #tpu.memory_space<vmem>> -> memref<16x128xf32, #tpu.memory_space<vmem>>
        %dma_wait3A_1139 = arith.constant 0 : i32
        %dma_wait3A_1140 = arith.constant 0 : i32
        %dma_wait3A_1141 = tpu.memref_slice %arg5[%dma_wait3A_1139, %dma_wait3A_1140] : memref<409600x128xf32, #tpu.memory_space<hbm>> -> memref<16x128xf32, #tpu.memory_space<hbm>>
        tpu.wait_dma2 semaphore(%arg14 : memref<!tpu.dma_semaphore, #tpu.memory_space<semaphore_mem>>) src(%dma_wait3A_1141 : memref<16x128xf32, #tpu.memory_space<hbm>>) dst(%dma_wait3A_1138 : memref<16x128xf32, #tpu.memory_space<vmem>>)
        %dma_wait3A_1142 = arith.constant 48 : i32
        %dma_wait3A_1143 = arith.constant 0 : i32
        %dma_wait3A_1144 = tpu.memref_slice %arg8[%dma_wait3A_1142, %dma_wait3A_1143] : memref<192x129xf32, #tpu.memory_space<vmem>> -> memref<16x128xf32, #tpu.memory_space<vmem>>
        %dma_wait3A_1145 = arith.constant 0 : i32
        %dma_wait3A_1146 = arith.constant 0 : i32
        %dma_wait3A_1147 = tpu.memref_slice %arg5[%dma_wait3A_1145, %dma_wait3A_1146] : memref<409600x128xf32, #tpu.memory_space<hbm>> -> memref<16x128xf32, #tpu.memory_space<hbm>>
        %dma_wait3A_1148 = arith.constant 48 : i32
        %dma_wait3A_1149 = arith.constant 0 : i32
        %dma_wait3A_1150 = tpu.memref_slice %arg8[%dma_wait3A_1148, %dma_wait3A_1149] : memref<192x129xf32, #tpu.memory_space<vmem>> -> memref<16x128xf32, #tpu.memory_space<vmem>>
        %dma_wait3A_1151 = arith.constant 0 : i32
        %dma_wait3A_1152 = arith.constant 0 : i32
        %dma_wait3A_1153 = tpu.memref_slice %arg5[%dma_wait3A_1151, %dma_wait3A_1152] : memref<409600x128xf32, #tpu.memory_space<hbm>> -> memref<16x128xf32, #tpu.memory_space<hbm>>
        tpu.wait_dma2 semaphore(%arg14 : memref<!tpu.dma_semaphore, #tpu.memory_space<semaphore_mem>>) src(%dma_wait3A_1153 : memref<16x128xf32, #tpu.memory_space<hbm>>) dst(%dma_wait3A_1150 : memref<16x128xf32, #tpu.memory_space<vmem>>)
        %dma_wait3A_1154 = arith.constant 72 : i32
        %dma_wait3A_1155 = arith.constant 0 : i32
        %dma_wait3A_1156 = tpu.memref_slice %arg8[%dma_wait3A_1154, %dma_wait3A_1155] : memref<192x129xf32, #tpu.memory_space<vmem>> -> memref<16x128xf32, #tpu.memory_space<vmem>>
        %dma_wait3A_1157 = arith.constant 0 : i32
        %dma_wait3A_1158 = arith.constant 0 : i32
        %dma_wait3A_1159 = tpu.memref_slice %arg5[%dma_wait3A_1157, %dma_wait3A_1158] : memref<409600x128xf32, #tpu.memory_space<hbm>> -> memref<16x128xf32, #tpu.memory_space<hbm>>
        %dma_wait3A_1160 = arith.constant 72 : i32
        %dma_wait3A_1161 = arith.constant 0 : i32
        %dma_wait3A_1162 = tpu.memref_slice %arg8[%dma_wait3A_1160, %dma_wait3A_1161] : memref<192x129xf32, #tpu.memory_space<vmem>> -> memref<16x128xf32, #tpu.memory_space<vmem>>
        %dma_wait3A_1163 = arith.constant 0 : i32
        %dma_wait3A_1164 = arith.constant 0 : i32
        %dma_wait3A_1165 = tpu.memref_slice %arg5[%dma_wait3A_1163, %dma_wait3A_1164] : memref<409600x128xf32, #tpu.memory_space<hbm>> -> memref<16x128xf32, #tpu.memory_space<hbm>>
        tpu.wait_dma2 semaphore(%arg14 : memref<!tpu.dma_semaphore, #tpu.memory_space<semaphore_mem>>) src(%dma_wait3A_1165 : memref<16x128xf32, #tpu.memory_space<hbm>>) dst(%dma_wait3A_1162 : memref<16x128xf32, #tpu.memory_space<vmem>>)
        %dma_wait3A_1166 = arith.constant 96 : i32
        %dma_wait3A_1167 = arith.constant 0 : i32
        %dma_wait3A_1168 = tpu.memref_slice %arg8[%dma_wait3A_1166, %dma_wait3A_1167] : memref<192x129xf32, #tpu.memory_space<vmem>> -> memref<16x128xf32, #tpu.memory_space<vmem>>
        %dma_wait3A_1169 = arith.constant 0 : i32
        %dma_wait3A_1170 = arith.constant 0 : i32
        %dma_wait3A_1171 = tpu.memref_slice %arg5[%dma_wait3A_1169, %dma_wait3A_1170] : memref<409600x128xf32, #tpu.memory_space<hbm>> -> memref<16x128xf32, #tpu.memory_space<hbm>>
        %dma_wait3A_1172 = arith.constant 96 : i32
        %dma_wait3A_1173 = arith.constant 0 : i32
        %dma_wait3A_1174 = tpu.memref_slice %arg8[%dma_wait3A_1172, %dma_wait3A_1173] : memref<192x129xf32, #tpu.memory_space<vmem>> -> memref<16x128xf32, #tpu.memory_space<vmem>>
        %dma_wait3A_1175 = arith.constant 0 : i32
        %dma_wait3A_1176 = arith.constant 0 : i32
        %dma_wait3A_1177 = tpu.memref_slice %arg5[%dma_wait3A_1175, %dma_wait3A_1176] : memref<409600x128xf32, #tpu.memory_space<hbm>> -> memref<16x128xf32, #tpu.memory_space<hbm>>
        tpu.wait_dma2 semaphore(%arg14 : memref<!tpu.dma_semaphore, #tpu.memory_space<semaphore_mem>>) src(%dma_wait3A_1177 : memref<16x128xf32, #tpu.memory_space<hbm>>) dst(%dma_wait3A_1174 : memref<16x128xf32, #tpu.memory_space<vmem>>)
        %dma_wait3A_1178 = arith.constant 120 : i32
        %dma_wait3A_1179 = arith.constant 0 : i32
        %dma_wait3A_1180 = tpu.memref_slice %arg8[%dma_wait3A_1178, %dma_wait3A_1179] : memref<192x129xf32, #tpu.memory_space<vmem>> -> memref<16x128xf32, #tpu.memory_space<vmem>>
        %dma_wait3A_1181 = arith.constant 0 : i32
        %dma_wait3A_1182 = arith.constant 0 : i32
        %dma_wait3A_1183 = tpu.memref_slice %arg5[%dma_wait3A_1181, %dma_wait3A_1182] : memref<409600x128xf32, #tpu.memory_space<hbm>> -> memref<16x128xf32, #tpu.memory_space<hbm>>
        %dma_wait3A_1184 = arith.constant 120 : i32
        %dma_wait3A_1185 = arith.constant 0 : i32
        %dma_wait3A_1186 = tpu.memref_slice %arg8[%dma_wait3A_1184, %dma_wait3A_1185] : memref<192x129xf32, #tpu.memory_space<vmem>> -> memref<16x128xf32, #tpu.memory_space<vmem>>
        %dma_wait3A_1187 = arith.constant 0 : i32
        %dma_wait3A_1188 = arith.constant 0 : i32
        %dma_wait3A_1189 = tpu.memref_slice %arg5[%dma_wait3A_1187, %dma_wait3A_1188] : memref<409600x128xf32, #tpu.memory_space<hbm>> -> memref<16x128xf32, #tpu.memory_space<hbm>>
        tpu.wait_dma2 semaphore(%arg14 : memref<!tpu.dma_semaphore, #tpu.memory_space<semaphore_mem>>) src(%dma_wait3A_1189 : memref<16x128xf32, #tpu.memory_space<hbm>>) dst(%dma_wait3A_1186 : memref<16x128xf32, #tpu.memory_space<vmem>>)
        %dma_wait3A_1190 = arith.constant 144 : i32
        %dma_wait3A_1191 = arith.constant 0 : i32
        %dma_wait3A_1192 = tpu.memref_slice %arg8[%dma_wait3A_1190, %dma_wait3A_1191] : memref<192x129xf32, #tpu.memory_space<vmem>> -> memref<16x128xf32, #tpu.memory_space<vmem>>
        %dma_wait3A_1193 = arith.constant 0 : i32
        %dma_wait3A_1194 = arith.constant 0 : i32
        %dma_wait3A_1195 = tpu.memref_slice %arg5[%dma_wait3A_1193, %dma_wait3A_1194] : memref<409600x128xf32, #tpu.memory_space<hbm>> -> memref<16x128xf32, #tpu.memory_space<hbm>>
        %dma_wait3A_1196 = arith.constant 144 : i32
        %dma_wait3A_1197 = arith.constant 0 : i32
        %dma_wait3A_1198 = tpu.memref_slice %arg8[%dma_wait3A_1196, %dma_wait3A_1197] : memref<192x129xf32, #tpu.memory_space<vmem>> -> memref<16x128xf32, #tpu.memory_space<vmem>>
        %dma_wait3A_1199 = arith.constant 0 : i32
        %dma_wait3A_1200 = arith.constant 0 : i32
        %dma_wait3A_1201 = tpu.memref_slice %arg5[%dma_wait3A_1199, %dma_wait3A_1200] : memref<409600x128xf32, #tpu.memory_space<hbm>> -> memref<16x128xf32, #tpu.memory_space<hbm>>
        tpu.wait_dma2 semaphore(%arg14 : memref<!tpu.dma_semaphore, #tpu.memory_space<semaphore_mem>>) src(%dma_wait3A_1201 : memref<16x128xf32, #tpu.memory_space<hbm>>) dst(%dma_wait3A_1198 : memref<16x128xf32, #tpu.memory_space<vmem>>)
        %dma_wait3A_1202 = arith.constant 168 : i32
        %dma_wait3A_1203 = arith.constant 0 : i32
        %dma_wait3A_1204 = tpu.memref_slice %arg8[%dma_wait3A_1202, %dma_wait3A_1203] : memref<192x129xf32, #tpu.memory_space<vmem>> -> memref<16x128xf32, #tpu.memory_space<vmem>>
        %dma_wait3A_1205 = arith.constant 0 : i32
        %dma_wait3A_1206 = arith.constant 0 : i32
        %dma_wait3A_1207 = tpu.memref_slice %arg5[%dma_wait3A_1205, %dma_wait3A_1206] : memref<409600x128xf32, #tpu.memory_space<hbm>> -> memref<16x128xf32, #tpu.memory_space<hbm>>
        %dma_wait3A_1208 = arith.constant 168 : i32
        %dma_wait3A_1209 = arith.constant 0 : i32
        %dma_wait3A_1210 = tpu.memref_slice %arg8[%dma_wait3A_1208, %dma_wait3A_1209] : memref<192x129xf32, #tpu.memory_space<vmem>> -> memref<16x128xf32, #tpu.memory_space<vmem>>
        %dma_wait3A_1211 = arith.constant 0 : i32
        %dma_wait3A_1212 = arith.constant 0 : i32
        %dma_wait3A_1213 = tpu.memref_slice %arg5[%dma_wait3A_1211, %dma_wait3A_1212] : memref<409600x128xf32, #tpu.memory_space<hbm>> -> memref<16x128xf32, #tpu.memory_space<hbm>>
        tpu.wait_dma2 semaphore(%arg14 : memref<!tpu.dma_semaphore, #tpu.memory_space<semaphore_mem>>) src(%dma_wait3A_1213 : memref<16x128xf32, #tpu.memory_space<hbm>>) dst(%dma_wait3A_1210 : memref<16x128xf32, #tpu.memory_space<vmem>>)
      } else {
      }
      %mul3A_611 = arith.constant 100 : i32
      %mul3A_612 = arith.muli %select_n3A_67, %mul3A_611 : i32
      %add3A_613 = arith.addi %mul3A_612, %mul3A_452 : i32
      %get3A = arith.index_cast %add3A_613 : i32 to index
      %get3A_614 = arith.constant 0 : index
      %get3A_615 = tpu.vector_load %arg9[%get3A, %get3A_614] {strides = array<i32>} : memref<200x64xf32, #tpu.memory_space<vmem>>, vector<16xf32>,
      %get3A_616 = arith.index_cast %add3A_613 : i32 to index
      %get3A_617 = arith.constant 16 : index
      %get3A_618 = tpu.vector_load %arg9[%get3A_616, %get3A_617] {strides = array<i32>} : memref<200x64xf32, #tpu.memory_space<vmem>>, vector<16xf32>,
      %get3A_619 = arith.index_cast %add3A_613 : i32 to index
      %get3A_620 = arith.constant 32 : index
      %get3A_621 = tpu.vector_load %arg9[%get3A_619, %get3A_620] {strides = array<i32>} : memref<200x64xf32, #tpu.memory_space<vmem>>, vector<16xf32>,
      %get3A_622 = arith.index_cast %add3A_613 : i32 to index
      %get3A_623 = arith.constant 48 : index
      %get3A_624 = tpu.vector_load %arg9[%get3A_622, %get3A_623] {strides = array<i32>} : memref<200x64xf32, #tpu.memory_space<vmem>>, vector<16xf32>,
      %parallel_loop3A = arith.constant 0 : i32
      %parallel_loop3A_625 = arith.constant 256 : i32
      %parallel_loop3A_626 = arith.constant 1 : i32
      scf.for %parallel_loop3A_1118 = %parallel_loop3A to %parallel_loop3A_625 step %parallel_loop3A_626  : i32 {
        %parallel_loop3A_1119 = arith.constant 128 : i32
        %parallel_loop3A_1120 = arith.divsi %parallel_loop3A_1118, %parallel_loop3A_1119 : i32
        %parallel_loop3A_1121 = arith.constant 0 : i32
        %parallel_loop3A_1122 = arith.cmpi sgt, %parallel_loop3A_1118, %parallel_loop3A_1121 : i32
        %parallel_loop3A_1123 = arith.extui %parallel_loop3A_1122 : i1 to i32
        %parallel_loop3A_1124 = arith.constant 0 : i32
        %parallel_loop3A_1125 = arith.cmpi slt, %parallel_loop3A_1118, %parallel_loop3A_1124 : i32
        %parallel_loop3A_1126 = arith.extui %parallel_loop3A_1125 : i1 to i32
        %parallel_loop3A_1127 = arith.subi %parallel_loop3A_1123, %parallel_loop3A_1126 : i32
        %parallel_loop3A_1128 = arith.constant 0 : i32
        %parallel_loop3A_1129 = arith.cmpi sgt, %parallel_loop3A_1119, %parallel_loop3A_1128 : i32
        %parallel_loop3A_1130 = arith.extui %parallel_loop3A_1129 : i1 to i32
        %parallel_loop3A_1131 = arith.constant 0 : i32
        %parallel_loop3A_1132 = arith.cmpi slt, %parallel_loop3A_1119, %parallel_loop3A_1131 : i32
        %parallel_loop3A_1133 = arith.extui %parallel_loop3A_1132 : i1 to i32
        %parallel_loop3A_1134 = arith.subi %parallel_loop3A_1130, %parallel_loop3A_1133 : i32
        %parallel_loop3A_1135 = arith.cmpi ne, %parallel_loop3A_1127, %parallel_loop3A_1134 : i32
        %parallel_loop3A_1136 = arith.remsi %parallel_loop3A_1118, %parallel_loop3A_1119 : i32
        %parallel_loop3A_1137 = arith.constant 0 : i32
        %parallel_loop3A_1138 = arith.cmpi ne, %parallel_loop3A_1136, %parallel_loop3A_1137 : i32
        %parallel_loop3A_1139 = arith.andi %parallel_loop3A_1135, %parallel_loop3A_1138 : i1
        %parallel_loop3A_1140 = arith.constant 1 : i32
        %parallel_loop3A_1141 = arith.subi %parallel_loop3A_1120, %parallel_loop3A_1140 : i32
        %parallel_loop3A_1142 = arith.select %parallel_loop3A_1139, %parallel_loop3A_1141, %parallel_loop3A_1120 : i32
        %parallel_loop3A_1143 = arith.constant 128 : i32
        %parallel_loop3A_1144 = arith.constant 0 : i32
        %parallel_loop3A_1145 = arith.cmpi eq, %parallel_loop3A_1143, %parallel_loop3A_1144 : i32
        %parallel_loop3A_1146 = arith.constant 1 : i32
        %parallel_loop3A_1147 = arith.select %parallel_loop3A_1145, %parallel_loop3A_1146, %parallel_loop3A_1143 : i32
        %parallel_loop3A_1148 = arith.remsi %parallel_loop3A_1118, %parallel_loop3A_1147 : i32
        %parallel_loop3A_1149 = arith.constant 0 : i32
        %parallel_loop3A_1150 = arith.cmpi ne, %parallel_loop3A_1148, %parallel_loop3A_1149 : i32
        %parallel_loop3A_1151 = arith.constant 0 : i32
        %parallel_loop3A_1152 = arith.cmpi slt, %parallel_loop3A_1148, %parallel_loop3A_1151 : i32
        %parallel_loop3A_1153 = arith.constant 0 : i32
        %parallel_loop3A_1154 = arith.cmpi slt, %parallel_loop3A_1147, %parallel_loop3A_1153 : i32
        %parallel_loop3A_1155 = arith.xori %parallel_loop3A_1152, %parallel_loop3A_1154 : i1
        %parallel_loop3A_1156 = arith.andi %parallel_loop3A_1155, %parallel_loop3A_1150 : i1
        %parallel_loop3A_1157 = arith.addi %parallel_loop3A_1148, %parallel_loop3A_1147 : i32
        %parallel_loop3A_1158 = arith.select %parallel_loop3A_1156, %parallel_loop3A_1157, %parallel_loop3A_1148 : i32
        %parallel_loop3A_1159 = vector.broadcast %parallel_loop3A_1158 : i32 to vector<16xi32>
        %parallel_loop3A_1160 = arith.constant 8 : i32
        %parallel_loop3A_1161 = arith.muli %parallel_loop3A_1142, %parallel_loop3A_1160 : i32
        %parallel_loop3A_1162 = vector.broadcast %parallel_loop3A_1161 : i32 to vector<16xi32>
        %parallel_loop3A_1163 = arith.addi %parallel_loop3A_1162, %select_n3A_41 : vector<16xi32>
        %parallel_loop3A_1164 = arith.constant 0 : i32
        %parallel_loop3A_1165 = arith.index_cast %parallel_loop3A_1164 : i32 to index
        %parallel_loop3A_1166 = arith.index_cast %parallel_loop3A_1118 : i32 to index
        %parallel_loop3A_1167 = arith.constant 0 : index
        %parallel_loop3A_1168 = tpu.vector_load %arg7[%parallel_loop3A_1165, %parallel_loop3A_1166, %parallel_loop3A_1167] {strides = array<i32>} : memref<2x256x128xf32, #tpu.memory_space<vmem>>, vector<16xf32>,
        %parallel_loop3A_1169 = arith.addf %parallel_loop3A_1168, %get3A_615 : vector<16xf32>
        %parallel_loop3A_1170 = arith.constant 0 : i32
        %parallel_loop3A_1171 = vector.broadcast %parallel_loop3A_1170 : i32 to vector<16xi32>
        %parallel_loop3A_1172 = arith.addi %parallel_loop3A_1171, %select_n3A : vector<16xi32>
        %parallel_loop3A_1173 = arith.constant 24 : i32
        %parallel_loop3A_1174 = vector.broadcast %parallel_loop3A_1173 : i32 to vector<16xi32>
        %parallel_loop3A_1175 = arith.muli %parallel_loop3A_1172, %parallel_loop3A_1174 : vector<16xi32>
        %parallel_loop3A_1176 = arith.addi %parallel_loop3A_1175, %parallel_loop3A_1163 : vector<16xi32>
        tpu.vector_store_idx %arg8[%parallel_loop3A_1176, %parallel_loop3A_1159], %parallel_loop3A_1169 : memref<192x129xf32, #tpu.memory_space<vmem>>[vector<16xi32>, vector<16xi32>], vector<16xf32>,
        %parallel_loop3A_1177 = arith.constant 0 : i32
        %parallel_loop3A_1178 = arith.index_cast %parallel_loop3A_1177 : i32 to index
        %parallel_loop3A_1179 = arith.index_cast %parallel_loop3A_1118 : i32 to index
        %parallel_loop3A_1180 = arith.constant 16 : index
        %parallel_loop3A_1181 = tpu.vector_load %arg7[%parallel_loop3A_1178, %parallel_loop3A_1179, %parallel_loop3A_1180] {strides = array<i32>} : memref<2x256x128xf32, #tpu.memory_space<vmem>>, vector<16xf32>,
        %parallel_loop3A_1182 = arith.addf %parallel_loop3A_1181, %get3A_618 : vector<16xf32>
        %parallel_loop3A_1183 = arith.constant 2 : i32
        %parallel_loop3A_1184 = vector.broadcast %parallel_loop3A_1183 : i32 to vector<16xi32>
        %parallel_loop3A_1185 = arith.addi %parallel_loop3A_1184, %select_n3A : vector<16xi32>
        %parallel_loop3A_1186 = arith.constant 24 : i32
        %parallel_loop3A_1187 = vector.broadcast %parallel_loop3A_1186 : i32 to vector<16xi32>
        %parallel_loop3A_1188 = arith.muli %parallel_loop3A_1185, %parallel_loop3A_1187 : vector<16xi32>
        %parallel_loop3A_1189 = arith.addi %parallel_loop3A_1188, %parallel_loop3A_1163 : vector<16xi32>
        tpu.vector_store_idx %arg8[%parallel_loop3A_1189, %parallel_loop3A_1159], %parallel_loop3A_1182 : memref<192x129xf32, #tpu.memory_space<vmem>>[vector<16xi32>, vector<16xi32>], vector<16xf32>,
        %parallel_loop3A_1190 = arith.constant 0 : i32
        %parallel_loop3A_1191 = arith.index_cast %parallel_loop3A_1190 : i32 to index
        %parallel_loop3A_1192 = arith.index_cast %parallel_loop3A_1118 : i32 to index
        %parallel_loop3A_1193 = arith.constant 32 : index
        %parallel_loop3A_1194 = tpu.vector_load %arg7[%parallel_loop3A_1191, %parallel_loop3A_1192, %parallel_loop3A_1193] {strides = array<i32>} : memref<2x256x128xf32, #tpu.memory_space<vmem>>, vector<16xf32>,
        %parallel_loop3A_1195 = arith.addf %parallel_loop3A_1194, %get3A_621 : vector<16xf32>
        %parallel_loop3A_1196 = arith.constant 4 : i32
        %parallel_loop3A_1197 = vector.broadcast %parallel_loop3A_1196 : i32 to vector<16xi32>
        %parallel_loop3A_1198 = arith.addi %parallel_loop3A_1197, %select_n3A : vector<16xi32>
        %parallel_loop3A_1199 = arith.constant 24 : i32
        %parallel_loop3A_1200 = vector.broadcast %parallel_loop3A_1199 : i32 to vector<16xi32>
        %parallel_loop3A_1201 = arith.muli %parallel_loop3A_1198, %parallel_loop3A_1200 : vector<16xi32>
        %parallel_loop3A_1202 = arith.addi %parallel_loop3A_1201, %parallel_loop3A_1163 : vector<16xi32>
        tpu.vector_store_idx %arg8[%parallel_loop3A_1202, %parallel_loop3A_1159], %parallel_loop3A_1195 : memref<192x129xf32, #tpu.memory_space<vmem>>[vector<16xi32>, vector<16xi32>], vector<16xf32>,
        %parallel_loop3A_1203 = arith.constant 0 : i32
        %parallel_loop3A_1204 = arith.index_cast %parallel_loop3A_1203 : i32 to index
        %parallel_loop3A_1205 = arith.index_cast %parallel_loop3A_1118 : i32 to index
        %parallel_loop3A_1206 = arith.constant 48 : index
        %parallel_loop3A_1207 = tpu.vector_load %arg7[%parallel_loop3A_1204, %parallel_loop3A_1205, %parallel_loop3A_1206] {strides = array<i32>} : memref<2x256x128xf32, #tpu.memory_space<vmem>>, vector<16xf32>,
        %parallel_loop3A_1208 = arith.addf %parallel_loop3A_1207, %get3A_624 : vector<16xf32>
        %parallel_loop3A_1209 = arith.constant 6 : i32
        %parallel_loop3A_1210 = vector.broadcast %parallel_loop3A_1209 : i32 to vector<16xi32>
        %parallel_loop3A_1211 = arith.addi %parallel_loop3A_1210, %select_n3A : vector<16xi32>
        %parallel_loop3A_1212 = arith.constant 24 : i32
        %parallel_loop3A_1213 = vector.broadcast %parallel_loop3A_1212 : i32 to vector<16xi32>
        %parallel_loop3A_1214 = arith.muli %parallel_loop3A_1211, %parallel_loop3A_1213 : vector<16xi32>
        %parallel_loop3A_1215 = arith.addi %parallel_loop3A_1214, %parallel_loop3A_1163 : vector<16xi32>
        tpu.vector_store_idx %arg8[%parallel_loop3A_1215, %parallel_loop3A_1159], %parallel_loop3A_1208 : memref<192x129xf32, #tpu.memory_space<vmem>>[vector<16xi32>, vector<16xi32>], vector<16xf32>,
      } {sc.loop_unroll_factor = 8 : i64, sc.parallel_access}
      %mul3A_627 = arith.constant 100 : i32
      %mul3A_628 = arith.muli %select_n3A_67, %mul3A_627 : i32
      %add3A_629 = arith.addi %mul3A_628, %mul3A_452 : i32
      %mul3A_630 = arith.constant 8 : i32
      %mul3A_631 = arith.muli %add3A_629, %mul3A_630 : i32
      %add3A_632 = arith.constant 0 : i32
      %add3A_633 = arith.addi %mul3A_631, %add3A_632 : i32
      %mul3A_634 = arith.constant 32 : i32
      %mul3A_635 = arith.muli %add3A_633, %mul3A_634 : i32
      %add3A_636 = arith.addi %mul3A_635, %mul3A_85 : i32
      %mul3A_637 = arith.constant 8 : i32
      %mul3A_638 = arith.muli %add3A_636, %mul3A_637 : i32
      %dma_start3A_639 = arith.constant 0 : i32
      %dma_start3A_640 = arith.constant 0 : i32
      %dma_start3A_641 = tpu.memref_slice %arg8[%dma_start3A_639, %dma_start3A_640] : memref<192x129xf32, #tpu.memory_space<vmem>> -> memref<16x128xf32, #tpu.memory_space<vmem>>
      %dma_start3A_642 = arith.constant 0 : i32
      %dma_start3A_643 = tpu.memref_slice %arg5[%mul3A_638, %dma_start3A_642] : memref<409600x128xf32, #tpu.memory_space<hbm>> -> memref<16x128xf32, #tpu.memory_space<hbm>>
      %dma_start3A_644 = arith.constant 0 : i32
      %dma_start3A_645 = tpu.memref_slice %arg5[%mul3A_638, %dma_start3A_644] : memref<409600x128xf32, #tpu.memory_space<hbm>> -> memref<16x128xf32, #tpu.memory_space<hbm>>
      %dma_start3A_646 = arith.constant 0 : i32
      %dma_start3A_647 = arith.constant 0 : i32
      %dma_start3A_648 = tpu.memref_slice %arg8[%dma_start3A_646, %dma_start3A_647] : memref<192x129xf32, #tpu.memory_space<vmem>> -> memref<16x128xf32, #tpu.memory_space<vmem>>
      tpu.enqueue_dma source(%dma_start3A_648 : memref<16x128xf32, #tpu.memory_space<vmem>>) target(%dma_start3A_645 : memref<16x128xf32, #tpu.memory_space<hbm>>) target_semaphore(%arg14 : memref<!tpu.dma_semaphore, #tpu.memory_space<semaphore_mem>>)
      %mul3A_649 = arith.constant 8 : i32
      %mul3A_650 = arith.muli %add3A_629, %mul3A_649 : i32
      %add3A_651 = arith.constant 1 : i32
      %add3A_652 = arith.addi %mul3A_650, %add3A_651 : i32
      %mul3A_653 = arith.constant 32 : i32
      %mul3A_654 = arith.muli %add3A_652, %mul3A_653 : i32
      %add3A_655 = arith.addi %mul3A_654, %mul3A_85 : i32
      %mul3A_656 = arith.constant 8 : i32
      %mul3A_657 = arith.muli %add3A_655, %mul3A_656 : i32
      %dma_start3A_658 = arith.constant 24 : i32
      %dma_start3A_659 = arith.constant 0 : i32
      %dma_start3A_660 = tpu.memref_slice %arg8[%dma_start3A_658, %dma_start3A_659] : memref<192x129xf32, #tpu.memory_space<vmem>> -> memref<16x128xf32, #tpu.memory_space<vmem>>
      %dma_start3A_661 = arith.constant 0 : i32
      %dma_start3A_662 = tpu.memref_slice %arg5[%mul3A_657, %dma_start3A_661] : memref<409600x128xf32, #tpu.memory_space<hbm>> -> memref<16x128xf32, #tpu.memory_space<hbm>>
      %dma_start3A_663 = arith.constant 0 : i32
      %dma_start3A_664 = tpu.memref_slice %arg5[%mul3A_657, %dma_start3A_663] : memref<409600x128xf32, #tpu.memory_space<hbm>> -> memref<16x128xf32, #tpu.memory_space<hbm>>
      %dma_start3A_665 = arith.constant 24 : i32
      %dma_start3A_666 = arith.constant 0 : i32
      %dma_start3A_667 = tpu.memref_slice %arg8[%dma_start3A_665, %dma_start3A_666] : memref<192x129xf32, #tpu.memory_space<vmem>> -> memref<16x128xf32, #tpu.memory_space<vmem>>
      tpu.enqueue_dma source(%dma_start3A_667 : memref<16x128xf32, #tpu.memory_space<vmem>>) target(%dma_start3A_664 : memref<16x128xf32, #tpu.memory_space<hbm>>) target_semaphore(%arg14 : memref<!tpu.dma_semaphore, #tpu.memory_space<semaphore_mem>>)
      %mul3A_668 = arith.constant 8 : i32
      %mul3A_669 = arith.muli %add3A_629, %mul3A_668 : i32
      %add3A_670 = arith.constant 2 : i32
      %add3A_671 = arith.addi %mul3A_669, %add3A_670 : i32
      %mul3A_672 = arith.constant 32 : i32
      %mul3A_673 = arith.muli %add3A_671, %mul3A_672 : i32
      %add3A_674 = arith.addi %mul3A_673, %mul3A_85 : i32
      %mul3A_675 = arith.constant 8 : i32
      %mul3A_676 = arith.muli %add3A_674, %mul3A_675 : i32
      %dma_start3A_677 = arith.constant 48 : i32
      %dma_start3A_678 = arith.constant 0 : i32
      %dma_start3A_679 = tpu.memref_slice %arg8[%dma_start3A_677, %dma_start3A_678] : memref<192x129xf32, #tpu.memory_space<vmem>> -> memref<16x128xf32, #tpu.memory_space<vmem>>
      %dma_start3A_680 = arith.constant 0 : i32
      %dma_start3A_681 = tpu.memref_slice %arg5[%mul3A_676, %dma_start3A_680] : memref<409600x128xf32, #tpu.memory_space<hbm>> -> memref<16x128xf32, #tpu.memory_space<hbm>>
      %dma_start3A_682 = arith.constant 0 : i32
      %dma_start3A_683 = tpu.memref_slice %arg5[%mul3A_676, %dma_start3A_682] : memref<409600x128xf32, #tpu.memory_space<hbm>> -> memref<16x128xf32, #tpu.memory_space<hbm>>
      %dma_start3A_684 = arith.constant 48 : i32
      %dma_start3A_685 = arith.constant 0 : i32
      %dma_start3A_686 = tpu.memref_slice %arg8[%dma_start3A_684, %dma_start3A_685] : memref<192x129xf32, #tpu.memory_space<vmem>> -> memref<16x128xf32, #tpu.memory_space<vmem>>
      tpu.enqueue_dma source(%dma_start3A_686 : memref<16x128xf32, #tpu.memory_space<vmem>>) target(%dma_start3A_683 : memref<16x128xf32, #tpu.memory_space<hbm>>) target_semaphore(%arg14 : memref<!tpu.dma_semaphore, #tpu.memory_space<semaphore_mem>>)
      %mul3A_687 = arith.constant 8 : i32
      %mul3A_688 = arith.muli %add3A_629, %mul3A_687 : i32
      %add3A_689 = arith.constant 3 : i32
      %add3A_690 = arith.addi %mul3A_688, %add3A_689 : i32
      %mul3A_691 = arith.constant 32 : i32
      %mul3A_692 = arith.muli %add3A_690, %mul3A_691 : i32
      %add3A_693 = arith.addi %mul3A_692, %mul3A_85 : i32
      %mul3A_694 = arith.constant 8 : i32
      %mul3A_695 = arith.muli %add3A_693, %mul3A_694 : i32
      %dma_start3A_696 = arith.constant 72 : i32
      %dma_start3A_697 = arith.constant 0 : i32
      %dma_start3A_698 = tpu.memref_slice %arg8[%dma_start3A_696, %dma_start3A_697] : memref<192x129xf32, #tpu.memory_space<vmem>> -> memref<16x128xf32, #tpu.memory_space<vmem>>
      %dma_start3A_699 = arith.constant 0 : i32
      %dma_start3A_700 = tpu.memref_slice %arg5[%mul3A_695, %dma_start3A_699] : memref<409600x128xf32, #tpu.memory_space<hbm>> -> memref<16x128xf32, #tpu.memory_space<hbm>>
      %dma_start3A_701 = arith.constant 0 : i32
      %dma_start3A_702 = tpu.memref_slice %arg5[%mul3A_695, %dma_start3A_701] : memref<409600x128xf32, #tpu.memory_space<hbm>> -> memref<16x128xf32, #tpu.memory_space<hbm>>
      %dma_start3A_703 = arith.constant 72 : i32
      %dma_start3A_704 = arith.constant 0 : i32
      %dma_start3A_705 = tpu.memref_slice %arg8[%dma_start3A_703, %dma_start3A_704] : memref<192x129xf32, #tpu.memory_space<vmem>> -> memref<16x128xf32, #tpu.memory_space<vmem>>
      tpu.enqueue_dma source(%dma_start3A_705 : memref<16x128xf32, #tpu.memory_space<vmem>>) target(%dma_start3A_702 : memref<16x128xf32, #tpu.memory_space<hbm>>) target_semaphore(%arg14 : memref<!tpu.dma_semaphore, #tpu.memory_space<semaphore_mem>>)
      %mul3A_706 = arith.constant 8 : i32
      %mul3A_707 = arith.muli %add3A_629, %mul3A_706 : i32
      %add3A_708 = arith.constant 4 : i32
      %add3A_709 = arith.addi %mul3A_707, %add3A_708 : i32
      %mul3A_710 = arith.constant 32 : i32
      %mul3A_711 = arith.muli %add3A_709, %mul3A_710 : i32
      %add3A_712 = arith.addi %mul3A_711, %mul3A_85 : i32
      %mul3A_713 = arith.constant 8 : i32
      %mul3A_714 = arith.muli %add3A_712, %mul3A_713 : i32
      %dma_start3A_715 = arith.constant 96 : i32
      %dma_start3A_716 = arith.constant 0 : i32
      %dma_start3A_717 = tpu.memref_slice %arg8[%dma_start3A_715, %dma_start3A_716] : memref<192x129xf32, #tpu.memory_space<vmem>> -> memref<16x128xf32, #tpu.memory_space<vmem>>
      %dma_start3A_718 = arith.constant 0 : i32
      %dma_start3A_719 = tpu.memref_slice %arg5[%mul3A_714, %dma_start3A_718] : memref<409600x128xf32, #tpu.memory_space<hbm>> -> memref<16x128xf32, #tpu.memory_space<hbm>>
      %dma_start3A_720 = arith.constant 0 : i32
      %dma_start3A_721 = tpu.memref_slice %arg5[%mul3A_714, %dma_start3A_720] : memref<409600x128xf32, #tpu.memory_space<hbm>> -> memref<16x128xf32, #tpu.memory_space<hbm>>
      %dma_start3A_722 = arith.constant 96 : i32
      %dma_start3A_723 = arith.constant 0 : i32
      %dma_start3A_724 = tpu.memref_slice %arg8[%dma_start3A_722, %dma_start3A_723] : memref<192x129xf32, #tpu.memory_space<vmem>> -> memref<16x128xf32, #tpu.memory_space<vmem>>
      tpu.enqueue_dma source(%dma_start3A_724 : memref<16x128xf32, #tpu.memory_space<vmem>>) target(%dma_start3A_721 : memref<16x128xf32, #tpu.memory_space<hbm>>) target_semaphore(%arg14 : memref<!tpu.dma_semaphore, #tpu.memory_space<semaphore_mem>>)
      %mul3A_725 = arith.constant 8 : i32
      %mul3A_726 = arith.muli %add3A_629, %mul3A_725 : i32
      %add3A_727 = arith.constant 5 : i32
      %add3A_728 = arith.addi %mul3A_726, %add3A_727 : i32
      %mul3A_729 = arith.constant 32 : i32
      %mul3A_730 = arith.muli %add3A_728, %mul3A_729 : i32
      %add3A_731 = arith.addi %mul3A_730, %mul3A_85 : i32
      %mul3A_732 = arith.constant 8 : i32
      %mul3A_733 = arith.muli %add3A_731, %mul3A_732 : i32
      %dma_start3A_734 = arith.constant 120 : i32
      %dma_start3A_735 = arith.constant 0 : i32
      %dma_start3A_736 = tpu.memref_slice %arg8[%dma_start3A_734, %dma_start3A_735] : memref<192x129xf32, #tpu.memory_space<vmem>> -> memref<16x128xf32, #tpu.memory_space<vmem>>
      %dma_start3A_737 = arith.constant 0 : i32
      %dma_start3A_738 = tpu.memref_slice %arg5[%mul3A_733, %dma_start3A_737] : memref<409600x128xf32, #tpu.memory_space<hbm>> -> memref<16x128xf32, #tpu.memory_space<hbm>>
      %dma_start3A_739 = arith.constant 0 : i32
      %dma_start3A_740 = tpu.memref_slice %arg5[%mul3A_733, %dma_start3A_739] : memref<409600x128xf32, #tpu.memory_space<hbm>> -> memref<16x128xf32, #tpu.memory_space<hbm>>
      %dma_start3A_741 = arith.constant 120 : i32
      %dma_start3A_742 = arith.constant 0 : i32
      %dma_start3A_743 = tpu.memref_slice %arg8[%dma_start3A_741, %dma_start3A_742] : memref<192x129xf32, #tpu.memory_space<vmem>> -> memref<16x128xf32, #tpu.memory_space<vmem>>
      tpu.enqueue_dma source(%dma_start3A_743 : memref<16x128xf32, #tpu.memory_space<vmem>>) target(%dma_start3A_740 : memref<16x128xf32, #tpu.memory_space<hbm>>) target_semaphore(%arg14 : memref<!tpu.dma_semaphore, #tpu.memory_space<semaphore_mem>>)
      %mul3A_744 = arith.constant 8 : i32
      %mul3A_745 = arith.muli %add3A_629, %mul3A_744 : i32
      %add3A_746 = arith.constant 6 : i32
      %add3A_747 = arith.addi %mul3A_745, %add3A_746 : i32
      %mul3A_748 = arith.constant 32 : i32
      %mul3A_749 = arith.muli %add3A_747, %mul3A_748 : i32
      %add3A_750 = arith.addi %mul3A_749, %mul3A_85 : i32
      %mul3A_751 = arith.constant 8 : i32
      %mul3A_752 = arith.muli %add3A_750, %mul3A_751 : i32
      %dma_start3A_753 = arith.constant 144 : i32
      %dma_start3A_754 = arith.constant 0 : i32
      %dma_start3A_755 = tpu.memref_slice %arg8[%dma_start3A_753, %dma_start3A_754] : memref<192x129xf32, #tpu.memory_space<vmem>> -> memref<16x128xf32, #tpu.memory_space<vmem>>
      %dma_start3A_756 = arith.constant 0 : i32
      %dma_start3A_757 = tpu.memref_slice %arg5[%mul3A_752, %dma_start3A_756] : memref<409600x128xf32, #tpu.memory_space<hbm>> -> memref<16x128xf32, #tpu.memory_space<hbm>>
      %dma_start3A_758 = arith.constant 0 : i32
      %dma_start3A_759 = tpu.memref_slice %arg5[%mul3A_752, %dma_start3A_758] : memref<409600x128xf32, #tpu.memory_space<hbm>> -> memref<16x128xf32, #tpu.memory_space<hbm>>
      %dma_start3A_760 = arith.constant 144 : i32
      %dma_start3A_761 = arith.constant 0 : i32
      %dma_start3A_762 = tpu.memref_slice %arg8[%dma_start3A_760, %dma_start3A_761] : memref<192x129xf32, #tpu.memory_space<vmem>> -> memref<16x128xf32, #tpu.memory_space<vmem>>
      tpu.enqueue_dma source(%dma_start3A_762 : memref<16x128xf32, #tpu.memory_space<vmem>>) target(%dma_start3A_759 : memref<16x128xf32, #tpu.memory_space<hbm>>) target_semaphore(%arg14 : memref<!tpu.dma_semaphore, #tpu.memory_space<semaphore_mem>>)
      %mul3A_763 = arith.constant 8 : i32
      %mul3A_764 = arith.muli %add3A_629, %mul3A_763 : i32
      %add3A_765 = arith.constant 7 : i32
      %add3A_766 = arith.addi %mul3A_764, %add3A_765 : i32
      %mul3A_767 = arith.constant 32 : i32
      %mul3A_768 = arith.muli %add3A_766, %mul3A_767 : i32
      %add3A_769 = arith.addi %mul3A_768, %mul3A_85 : i32
      %mul3A_770 = arith.constant 8 : i32
      %mul3A_771 = arith.muli %add3A_769, %mul3A_770 : i32
      %dma_start3A_772 = arith.constant 168 : i32
      %dma_start3A_773 = arith.constant 0 : i32
      %dma_start3A_774 = tpu.memref_slice %arg8[%dma_start3A_772, %dma_start3A_773] : memref<192x129xf32, #tpu.memory_space<vmem>> -> memref<16x128xf32, #tpu.memory_space<vmem>>
      %dma_start3A_775 = arith.constant 0 : i32
      %dma_start3A_776 = tpu.memref_slice %arg5[%mul3A_771, %dma_start3A_775] : memref<409600x128xf32, #tpu.memory_space<hbm>> -> memref<16x128xf32, #tpu.memory_space<hbm>>
      %dma_start3A_777 = arith.constant 0 : i32
      %dma_start3A_778 = tpu.memref_slice %arg5[%mul3A_771, %dma_start3A_777] : memref<409600x128xf32, #tpu.memory_space<hbm>> -> memref<16x128xf32, #tpu.memory_space<hbm>>
      %dma_start3A_779 = arith.constant 168 : i32
      %dma_start3A_780 = arith.constant 0 : i32
      %dma_start3A_781 = tpu.memref_slice %arg8[%dma_start3A_779, %dma_start3A_780] : memref<192x129xf32, #tpu.memory_space<vmem>> -> memref<16x128xf32, #tpu.memory_space<vmem>>
      tpu.enqueue_dma source(%dma_start3A_781 : memref<16x128xf32, #tpu.memory_space<vmem>>) target(%dma_start3A_778 : memref<16x128xf32, #tpu.memory_space<hbm>>) target_semaphore(%arg14 : memref<!tpu.dma_semaphore, #tpu.memory_space<semaphore_mem>>)
      %add3A_782 = arith.constant 1 : i32
      %add3A_783 = arith.addi %mul3A_452, %add3A_782 : i32
      %dma_wait3A_784 = arith.constant 0 : i32
      %dma_wait3A_785 = arith.constant 0 : i32
      %dma_wait3A_786 = arith.constant 0 : i32
      %dma_wait3A_787 = arith.constant 0 : i32
      %dma_wait3A_788 = tpu.memref_slice %arg6[%dma_wait3A_785, %dma_wait3A_786, %dma_wait3A_787] : memref<2x2x128xi32, #tpu.memory_space<vmem>> -> memref<1x1x128xi32, #tpu.memory_space<vmem>>
      %dma_wait3A_789 = tpu.memref_squeeze %dma_wait3A_788 : memref<1x1x128xi32, #tpu.memory_space<vmem>> -> memref<128xi32, #tpu.memory_space<vmem>>
      %dma_wait3A_790 = arith.constant 0 : i32
      %dma_wait3A_791 = tpu.memref_slice %arg3[%dma_wait3A_784, %dma_wait3A_790] : memref<6400x128xi32, #tpu.memory_space<hbm>> -> memref<1x128xi32, #tpu.memory_space<hbm>>
      %dma_wait3A_792 = tpu.memref_squeeze %dma_wait3A_791 : memref<1x128xi32, #tpu.memory_space<hbm>> -> memref<128xi32, #tpu.memory_space<hbm>>
      %dma_wait3A_793 = arith.constant 0 : i32
      %dma_wait3A_794 = tpu.memref_slice %arg6[%dma_wait3A_785, %dma_wait3A_786, %dma_wait3A_793] : memref<2x2x128xi32, #tpu.memory_space<vmem>> -> memref<1x1x128xi32, #tpu.memory_space<vmem>>
      %dma_wait3A_795 = tpu.memref_squeeze %dma_wait3A_794 : memref<1x1x128xi32, #tpu.memory_space<vmem>> -> memref<128xi32, #tpu.memory_space<vmem>>
      %dma_wait3A_796 = arith.constant 0 : i32
      %dma_wait3A_797 = tpu.memref_slice %arg3[%dma_wait3A_784, %dma_wait3A_796] : memref<6400x128xi32, #tpu.memory_space<hbm>> -> memref<1x128xi32, #tpu.memory_space<hbm>>
      %dma_wait3A_798 = tpu.memref_squeeze %dma_wait3A_797 : memref<1x128xi32, #tpu.memory_space<hbm>> -> memref<128xi32, #tpu.memory_space<hbm>>
      tpu.wait_dma2 semaphore(%arg10 : memref<!tpu.dma_semaphore, #tpu.memory_space<semaphore_mem>>) src(%dma_wait3A_798 : memref<128xi32, #tpu.memory_space<hbm>>) dst(%dma_wait3A_795 : memref<128xi32, #tpu.memory_space<vmem>>)
      %dma_wait3A_799 = arith.constant 0 : i32
      %dma_wait3A_800 = arith.constant 0 : i32
      %dma_wait3A_801 = arith.constant 1 : i32
      %dma_wait3A_802 = arith.constant 0 : i32
      %dma_wait3A_803 = tpu.memref_slice %arg6[%dma_wait3A_800, %dma_wait3A_801, %dma_wait3A_802] : memref<2x2x128xi32, #tpu.memory_space<vmem>> -> memref<1x1x128xi32, #tpu.memory_space<vmem>>
      %dma_wait3A_804 = tpu.memref_squeeze %dma_wait3A_803 : memref<1x1x128xi32, #tpu.memory_space<vmem>> -> memref<128xi32, #tpu.memory_space<vmem>>
      %dma_wait3A_805 = arith.constant 0 : i32
      %dma_wait3A_806 = tpu.memref_slice %arg3[%dma_wait3A_799, %dma_wait3A_805] : memref<6400x128xi32, #tpu.memory_space<hbm>> -> memref<1x128xi32, #tpu.memory_space<hbm>>
      %dma_wait3A_807 = tpu.memref_squeeze %dma_wait3A_806 : memref<1x128xi32, #tpu.memory_space<hbm>> -> memref<128xi32, #tpu.memory_space<hbm>>
      %dma_wait3A_808 = arith.constant 0 : i32
      %dma_wait3A_809 = tpu.memref_slice %arg6[%dma_wait3A_800, %dma_wait3A_801, %dma_wait3A_808] : memref<2x2x128xi32, #tpu.memory_space<vmem>> -> memref<1x1x128xi32, #tpu.memory_space<vmem>>
      %dma_wait3A_810 = tpu.memref_squeeze %dma_wait3A_809 : memref<1x1x128xi32, #tpu.memory_space<vmem>> -> memref<128xi32, #tpu.memory_space<vmem>>
      %dma_wait3A_811 = arith.constant 0 : i32
      %dma_wait3A_812 = tpu.memref_slice %arg3[%dma_wait3A_799, %dma_wait3A_811] : memref<6400x128xi32, #tpu.memory_space<hbm>> -> memref<1x128xi32, #tpu.memory_space<hbm>>
      %dma_wait3A_813 = tpu.memref_squeeze %dma_wait3A_812 : memref<1x128xi32, #tpu.memory_space<hbm>> -> memref<128xi32, #tpu.memory_space<hbm>>
      tpu.wait_dma2 semaphore(%arg10 : memref<!tpu.dma_semaphore, #tpu.memory_space<semaphore_mem>>) src(%dma_wait3A_813 : memref<128xi32, #tpu.memory_space<hbm>>) dst(%dma_wait3A_810 : memref<128xi32, #tpu.memory_space<vmem>>)
      %dma_start3A_814 = arith.constant 0 : i32
      %dma_start3A_815 = arith.constant 0 : i32
      %dma_start3A_816 = arith.constant 0 : i32
      %dma_start3A_817 = arith.constant 0 : i32
      %dma_start3A_818 = arith.constant 0 : i32
      %dma_start3A_819 = tpu.memref_slice %arg7[%dma_start3A_816, %dma_start3A_817, %dma_start3A_818] : memref<2x256x128xf32, #tpu.memory_space<vmem>> -> memref<1x128x128xf32, #tpu.memory_space<vmem>>
      %dma_start3A_820 = tpu.memref_squeeze %dma_start3A_819 : memref<1x128x128xf32, #tpu.memory_space<vmem>> -> memref<128x128xf32, #tpu.memory_space<vmem>>
      %dma_start3A_821 = arith.constant 0 : i32
      %dma_start3A_822 = tpu.memref_slice %arg6[%dma_start3A_814, %dma_start3A_815, %dma_start3A_821] : memref<2x2x128xi32, #tpu.memory_space<vmem>> -> memref<1x1x128xi32, #tpu.memory_space<vmem>>
      %dma_start3A_823 = tpu.memref_squeeze %dma_start3A_822 : memref<1x1x128xi32, #tpu.memory_space<vmem>> -> memref<128xi32, #tpu.memory_space<vmem>>
      %dma_start3A_824 = arith.constant 0 : i32
      %dma_start3A_825 = arith.constant 0 : i32
      %dma_start3A_826 = tpu.memref_slice %arg2[%dma_start3A_824, %dma_start3A_825] : memref<1000000x128xf32, #tpu.memory_space<hbm>> -> memref<1000000x128xf32, #tpu.memory_space<hbm>>
      tpu.enqueue_indirect_dma source(%dma_start3A_826 : memref<1000000x128xf32, #tpu.memory_space<hbm>>) target(%dma_start3A_820 : memref<128x128xf32, #tpu.memory_space<vmem>>) offsets(%dma_start3A_823 : memref<128xi32, #tpu.memory_space<vmem>>) semaphore(%arg12 : memref<!tpu.dma_semaphore, #tpu.memory_space<semaphore_mem>>)
      %dma_start3A_827 = arith.constant 0 : i32
      %dma_start3A_828 = arith.constant 1 : i32
      %dma_start3A_829 = arith.constant 0 : i32
      %dma_start3A_830 = arith.constant 128 : i32
      %dma_start3A_831 = arith.constant 0 : i32
      %dma_start3A_832 = tpu.memref_slice %arg7[%dma_start3A_829, %dma_start3A_830, %dma_start3A_831] : memref<2x256x128xf32, #tpu.memory_space<vmem>> -> memref<1x128x128xf32, #tpu.memory_space<vmem>>
      %dma_start3A_833 = tpu.memref_squeeze %dma_start3A_832 : memref<1x128x128xf32, #tpu.memory_space<vmem>> -> memref<128x128xf32, #tpu.memory_space<vmem>>
      %dma_start3A_834 = arith.constant 0 : i32
      %dma_start3A_835 = tpu.memref_slice %arg6[%dma_start3A_827, %dma_start3A_828, %dma_start3A_834] : memref<2x2x128xi32, #tpu.memory_space<vmem>> -> memref<1x1x128xi32, #tpu.memory_space<vmem>>
      %dma_start3A_836 = tpu.memref_squeeze %dma_start3A_835 : memref<1x1x128xi32, #tpu.memory_space<vmem>> -> memref<128xi32, #tpu.memory_space<vmem>>
      %dma_start3A_837 = arith.constant 0 : i32
      %dma_start3A_838 = arith.constant 0 : i32
      %dma_start3A_839 = tpu.memref_slice %arg2[%dma_start3A_837, %dma_start3A_838] : memref<1000000x128xf32, #tpu.memory_space<hbm>> -> memref<1000000x128xf32, #tpu.memory_space<hbm>>
      tpu.enqueue_indirect_dma source(%dma_start3A_839 : memref<1000000x128xf32, #tpu.memory_space<hbm>>) target(%dma_start3A_833 : memref<128x128xf32, #tpu.memory_space<vmem>>) offsets(%dma_start3A_836 : memref<128xi32, #tpu.memory_space<vmem>>) semaphore(%arg12 : memref<!tpu.dma_semaphore, #tpu.memory_space<semaphore_mem>>)
      %dma_wait3A_840 = arith.constant 1 : i32
      %dma_wait3A_841 = arith.constant 0 : i32
      %dma_wait3A_842 = arith.constant 0 : i32
      %dma_wait3A_843 = tpu.memref_slice %arg7[%dma_wait3A_840, %dma_wait3A_841, %dma_wait3A_842] : memref<2x256x128xf32, #tpu.memory_space<vmem>> -> memref<1x256x128xf32, #tpu.memory_space<vmem>>
      %dma_wait3A_844 = tpu.memref_squeeze %dma_wait3A_843 : memref<1x256x128xf32, #tpu.memory_space<vmem>> -> memref<256x128xf32, #tpu.memory_space<vmem>>
      %dma_wait3A_845 = arith.constant 0 : i32
      %dma_wait3A_846 = arith.constant 0 : i32
      %dma_wait3A_847 = tpu.memref_slice %arg2[%dma_wait3A_845, %dma_wait3A_846] : memref<1000000x128xf32, #tpu.memory_space<hbm>> -> memref<256x128xf32, #tpu.memory_space<hbm>>
      %dma_wait3A_848 = arith.constant 0 : i32
      %dma_wait3A_849 = arith.constant 0 : i32
      %dma_wait3A_850 = tpu.memref_slice %arg7[%dma_wait3A_840, %dma_wait3A_848, %dma_wait3A_849] : memref<2x256x128xf32, #tpu.memory_space<vmem>> -> memref<1x256x128xf32, #tpu.memory_space<vmem>>
      %dma_wait3A_851 = tpu.memref_squeeze %dma_wait3A_850 : memref<1x256x128xf32, #tpu.memory_space<vmem>> -> memref<256x128xf32, #tpu.memory_space<vmem>>
      %dma_wait3A_852 = arith.constant 0 : i32
      %dma_wait3A_853 = arith.constant 0 : i32
      %dma_wait3A_854 = tpu.memref_slice %arg2[%dma_wait3A_852, %dma_wait3A_853] : memref<1000000x128xf32, #tpu.memory_space<hbm>> -> memref<256x128xf32, #tpu.memory_space<hbm>>
      tpu.wait_dma2 semaphore(%arg13 : memref<!tpu.dma_semaphore, #tpu.memory_space<semaphore_mem>>) src(%dma_wait3A_854 : memref<256x128xf32, #tpu.memory_space<hbm>>) dst(%dma_wait3A_851 : memref<256x128xf32, #tpu.memory_space<vmem>>)
      %add3A_855 = arith.constant 2 : i32
      %add3A_856 = arith.addi %add3A_783, %add3A_855 : i32
      %rem3A_857 = arith.constant 100 : i32
      %rem3A_858 = arith.remsi %add3A_856, %rem3A_857 : i32
      %mul3A_859 = arith.constant 100 : i32
      %mul3A_860 = arith.muli %select_n3A_67, %mul3A_859 : i32
      %add3A_861 = arith.addi %mul3A_860, %rem3A_858 : i32
      %jit3A_862 = arith.constant 8 : i32
      %div3A_863 = arith.divsi %add3A_861, %jit3A_862 : i32
      %sign3A_864 = arith.constant 0 : i32
      %sign3A_865 = arith.cmpi sgt, %add3A_861, %sign3A_864 : i32
      %sign3A_866 = arith.extui %sign3A_865 : i1 to i32
      %sign3A_867 = arith.constant 0 : i32
      %sign3A_868 = arith.cmpi slt, %add3A_861, %sign3A_867 : i32
      %sign3A_869 = arith.extui %sign3A_868 : i1 to i32
      %sign3A_870 = arith.subi %sign3A_866, %sign3A_869 : i32
      %sign3A_871 = arith.constant 0 : i32
      %sign3A_872 = arith.cmpi sgt, %jit3A_862, %sign3A_871 : i32
      %sign3A_873 = arith.extui %sign3A_872 : i1 to i32
      %sign3A_874 = arith.constant 0 : i32
      %sign3A_875 = arith.cmpi slt, %jit3A_862, %sign3A_874 : i32
      %sign3A_876 = arith.extui %sign3A_875 : i1 to i32
      %sign3A_877 = arith.subi %sign3A_873, %sign3A_876 : i32
      %ne3A_878 = arith.cmpi ne, %sign3A_870, %sign3A_877 : i32
      %rem3A_879 = arith.remsi %add3A_861, %jit3A_862 : i32
      %ne3A_880 = arith.constant 0 : i32
      %ne3A_881 = arith.cmpi ne, %rem3A_879, %ne3A_880 : i32
      %and3A_882 = arith.andi %ne3A_878, %ne3A_881 : i1
      %sub3A_883 = arith.constant 1 : i32
      %sub3A_884 = arith.subi %div3A_863, %sub3A_883 : i32
      %select_n3A_885 = arith.select %and3A_882, %sub3A_884, %div3A_863 : i32
      %mul3A_886 = arith.constant 32 : i32
      %mul3A_887 = arith.muli %select_n3A_885, %mul3A_886 : i32
      %add3A_888 = arith.addi %mul3A_887, %mul3A_85 : i32
      %mul3A_889 = arith.constant 8 : i32
      %mul3A_890 = arith.muli %add3A_888, %mul3A_889 : i32
      %jit3A_891 = arith.constant 8 : i32
      %eq3A_892 = arith.constant 0 : i32
      %eq3A_893 = arith.cmpi eq, %jit3A_891, %eq3A_892 : i32
      %jit3A_894 = arith.constant 1 : i32
      %select_n3A_895 = arith.select %eq3A_893, %jit3A_894, %jit3A_891 : i32
      %rem3A_896 = arith.remsi %add3A_861, %select_n3A_895 : i32
      %ne3A_897 = arith.constant 0 : i32
      %ne3A_898 = arith.cmpi ne, %rem3A_896, %ne3A_897 : i32
      %lt3A_899 = arith.constant 0 : i32
      %lt3A_900 = arith.cmpi slt, %rem3A_896, %lt3A_899 : i32
      %lt3A_901 = arith.constant 0 : i32
      %lt3A_902 = arith.cmpi slt, %select_n3A_895, %lt3A_901 : i32
      %ne3A_903 = arith.xori %lt3A_900, %lt3A_902 : i1
      %and3A_904 = arith.andi %ne3A_903, %ne3A_898 : i1
      %add3A_905 = arith.addi %rem3A_896, %select_n3A_895 : i32
      %select_n3A_906 = arith.select %and3A_904, %add3A_905, %rem3A_896 : i32
      %add3A_907 = arith.addi %mul3A_890, %select_n3A_906 : i32
      %add3A_908 = arith.constant 0 : i32
      %add3A_909 = arith.addi %add3A_907, %add3A_908 : i32
      %dma_start3A_910 = arith.constant 1 : i32
      %dma_start3A_911 = arith.constant 0 : i32
      %dma_start3A_912 = arith.constant 0 : i32
      %dma_start3A_913 = tpu.memref_slice %arg6[%dma_start3A_910, %dma_start3A_911, %dma_start3A_912] : memref<2x2x128xi32, #tpu.memory_space<vmem>> -> memref<1x1x128xi32, #tpu.memory_space<vmem>>
      %dma_start3A_914 = tpu.memref_squeeze %dma_start3A_913 : memref<1x1x128xi32, #tpu.memory_space<vmem>> -> memref<128xi32, #tpu.memory_space<vmem>>
      %dma_start3A_915 = arith.constant 0 : i32
      %dma_start3A_916 = tpu.memref_slice %arg3[%add3A_909, %dma_start3A_915] : memref<6400x128xi32, #tpu.memory_space<hbm>> -> memref<1x128xi32, #tpu.memory_space<hbm>>
      %dma_start3A_917 = tpu.memref_squeeze %dma_start3A_916 : memref<1x128xi32, #tpu.memory_space<hbm>> -> memref<128xi32, #tpu.memory_space<hbm>>
      %dma_start3A_918 = arith.constant 0 : i32
      %dma_start3A_919 = tpu.memref_slice %arg6[%dma_start3A_910, %dma_start3A_911, %dma_start3A_918] : memref<2x2x128xi32, #tpu.memory_space<vmem>> -> memref<1x1x128xi32, #tpu.memory_space<vmem>>
      %dma_start3A_920 = tpu.memref_squeeze %dma_start3A_919 : memref<1x1x128xi32, #tpu.memory_space<vmem>> -> memref<128xi32, #tpu.memory_space<vmem>>
      %dma_start3A_921 = arith.constant 0 : i32
      %dma_start3A_922 = tpu.memref_slice %arg3[%add3A_909, %dma_start3A_921] : memref<6400x128xi32, #tpu.memory_space<hbm>> -> memref<1x128xi32, #tpu.memory_space<hbm>>
      %dma_start3A_923 = tpu.memref_squeeze %dma_start3A_922 : memref<1x128xi32, #tpu.memory_space<hbm>> -> memref<128xi32, #tpu.memory_space<hbm>>
      tpu.enqueue_dma source(%dma_start3A_923 : memref<128xi32, #tpu.memory_space<hbm>>) target(%dma_start3A_920 : memref<128xi32, #tpu.memory_space<vmem>>) target_semaphore(%arg11 : memref<!tpu.dma_semaphore, #tpu.memory_space<semaphore_mem>>)
      %add3A_924 = arith.constant 8 : i32
      %add3A_925 = arith.addi %add3A_907, %add3A_924 : i32
      %dma_start3A_926 = arith.constant 1 : i32
      %dma_start3A_927 = arith.constant 1 : i32
      %dma_start3A_928 = arith.constant 0 : i32
      %dma_start3A_929 = tpu.memref_slice %arg6[%dma_start3A_926, %dma_start3A_927, %dma_start3A_928] : memref<2x2x128xi32, #tpu.memory_space<vmem>> -> memref<1x1x128xi32, #tpu.memory_space<vmem>>
      %dma_start3A_930 = tpu.memref_squeeze %dma_start3A_929 : memref<1x1x128xi32, #tpu.memory_space<vmem>> -> memref<128xi32, #tpu.memory_space<vmem>>
      %dma_start3A_931 = arith.constant 0 : i32
      %dma_start3A_932 = tpu.memref_slice %arg3[%add3A_925, %dma_start3A_931] : memref<6400x128xi32, #tpu.memory_space<hbm>> -> memref<1x128xi32, #tpu.memory_space<hbm>>
      %dma_start3A_933 = tpu.memref_squeeze %dma_start3A_932 : memref<1x128xi32, #tpu.memory_space<hbm>> -> memref<128xi32, #tpu.memory_space<hbm>>
      %dma_start3A_934 = arith.constant 0 : i32
      %dma_start3A_935 = tpu.memref_slice %arg6[%dma_start3A_926, %dma_start3A_927, %dma_start3A_934] : memref<2x2x128xi32, #tpu.memory_space<vmem>> -> memref<1x1x128xi32, #tpu.memory_space<vmem>>
      %dma_start3A_936 = tpu.memref_squeeze %dma_start3A_935 : memref<1x1x128xi32, #tpu.memory_space<vmem>> -> memref<128xi32, #tpu.memory_space<vmem>>
      %dma_start3A_937 = arith.constant 0 : i32
      %dma_start3A_938 = tpu.memref_slice %arg3[%add3A_925, %dma_start3A_937] : memref<6400x128xi32, #tpu.memory_space<hbm>> -> memref<1x128xi32, #tpu.memory_space<hbm>>
      %dma_start3A_939 = tpu.memref_squeeze %dma_start3A_938 : memref<1x128xi32, #tpu.memory_space<hbm>> -> memref<128xi32, #tpu.memory_space<hbm>>
      tpu.enqueue_dma source(%dma_start3A_939 : memref<128xi32, #tpu.memory_space<hbm>>) target(%dma_start3A_936 : memref<128xi32, #tpu.memory_space<vmem>>) target_semaphore(%arg11 : memref<!tpu.dma_semaphore, #tpu.memory_space<semaphore_mem>>)
      %gt3A_940 = arith.constant 0 : i32
      %gt3A_941 = arith.cmpi sgt, %add3A_783, %gt3A_940 : i32
      %convert_element_type3A_942 = arith.extui %gt3A_941 : i1 to i32
      %cond3A_943 = arith.constant 0 : i32
      %cond3A_944 = arith.cmpi ne, %convert_element_type3A_942, %cond3A_943 : i32
      scf.if %cond3A_944 {
        %dma_wait3A_1118 = arith.constant 0 : i32
        %dma_wait3A_1119 = arith.constant 0 : i32
        %dma_wait3A_1120 = tpu.memref_slice %arg8[%dma_wait3A_1118, %dma_wait3A_1119] : memref<192x129xf32, #tpu.memory_space<vmem>> -> memref<16x128xf32, #tpu.memory_space<vmem>>
        %dma_wait3A_1121 = arith.constant 0 : i32
        %dma_wait3A_1122 = arith.constant 0 : i32
        %dma_wait3A_1123 = tpu.memref_slice %arg5[%dma_wait3A_1121, %dma_wait3A_1122] : memref<409600x128xf32, #tpu.memory_space<hbm>> -> memref<16x128xf32, #tpu.memory_space<hbm>>
        %dma_wait3A_1124 = arith.constant 0 : i32
        %dma_wait3A_1125 = arith.constant 0 : i32
        %dma_wait3A_1126 = tpu.memref_slice %arg8[%dma_wait3A_1124, %dma_wait3A_1125] : memref<192x129xf32, #tpu.memory_space<vmem>> -> memref<16x128xf32, #tpu.memory_space<vmem>>
        %dma_wait3A_1127 = arith.constant 0 : i32
        %dma_wait3A_1128 = arith.constant 0 : i32
        %dma_wait3A_1129 = tpu.memref_slice %arg5[%dma_wait3A_1127, %dma_wait3A_1128] : memref<409600x128xf32, #tpu.memory_space<hbm>> -> memref<16x128xf32, #tpu.memory_space<hbm>>
        tpu.wait_dma2 semaphore(%arg14 : memref<!tpu.dma_semaphore, #tpu.memory_space<semaphore_mem>>) src(%dma_wait3A_1129 : memref<16x128xf32, #tpu.memory_space<hbm>>) dst(%dma_wait3A_1126 : memref<16x128xf32, #tpu.memory_space<vmem>>)
        %dma_wait3A_1130 = arith.constant 24 : i32
        %dma_wait3A_1131 = arith.constant 0 : i32
        %dma_wait3A_1132 = tpu.memref_slice %arg8[%dma_wait3A_1130, %dma_wait3A_1131] : memref<192x129xf32, #tpu.memory_space<vmem>> -> memref<16x128xf32, #tpu.memory_space<vmem>>
        %dma_wait3A_1133 = arith.constant 0 : i32
        %dma_wait3A_1134 = arith.constant 0 : i32
        %dma_wait3A_1135 = tpu.memref_slice %arg5[%dma_wait3A_1133, %dma_wait3A_1134] : memref<409600x128xf32, #tpu.memory_space<hbm>> -> memref<16x128xf32, #tpu.memory_space<hbm>>
        %dma_wait3A_1136 = arith.constant 24 : i32
        %dma_wait3A_1137 = arith.constant 0 : i32
        %dma_wait3A_1138 = tpu.memref_slice %arg8[%dma_wait3A_1136, %dma_wait3A_1137] : memref<192x129xf32, #tpu.memory_space<vmem>> -> memref<16x128xf32, #tpu.memory_space<vmem>>
        %dma_wait3A_1139 = arith.constant 0 : i32
        %dma_wait3A_1140 = arith.constant 0 : i32
        %dma_wait3A_1141 = tpu.memref_slice %arg5[%dma_wait3A_1139, %dma_wait3A_1140] : memref<409600x128xf32, #tpu.memory_space<hbm>> -> memref<16x128xf32, #tpu.memory_space<hbm>>
        tpu.wait_dma2 semaphore(%arg14 : memref<!tpu.dma_semaphore, #tpu.memory_space<semaphore_mem>>) src(%dma_wait3A_1141 : memref<16x128xf32, #tpu.memory_space<hbm>>) dst(%dma_wait3A_1138 : memref<16x128xf32, #tpu.memory_space<vmem>>)
        %dma_wait3A_1142 = arith.constant 48 : i32
        %dma_wait3A_1143 = arith.constant 0 : i32
        %dma_wait3A_1144 = tpu.memref_slice %arg8[%dma_wait3A_1142, %dma_wait3A_1143] : memref<192x129xf32, #tpu.memory_space<vmem>> -> memref<16x128xf32, #tpu.memory_space<vmem>>
        %dma_wait3A_1145 = arith.constant 0 : i32
        %dma_wait3A_1146 = arith.constant 0 : i32
        %dma_wait3A_1147 = tpu.memref_slice %arg5[%dma_wait3A_1145, %dma_wait3A_1146] : memref<409600x128xf32, #tpu.memory_space<hbm>> -> memref<16x128xf32, #tpu.memory_space<hbm>>
        %dma_wait3A_1148 = arith.constant 48 : i32
        %dma_wait3A_1149 = arith.constant 0 : i32
        %dma_wait3A_1150 = tpu.memref_slice %arg8[%dma_wait3A_1148, %dma_wait3A_1149] : memref<192x129xf32, #tpu.memory_space<vmem>> -> memref<16x128xf32, #tpu.memory_space<vmem>>
        %dma_wait3A_1151 = arith.constant 0 : i32
        %dma_wait3A_1152 = arith.constant 0 : i32
        %dma_wait3A_1153 = tpu.memref_slice %arg5[%dma_wait3A_1151, %dma_wait3A_1152] : memref<409600x128xf32, #tpu.memory_space<hbm>> -> memref<16x128xf32, #tpu.memory_space<hbm>>
        tpu.wait_dma2 semaphore(%arg14 : memref<!tpu.dma_semaphore, #tpu.memory_space<semaphore_mem>>) src(%dma_wait3A_1153 : memref<16x128xf32, #tpu.memory_space<hbm>>) dst(%dma_wait3A_1150 : memref<16x128xf32, #tpu.memory_space<vmem>>)
        %dma_wait3A_1154 = arith.constant 72 : i32
        %dma_wait3A_1155 = arith.constant 0 : i32
        %dma_wait3A_1156 = tpu.memref_slice %arg8[%dma_wait3A_1154, %dma_wait3A_1155] : memref<192x129xf32, #tpu.memory_space<vmem>> -> memref<16x128xf32, #tpu.memory_space<vmem>>
        %dma_wait3A_1157 = arith.constant 0 : i32
        %dma_wait3A_1158 = arith.constant 0 : i32
        %dma_wait3A_1159 = tpu.memref_slice %arg5[%dma_wait3A_1157, %dma_wait3A_1158] : memref<409600x128xf32, #tpu.memory_space<hbm>> -> memref<16x128xf32, #tpu.memory_space<hbm>>
        %dma_wait3A_1160 = arith.constant 72 : i32
        %dma_wait3A_1161 = arith.constant 0 : i32
        %dma_wait3A_1162 = tpu.memref_slice %arg8[%dma_wait3A_1160, %dma_wait3A_1161] : memref<192x129xf32, #tpu.memory_space<vmem>> -> memref<16x128xf32, #tpu.memory_space<vmem>>
        %dma_wait3A_1163 = arith.constant 0 : i32
        %dma_wait3A_1164 = arith.constant 0 : i32
        %dma_wait3A_1165 = tpu.memref_slice %arg5[%dma_wait3A_1163, %dma_wait3A_1164] : memref<409600x128xf32, #tpu.memory_space<hbm>> -> memref<16x128xf32, #tpu.memory_space<hbm>>
        tpu.wait_dma2 semaphore(%arg14 : memref<!tpu.dma_semaphore, #tpu.memory_space<semaphore_mem>>) src(%dma_wait3A_1165 : memref<16x128xf32, #tpu.memory_space<hbm>>) dst(%dma_wait3A_1162 : memref<16x128xf32, #tpu.memory_space<vmem>>)
        %dma_wait3A_1166 = arith.constant 96 : i32
        %dma_wait3A_1167 = arith.constant 0 : i32
        %dma_wait3A_1168 = tpu.memref_slice %arg8[%dma_wait3A_1166, %dma_wait3A_1167] : memref<192x129xf32, #tpu.memory_space<vmem>> -> memref<16x128xf32, #tpu.memory_space<vmem>>
        %dma_wait3A_1169 = arith.constant 0 : i32
        %dma_wait3A_1170 = arith.constant 0 : i32
        %dma_wait3A_1171 = tpu.memref_slice %arg5[%dma_wait3A_1169, %dma_wait3A_1170] : memref<409600x128xf32, #tpu.memory_space<hbm>> -> memref<16x128xf32, #tpu.memory_space<hbm>>
        %dma_wait3A_1172 = arith.constant 96 : i32
        %dma_wait3A_1173 = arith.constant 0 : i32
        %dma_wait3A_1174 = tpu.memref_slice %arg8[%dma_wait3A_1172, %dma_wait3A_1173] : memref<192x129xf32, #tpu.memory_space<vmem>> -> memref<16x128xf32, #tpu.memory_space<vmem>>
        %dma_wait3A_1175 = arith.constant 0 : i32
        %dma_wait3A_1176 = arith.constant 0 : i32
        %dma_wait3A_1177 = tpu.memref_slice %arg5[%dma_wait3A_1175, %dma_wait3A_1176] : memref<409600x128xf32, #tpu.memory_space<hbm>> -> memref<16x128xf32, #tpu.memory_space<hbm>>
        tpu.wait_dma2 semaphore(%arg14 : memref<!tpu.dma_semaphore, #tpu.memory_space<semaphore_mem>>) src(%dma_wait3A_1177 : memref<16x128xf32, #tpu.memory_space<hbm>>) dst(%dma_wait3A_1174 : memref<16x128xf32, #tpu.memory_space<vmem>>)
        %dma_wait3A_1178 = arith.constant 120 : i32
        %dma_wait3A_1179 = arith.constant 0 : i32
        %dma_wait3A_1180 = tpu.memref_slice %arg8[%dma_wait3A_1178, %dma_wait3A_1179] : memref<192x129xf32, #tpu.memory_space<vmem>> -> memref<16x128xf32, #tpu.memory_space<vmem>>
        %dma_wait3A_1181 = arith.constant 0 : i32
        %dma_wait3A_1182 = arith.constant 0 : i32
        %dma_wait3A_1183 = tpu.memref_slice %arg5[%dma_wait3A_1181, %dma_wait3A_1182] : memref<409600x128xf32, #tpu.memory_space<hbm>> -> memref<16x128xf32, #tpu.memory_space<hbm>>
        %dma_wait3A_1184 = arith.constant 120 : i32
        %dma_wait3A_1185 = arith.constant 0 : i32
        %dma_wait3A_1186 = tpu.memref_slice %arg8[%dma_wait3A_1184, %dma_wait3A_1185] : memref<192x129xf32, #tpu.memory_space<vmem>> -> memref<16x128xf32, #tpu.memory_space<vmem>>
        %dma_wait3A_1187 = arith.constant 0 : i32
        %dma_wait3A_1188 = arith.constant 0 : i32
        %dma_wait3A_1189 = tpu.memref_slice %arg5[%dma_wait3A_1187, %dma_wait3A_1188] : memref<409600x128xf32, #tpu.memory_space<hbm>> -> memref<16x128xf32, #tpu.memory_space<hbm>>
        tpu.wait_dma2 semaphore(%arg14 : memref<!tpu.dma_semaphore, #tpu.memory_space<semaphore_mem>>) src(%dma_wait3A_1189 : memref<16x128xf32, #tpu.memory_space<hbm>>) dst(%dma_wait3A_1186 : memref<16x128xf32, #tpu.memory_space<vmem>>)
        %dma_wait3A_1190 = arith.constant 144 : i32
        %dma_wait3A_1191 = arith.constant 0 : i32
        %dma_wait3A_1192 = tpu.memref_slice %arg8[%dma_wait3A_1190, %dma_wait3A_1191] : memref<192x129xf32, #tpu.memory_space<vmem>> -> memref<16x128xf32, #tpu.memory_space<vmem>>
        %dma_wait3A_1193 = arith.constant 0 : i32
        %dma_wait3A_1194 = arith.constant 0 : i32
        %dma_wait3A_1195 = tpu.memref_slice %arg5[%dma_wait3A_1193, %dma_wait3A_1194] : memref<409600x128xf32, #tpu.memory_space<hbm>> -> memref<16x128xf32, #tpu.memory_space<hbm>>
        %dma_wait3A_1196 = arith.constant 144 : i32
        %dma_wait3A_1197 = arith.constant 0 : i32
        %dma_wait3A_1198 = tpu.memref_slice %arg8[%dma_wait3A_1196, %dma_wait3A_1197] : memref<192x129xf32, #tpu.memory_space<vmem>> -> memref<16x128xf32, #tpu.memory_space<vmem>>
        %dma_wait3A_1199 = arith.constant 0 : i32
        %dma_wait3A_1200 = arith.constant 0 : i32
        %dma_wait3A_1201 = tpu.memref_slice %arg5[%dma_wait3A_1199, %dma_wait3A_1200] : memref<409600x128xf32, #tpu.memory_space<hbm>> -> memref<16x128xf32, #tpu.memory_space<hbm>>
        tpu.wait_dma2 semaphore(%arg14 : memref<!tpu.dma_semaphore, #tpu.memory_space<semaphore_mem>>) src(%dma_wait3A_1201 : memref<16x128xf32, #tpu.memory_space<hbm>>) dst(%dma_wait3A_1198 : memref<16x128xf32, #tpu.memory_space<vmem>>)
        %dma_wait3A_1202 = arith.constant 168 : i32
        %dma_wait3A_1203 = arith.constant 0 : i32
        %dma_wait3A_1204 = tpu.memref_slice %arg8[%dma_wait3A_1202, %dma_wait3A_1203] : memref<192x129xf32, #tpu.memory_space<vmem>> -> memref<16x128xf32, #tpu.memory_space<vmem>>
        %dma_wait3A_1205 = arith.constant 0 : i32
        %dma_wait3A_1206 = arith.constant 0 : i32
        %dma_wait3A_1207 = tpu.memref_slice %arg5[%dma_wait3A_1205, %dma_wait3A_1206] : memref<409600x128xf32, #tpu.memory_space<hbm>> -> memref<16x128xf32, #tpu.memory_space<hbm>>
        %dma_wait3A_1208 = arith.constant 168 : i32
        %dma_wait3A_1209 = arith.constant 0 : i32
        %dma_wait3A_1210 = tpu.memref_slice %arg8[%dma_wait3A_1208, %dma_wait3A_1209] : memref<192x129xf32, #tpu.memory_space<vmem>> -> memref<16x128xf32, #tpu.memory_space<vmem>>
        %dma_wait3A_1211 = arith.constant 0 : i32
        %dma_wait3A_1212 = arith.constant 0 : i32
        %dma_wait3A_1213 = tpu.memref_slice %arg5[%dma_wait3A_1211, %dma_wait3A_1212] : memref<409600x128xf32, #tpu.memory_space<hbm>> -> memref<16x128xf32, #tpu.memory_space<hbm>>
        tpu.wait_dma2 semaphore(%arg14 : memref<!tpu.dma_semaphore, #tpu.memory_space<semaphore_mem>>) src(%dma_wait3A_1213 : memref<16x128xf32, #tpu.memory_space<hbm>>) dst(%dma_wait3A_1210 : memref<16x128xf32, #tpu.memory_space<vmem>>)
      } else {
      }
      %mul3A_945 = arith.constant 100 : i32
      %mul3A_946 = arith.muli %select_n3A_67, %mul3A_945 : i32
      %add3A_947 = arith.addi %mul3A_946, %add3A_783 : i32
      %get3A_948 = arith.index_cast %add3A_947 : i32 to index
      %get3A_949 = arith.constant 0 : index
      %get3A_950 = tpu.vector_load %arg9[%get3A_948, %get3A_949] {strides = array<i32>} : memref<200x64xf32, #tpu.memory_space<vmem>>, vector<16xf32>,
      %get3A_951 = arith.index_cast %add3A_947 : i32 to index
      %get3A_952 = arith.constant 16 : index
      %get3A_953 = tpu.vector_load %arg9[%get3A_951, %get3A_952] {strides = array<i32>} : memref<200x64xf32, #tpu.memory_space<vmem>>, vector<16xf32>,
      %get3A_954 = arith.index_cast %add3A_947 : i32 to index
      %get3A_955 = arith.constant 32 : index
      %get3A_956 = tpu.vector_load %arg9[%get3A_954, %get3A_955] {strides = array<i32>} : memref<200x64xf32, #tpu.memory_space<vmem>>, vector<16xf32>,
      %get3A_957 = arith.index_cast %add3A_947 : i32 to index
      %get3A_958 = arith.constant 48 : index
      %get3A_959 = tpu.vector_load %arg9[%get3A_957, %get3A_958] {strides = array<i32>} : memref<200x64xf32, #tpu.memory_space<vmem>>, vector<16xf32>,
      %parallel_loop3A_960 = arith.constant 0 : i32
      %parallel_loop3A_961 = arith.constant 256 : i32
      %parallel_loop3A_962 = arith.constant 1 : i32
      scf.for %parallel_loop3A_1118 = %parallel_loop3A_960 to %parallel_loop3A_961 step %parallel_loop3A_962  : i32 {
        %parallel_loop3A_1119 = arith.constant 128 : i32
        %parallel_loop3A_1120 = arith.divsi %parallel_loop3A_1118, %parallel_loop3A_1119 : i32
        %parallel_loop3A_1121 = arith.constant 0 : i32
        %parallel_loop3A_1122 = arith.cmpi sgt, %parallel_loop3A_1118, %parallel_loop3A_1121 : i32
        %parallel_loop3A_1123 = arith.extui %parallel_loop3A_1122 : i1 to i32
        %parallel_loop3A_1124 = arith.constant 0 : i32
        %parallel_loop3A_1125 = arith.cmpi slt, %parallel_loop3A_1118, %parallel_loop3A_1124 : i32
        %parallel_loop3A_1126 = arith.extui %parallel_loop3A_1125 : i1 to i32
        %parallel_loop3A_1127 = arith.subi %parallel_loop3A_1123, %parallel_loop3A_1126 : i32
        %parallel_loop3A_1128 = arith.constant 0 : i32
        %parallel_loop3A_1129 = arith.cmpi sgt, %parallel_loop3A_1119, %parallel_loop3A_1128 : i32
        %parallel_loop3A_1130 = arith.extui %parallel_loop3A_1129 : i1 to i32
        %parallel_loop3A_1131 = arith.constant 0 : i32
        %parallel_loop3A_1132 = arith.cmpi slt, %parallel_loop3A_1119, %parallel_loop3A_1131 : i32
        %parallel_loop3A_1133 = arith.extui %parallel_loop3A_1132 : i1 to i32
        %parallel_loop3A_1134 = arith.subi %parallel_loop3A_1130, %parallel_loop3A_1133 : i32
        %parallel_loop3A_1135 = arith.cmpi ne, %parallel_loop3A_1127, %parallel_loop3A_1134 : i32
        %parallel_loop3A_1136 = arith.remsi %parallel_loop3A_1118, %parallel_loop3A_1119 : i32
        %parallel_loop3A_1137 = arith.constant 0 : i32
        %parallel_loop3A_1138 = arith.cmpi ne, %parallel_loop3A_1136, %parallel_loop3A_1137 : i32
        %parallel_loop3A_1139 = arith.andi %parallel_loop3A_1135, %parallel_loop3A_1138 : i1
        %parallel_loop3A_1140 = arith.constant 1 : i32
        %parallel_loop3A_1141 = arith.subi %parallel_loop3A_1120, %parallel_loop3A_1140 : i32
        %parallel_loop3A_1142 = arith.select %parallel_loop3A_1139, %parallel_loop3A_1141, %parallel_loop3A_1120 : i32
        %parallel_loop3A_1143 = arith.constant 128 : i32
        %parallel_loop3A_1144 = arith.constant 0 : i32
        %parallel_loop3A_1145 = arith.cmpi eq, %parallel_loop3A_1143, %parallel_loop3A_1144 : i32
        %parallel_loop3A_1146 = arith.constant 1 : i32
        %parallel_loop3A_1147 = arith.select %parallel_loop3A_1145, %parallel_loop3A_1146, %parallel_loop3A_1143 : i32
        %parallel_loop3A_1148 = arith.remsi %parallel_loop3A_1118, %parallel_loop3A_1147 : i32
        %parallel_loop3A_1149 = arith.constant 0 : i32
        %parallel_loop3A_1150 = arith.cmpi ne, %parallel_loop3A_1148, %parallel_loop3A_1149 : i32
        %parallel_loop3A_1151 = arith.constant 0 : i32
        %parallel_loop3A_1152 = arith.cmpi slt, %parallel_loop3A_1148, %parallel_loop3A_1151 : i32
        %parallel_loop3A_1153 = arith.constant 0 : i32
        %parallel_loop3A_1154 = arith.cmpi slt, %parallel_loop3A_1147, %parallel_loop3A_1153 : i32
        %parallel_loop3A_1155 = arith.xori %parallel_loop3A_1152, %parallel_loop3A_1154 : i1
        %parallel_loop3A_1156 = arith.andi %parallel_loop3A_1155, %parallel_loop3A_1150 : i1
        %parallel_loop3A_1157 = arith.addi %parallel_loop3A_1148, %parallel_loop3A_1147 : i32
        %parallel_loop3A_1158 = arith.select %parallel_loop3A_1156, %parallel_loop3A_1157, %parallel_loop3A_1148 : i32
        %parallel_loop3A_1159 = vector.broadcast %parallel_loop3A_1158 : i32 to vector<16xi32>
        %parallel_loop3A_1160 = arith.constant 8 : i32
        %parallel_loop3A_1161 = arith.muli %parallel_loop3A_1142, %parallel_loop3A_1160 : i32
        %parallel_loop3A_1162 = vector.broadcast %parallel_loop3A_1161 : i32 to vector<16xi32>
        %parallel_loop3A_1163 = arith.addi %parallel_loop3A_1162, %select_n3A_41 : vector<16xi32>
        %parallel_loop3A_1164 = arith.constant 1 : i32
        %parallel_loop3A_1165 = arith.index_cast %parallel_loop3A_1164 : i32 to index
        %parallel_loop3A_1166 = arith.index_cast %parallel_loop3A_1118 : i32 to index
        %parallel_loop3A_1167 = arith.constant 0 : index
        %parallel_loop3A_1168 = tpu.vector_load %arg7[%parallel_loop3A_1165, %parallel_loop3A_1166, %parallel_loop3A_1167] {strides = array<i32>} : memref<2x256x128xf32, #tpu.memory_space<vmem>>, vector<16xf32>,
        %parallel_loop3A_1169 = arith.addf %parallel_loop3A_1168, %get3A_950 : vector<16xf32>
        %parallel_loop3A_1170 = arith.constant 0 : i32
        %parallel_loop3A_1171 = vector.broadcast %parallel_loop3A_1170 : i32 to vector<16xi32>
        %parallel_loop3A_1172 = arith.addi %parallel_loop3A_1171, %select_n3A : vector<16xi32>
        %parallel_loop3A_1173 = arith.constant 24 : i32
        %parallel_loop3A_1174 = vector.broadcast %parallel_loop3A_1173 : i32 to vector<16xi32>
        %parallel_loop3A_1175 = arith.muli %parallel_loop3A_1172, %parallel_loop3A_1174 : vector<16xi32>
        %parallel_loop3A_1176 = arith.addi %parallel_loop3A_1175, %parallel_loop3A_1163 : vector<16xi32>
        tpu.vector_store_idx %arg8[%parallel_loop3A_1176, %parallel_loop3A_1159], %parallel_loop3A_1169 : memref<192x129xf32, #tpu.memory_space<vmem>>[vector<16xi32>, vector<16xi32>], vector<16xf32>,
        %parallel_loop3A_1177 = arith.constant 1 : i32
        %parallel_loop3A_1178 = arith.index_cast %parallel_loop3A_1177 : i32 to index
        %parallel_loop3A_1179 = arith.index_cast %parallel_loop3A_1118 : i32 to index
        %parallel_loop3A_1180 = arith.constant 16 : index
        %parallel_loop3A_1181 = tpu.vector_load %arg7[%parallel_loop3A_1178, %parallel_loop3A_1179, %parallel_loop3A_1180] {strides = array<i32>} : memref<2x256x128xf32, #tpu.memory_space<vmem>>, vector<16xf32>,
        %parallel_loop3A_1182 = arith.addf %parallel_loop3A_1181, %get3A_953 : vector<16xf32>
        %parallel_loop3A_1183 = arith.constant 2 : i32
        %parallel_loop3A_1184 = vector.broadcast %parallel_loop3A_1183 : i32 to vector<16xi32>
        %parallel_loop3A_1185 = arith.addi %parallel_loop3A_1184, %select_n3A : vector<16xi32>
        %parallel_loop3A_1186 = arith.constant 24 : i32
        %parallel_loop3A_1187 = vector.broadcast %parallel_loop3A_1186 : i32 to vector<16xi32>
        %parallel_loop3A_1188 = arith.muli %parallel_loop3A_1185, %parallel_loop3A_1187 : vector<16xi32>
        %parallel_loop3A_1189 = arith.addi %parallel_loop3A_1188, %parallel_loop3A_1163 : vector<16xi32>
        tpu.vector_store_idx %arg8[%parallel_loop3A_1189, %parallel_loop3A_1159], %parallel_loop3A_1182 : memref<192x129xf32, #tpu.memory_space<vmem>>[vector<16xi32>, vector<16xi32>], vector<16xf32>,
        %parallel_loop3A_1190 = arith.constant 1 : i32
        %parallel_loop3A_1191 = arith.index_cast %parallel_loop3A_1190 : i32 to index
        %parallel_loop3A_1192 = arith.index_cast %parallel_loop3A_1118 : i32 to index
        %parallel_loop3A_1193 = arith.constant 32 : index
        %parallel_loop3A_1194 = tpu.vector_load %arg7[%parallel_loop3A_1191, %parallel_loop3A_1192, %parallel_loop3A_1193] {strides = array<i32>} : memref<2x256x128xf32, #tpu.memory_space<vmem>>, vector<16xf32>,
        %parallel_loop3A_1195 = arith.addf %parallel_loop3A_1194, %get3A_956 : vector<16xf32>
        %parallel_loop3A_1196 = arith.constant 4 : i32
        %parallel_loop3A_1197 = vector.broadcast %parallel_loop3A_1196 : i32 to vector<16xi32>
        %parallel_loop3A_1198 = arith.addi %parallel_loop3A_1197, %select_n3A : vector<16xi32>
        %parallel_loop3A_1199 = arith.constant 24 : i32
        %parallel_loop3A_1200 = vector.broadcast %parallel_loop3A_1199 : i32 to vector<16xi32>
        %parallel_loop3A_1201 = arith.muli %parallel_loop3A_1198, %parallel_loop3A_1200 : vector<16xi32>
        %parallel_loop3A_1202 = arith.addi %parallel_loop3A_1201, %parallel_loop3A_1163 : vector<16xi32>
        tpu.vector_store_idx %arg8[%parallel_loop3A_1202, %parallel_loop3A_1159], %parallel_loop3A_1195 : memref<192x129xf32, #tpu.memory_space<vmem>>[vector<16xi32>, vector<16xi32>], vector<16xf32>,
        %parallel_loop3A_1203 = arith.constant 1 : i32
        %parallel_loop3A_1204 = arith.index_cast %parallel_loop3A_1203 : i32 to index
        %parallel_loop3A_1205 = arith.index_cast %parallel_loop3A_1118 : i32 to index
        %parallel_loop3A_1206 = arith.constant 48 : index
        %parallel_loop3A_1207 = tpu.vector_load %arg7[%parallel_loop3A_1204, %parallel_loop3A_1205, %parallel_loop3A_1206] {strides = array<i32>} : memref<2x256x128xf32, #tpu.memory_space<vmem>>, vector<16xf32>,
        %parallel_loop3A_1208 = arith.addf %parallel_loop3A_1207, %get3A_959 : vector<16xf32>
        %parallel_loop3A_1209 = arith.constant 6 : i32
        %parallel_loop3A_1210 = vector.broadcast %parallel_loop3A_1209 : i32 to vector<16xi32>
        %parallel_loop3A_1211 = arith.addi %parallel_loop3A_1210, %select_n3A : vector<16xi32>
        %parallel_loop3A_1212 = arith.constant 24 : i32
        %parallel_loop3A_1213 = vector.broadcast %parallel_loop3A_1212 : i32 to vector<16xi32>
        %parallel_loop3A_1214 = arith.muli %parallel_loop3A_1211, %parallel_loop3A_1213 : vector<16xi32>
        %parallel_loop3A_1215 = arith.addi %parallel_loop3A_1214, %parallel_loop3A_1163 : vector<16xi32>
        tpu.vector_store_idx %arg8[%parallel_loop3A_1215, %parallel_loop3A_1159], %parallel_loop3A_1208 : memref<192x129xf32, #tpu.memory_space<vmem>>[vector<16xi32>, vector<16xi32>], vector<16xf32>,
      } {sc.loop_unroll_factor = 8 : i64, sc.parallel_access}
      %mul3A_963 = arith.constant 100 : i32
      %mul3A_964 = arith.muli %select_n3A_67, %mul3A_963 : i32
      %add3A_965 = arith.addi %mul3A_964, %add3A_783 : i32
      %mul3A_966 = arith.constant 8 : i32
      %mul3A_967 = arith.muli %add3A_965, %mul3A_966 : i32
      %add3A_968 = arith.constant 0 : i32
      %add3A_969 = arith.addi %mul3A_967, %add3A_968 : i32
      %mul3A_970 = arith.constant 32 : i32
      %mul3A_971 = arith.muli %add3A_969, %mul3A_970 : i32
      %add3A_972 = arith.addi %mul3A_971, %mul3A_85 : i32
      %mul3A_973 = arith.constant 8 : i32
      %mul3A_974 = arith.muli %add3A_972, %mul3A_973 : i32
      %dma_start3A_975 = arith.constant 0 : i32
      %dma_start3A_976 = arith.constant 0 : i32
      %dma_start3A_977 = tpu.memref_slice %arg8[%dma_start3A_975, %dma_start3A_976] : memref<192x129xf32, #tpu.memory_space<vmem>> -> memref<16x128xf32, #tpu.memory_space<vmem>>
      %dma_start3A_978 = arith.constant 0 : i32
      %dma_start3A_979 = tpu.memref_slice %arg5[%mul3A_974, %dma_start3A_978] : memref<409600x128xf32, #tpu.memory_space<hbm>> -> memref<16x128xf32, #tpu.memory_space<hbm>>
      %dma_start3A_980 = arith.constant 0 : i32
      %dma_start3A_981 = tpu.memref_slice %arg5[%mul3A_974, %dma_start3A_980] : memref<409600x128xf32, #tpu.memory_space<hbm>> -> memref<16x128xf32, #tpu.memory_space<hbm>>
      %dma_start3A_982 = arith.constant 0 : i32
      %dma_start3A_983 = arith.constant 0 : i32
      %dma_start3A_984 = tpu.memref_slice %arg8[%dma_start3A_982, %dma_start3A_983] : memref<192x129xf32, #tpu.memory_space<vmem>> -> memref<16x128xf32, #tpu.memory_space<vmem>>
      tpu.enqueue_dma source(%dma_start3A_984 : memref<16x128xf32, #tpu.memory_space<vmem>>) target(%dma_start3A_981 : memref<16x128xf32, #tpu.memory_space<hbm>>) target_semaphore(%arg14 : memref<!tpu.dma_semaphore, #tpu.memory_space<semaphore_mem>>)
      %mul3A_985 = arith.constant 8 : i32
      %mul3A_986 = arith.muli %add3A_965, %mul3A_985 : i32
      %add3A_987 = arith.constant 1 : i32
      %add3A_988 = arith.addi %mul3A_986, %add3A_987 : i32
      %mul3A_989 = arith.constant 32 : i32
      %mul3A_990 = arith.muli %add3A_988, %mul3A_989 : i32
      %add3A_991 = arith.addi %mul3A_990, %mul3A_85 : i32
      %mul3A_992 = arith.constant 8 : i32
      %mul3A_993 = arith.muli %add3A_991, %mul3A_992 : i32
      %dma_start3A_994 = arith.constant 24 : i32
      %dma_start3A_995 = arith.constant 0 : i32
      %dma_start3A_996 = tpu.memref_slice %arg8[%dma_start3A_994, %dma_start3A_995] : memref<192x129xf32, #tpu.memory_space<vmem>> -> memref<16x128xf32, #tpu.memory_space<vmem>>
      %dma_start3A_997 = arith.constant 0 : i32
      %dma_start3A_998 = tpu.memref_slice %arg5[%mul3A_993, %dma_start3A_997] : memref<409600x128xf32, #tpu.memory_space<hbm>> -> memref<16x128xf32, #tpu.memory_space<hbm>>
      %dma_start3A_999 = arith.constant 0 : i32
      %dma_start3A_1000 = tpu.memref_slice %arg5[%mul3A_993, %dma_start3A_999] : memref<409600x128xf32, #tpu.memory_space<hbm>> -> memref<16x128xf32, #tpu.memory_space<hbm>>
      %dma_start3A_1001 = arith.constant 24 : i32
      %dma_start3A_1002 = arith.constant 0 : i32
      %dma_start3A_1003 = tpu.memref_slice %arg8[%dma_start3A_1001, %dma_start3A_1002] : memref<192x129xf32, #tpu.memory_space<vmem>> -> memref<16x128xf32, #tpu.memory_space<vmem>>
      tpu.enqueue_dma source(%dma_start3A_1003 : memref<16x128xf32, #tpu.memory_space<vmem>>) target(%dma_start3A_1000 : memref<16x128xf32, #tpu.memory_space<hbm>>) target_semaphore(%arg14 : memref<!tpu.dma_semaphore, #tpu.memory_space<semaphore_mem>>)
      %mul3A_1004 = arith.constant 8 : i32
      %mul3A_1005 = arith.muli %add3A_965, %mul3A_1004 : i32
      %add3A_1006 = arith.constant 2 : i32
      %add3A_1007 = arith.addi %mul3A_1005, %add3A_1006 : i32
      %mul3A_1008 = arith.constant 32 : i32
      %mul3A_1009 = arith.muli %add3A_1007, %mul3A_1008 : i32
      %add3A_1010 = arith.addi %mul3A_1009, %mul3A_85 : i32
      %mul3A_1011 = arith.constant 8 : i32
      %mul3A_1012 = arith.muli %add3A_1010, %mul3A_1011 : i32
      %dma_start3A_1013 = arith.constant 48 : i32
      %dma_start3A_1014 = arith.constant 0 : i32
      %dma_start3A_1015 = tpu.memref_slice %arg8[%dma_start3A_1013, %dma_start3A_1014] : memref<192x129xf32, #tpu.memory_space<vmem>> -> memref<16x128xf32, #tpu.memory_space<vmem>>
      %dma_start3A_1016 = arith.constant 0 : i32
      %dma_start3A_1017 = tpu.memref_slice %arg5[%mul3A_1012, %dma_start3A_1016] : memref<409600x128xf32, #tpu.memory_space<hbm>> -> memref<16x128xf32, #tpu.memory_space<hbm>>
      %dma_start3A_1018 = arith.constant 0 : i32
      %dma_start3A_1019 = tpu.memref_slice %arg5[%mul3A_1012, %dma_start3A_1018] : memref<409600x128xf32, #tpu.memory_space<hbm>> -> memref<16x128xf32, #tpu.memory_space<hbm>>
      %dma_start3A_1020 = arith.constant 48 : i32
      %dma_start3A_1021 = arith.constant 0 : i32
      %dma_start3A_1022 = tpu.memref_slice %arg8[%dma_start3A_1020, %dma_start3A_1021] : memref<192x129xf32, #tpu.memory_space<vmem>> -> memref<16x128xf32, #tpu.memory_space<vmem>>
      tpu.enqueue_dma source(%dma_start3A_1022 : memref<16x128xf32, #tpu.memory_space<vmem>>) target(%dma_start3A_1019 : memref<16x128xf32, #tpu.memory_space<hbm>>) target_semaphore(%arg14 : memref<!tpu.dma_semaphore, #tpu.memory_space<semaphore_mem>>)
      %mul3A_1023 = arith.constant 8 : i32
      %mul3A_1024 = arith.muli %add3A_965, %mul3A_1023 : i32
      %add3A_1025 = arith.constant 3 : i32
      %add3A_1026 = arith.addi %mul3A_1024, %add3A_1025 : i32
      %mul3A_1027 = arith.constant 32 : i32
      %mul3A_1028 = arith.muli %add3A_1026, %mul3A_1027 : i32
      %add3A_1029 = arith.addi %mul3A_1028, %mul3A_85 : i32
      %mul3A_1030 = arith.constant 8 : i32
      %mul3A_1031 = arith.muli %add3A_1029, %mul3A_1030 : i32
      %dma_start3A_1032 = arith.constant 72 : i32
      %dma_start3A_1033 = arith.constant 0 : i32
      %dma_start3A_1034 = tpu.memref_slice %arg8[%dma_start3A_1032, %dma_start3A_1033] : memref<192x129xf32, #tpu.memory_space<vmem>> -> memref<16x128xf32, #tpu.memory_space<vmem>>
      %dma_start3A_1035 = arith.constant 0 : i32
      %dma_start3A_1036 = tpu.memref_slice %arg5[%mul3A_1031, %dma_start3A_1035] : memref<409600x128xf32, #tpu.memory_space<hbm>> -> memref<16x128xf32, #tpu.memory_space<hbm>>
      %dma_start3A_1037 = arith.constant 0 : i32
      %dma_start3A_1038 = tpu.memref_slice %arg5[%mul3A_1031, %dma_start3A_1037] : memref<409600x128xf32, #tpu.memory_space<hbm>> -> memref<16x128xf32, #tpu.memory_space<hbm>>
      %dma_start3A_1039 = arith.constant 72 : i32
      %dma_start3A_1040 = arith.constant 0 : i32
      %dma_start3A_1041 = tpu.memref_slice %arg8[%dma_start3A_1039, %dma_start3A_1040] : memref<192x129xf32, #tpu.memory_space<vmem>> -> memref<16x128xf32, #tpu.memory_space<vmem>>
      tpu.enqueue_dma source(%dma_start3A_1041 : memref<16x128xf32, #tpu.memory_space<vmem>>) target(%dma_start3A_1038 : memref<16x128xf32, #tpu.memory_space<hbm>>) target_semaphore(%arg14 : memref<!tpu.dma_semaphore, #tpu.memory_space<semaphore_mem>>)
      %mul3A_1042 = arith.constant 8 : i32
      %mul3A_1043 = arith.muli %add3A_965, %mul3A_1042 : i32
      %add3A_1044 = arith.constant 4 : i32
      %add3A_1045 = arith.addi %mul3A_1043, %add3A_1044 : i32
      %mul3A_1046 = arith.constant 32 : i32
      %mul3A_1047 = arith.muli %add3A_1045, %mul3A_1046 : i32
      %add3A_1048 = arith.addi %mul3A_1047, %mul3A_85 : i32
      %mul3A_1049 = arith.constant 8 : i32
      %mul3A_1050 = arith.muli %add3A_1048, %mul3A_1049 : i32
      %dma_start3A_1051 = arith.constant 96 : i32
      %dma_start3A_1052 = arith.constant 0 : i32
      %dma_start3A_1053 = tpu.memref_slice %arg8[%dma_start3A_1051, %dma_start3A_1052] : memref<192x129xf32, #tpu.memory_space<vmem>> -> memref<16x128xf32, #tpu.memory_space<vmem>>
      %dma_start3A_1054 = arith.constant 0 : i32
      %dma_start3A_1055 = tpu.memref_slice %arg5[%mul3A_1050, %dma_start3A_1054] : memref<409600x128xf32, #tpu.memory_space<hbm>> -> memref<16x128xf32, #tpu.memory_space<hbm>>
      %dma_start3A_1056 = arith.constant 0 : i32
      %dma_start3A_1057 = tpu.memref_slice %arg5[%mul3A_1050, %dma_start3A_1056] : memref<409600x128xf32, #tpu.memory_space<hbm>> -> memref<16x128xf32, #tpu.memory_space<hbm>>
      %dma_start3A_1058 = arith.constant 96 : i32
      %dma_start3A_1059 = arith.constant 0 : i32
      %dma_start3A_1060 = tpu.memref_slice %arg8[%dma_start3A_1058, %dma_start3A_1059] : memref<192x129xf32, #tpu.memory_space<vmem>> -> memref<16x128xf32, #tpu.memory_space<vmem>>
      tpu.enqueue_dma source(%dma_start3A_1060 : memref<16x128xf32, #tpu.memory_space<vmem>>) target(%dma_start3A_1057 : memref<16x128xf32, #tpu.memory_space<hbm>>) target_semaphore(%arg14 : memref<!tpu.dma_semaphore, #tpu.memory_space<semaphore_mem>>)
      %mul3A_1061 = arith.constant 8 : i32
      %mul3A_1062 = arith.muli %add3A_965, %mul3A_1061 : i32
      %add3A_1063 = arith.constant 5 : i32
      %add3A_1064 = arith.addi %mul3A_1062, %add3A_1063 : i32
      %mul3A_1065 = arith.constant 32 : i32
      %mul3A_1066 = arith.muli %add3A_1064, %mul3A_1065 : i32
      %add3A_1067 = arith.addi %mul3A_1066, %mul3A_85 : i32
      %mul3A_1068 = arith.constant 8 : i32
      %mul3A_1069 = arith.muli %add3A_1067, %mul3A_1068 : i32
      %dma_start3A_1070 = arith.constant 120 : i32
      %dma_start3A_1071 = arith.constant 0 : i32
      %dma_start3A_1072 = tpu.memref_slice %arg8[%dma_start3A_1070, %dma_start3A_1071] : memref<192x129xf32, #tpu.memory_space<vmem>> -> memref<16x128xf32, #tpu.memory_space<vmem>>
      %dma_start3A_1073 = arith.constant 0 : i32
      %dma_start3A_1074 = tpu.memref_slice %arg5[%mul3A_1069, %dma_start3A_1073] : memref<409600x128xf32, #tpu.memory_space<hbm>> -> memref<16x128xf32, #tpu.memory_space<hbm>>
      %dma_start3A_1075 = arith.constant 0 : i32
      %dma_start3A_1076 = tpu.memref_slice %arg5[%mul3A_1069, %dma_start3A_1075] : memref<409600x128xf32, #tpu.memory_space<hbm>> -> memref<16x128xf32, #tpu.memory_space<hbm>>
      %dma_start3A_1077 = arith.constant 120 : i32
      %dma_start3A_1078 = arith.constant 0 : i32
      %dma_start3A_1079 = tpu.memref_slice %arg8[%dma_start3A_1077, %dma_start3A_1078] : memref<192x129xf32, #tpu.memory_space<vmem>> -> memref<16x128xf32, #tpu.memory_space<vmem>>
      tpu.enqueue_dma source(%dma_start3A_1079 : memref<16x128xf32, #tpu.memory_space<vmem>>) target(%dma_start3A_1076 : memref<16x128xf32, #tpu.memory_space<hbm>>) target_semaphore(%arg14 : memref<!tpu.dma_semaphore, #tpu.memory_space<semaphore_mem>>)
      %mul3A_1080 = arith.constant 8 : i32
      %mul3A_1081 = arith.muli %add3A_965, %mul3A_1080 : i32
      %add3A_1082 = arith.constant 6 : i32
      %add3A_1083 = arith.addi %mul3A_1081, %add3A_1082 : i32
      %mul3A_1084 = arith.constant 32 : i32
      %mul3A_1085 = arith.muli %add3A_1083, %mul3A_1084 : i32
      %add3A_1086 = arith.addi %mul3A_1085, %mul3A_85 : i32
      %mul3A_1087 = arith.constant 8 : i32
      %mul3A_1088 = arith.muli %add3A_1086, %mul3A_1087 : i32
      %dma_start3A_1089 = arith.constant 144 : i32
      %dma_start3A_1090 = arith.constant 0 : i32
      %dma_start3A_1091 = tpu.memref_slice %arg8[%dma_start3A_1089, %dma_start3A_1090] : memref<192x129xf32, #tpu.memory_space<vmem>> -> memref<16x128xf32, #tpu.memory_space<vmem>>
      %dma_start3A_1092 = arith.constant 0 : i32
      %dma_start3A_1093 = tpu.memref_slice %arg5[%mul3A_1088, %dma_start3A_1092] : memref<409600x128xf32, #tpu.memory_space<hbm>> -> memref<16x128xf32, #tpu.memory_space<hbm>>
      %dma_start3A_1094 = arith.constant 0 : i32
      %dma_start3A_1095 = tpu.memref_slice %arg5[%mul3A_1088, %dma_start3A_1094] : memref<409600x128xf32, #tpu.memory_space<hbm>> -> memref<16x128xf32, #tpu.memory_space<hbm>>
      %dma_start3A_1096 = arith.constant 144 : i32
      %dma_start3A_1097 = arith.constant 0 : i32
      %dma_start3A_1098 = tpu.memref_slice %arg8[%dma_start3A_1096, %dma_start3A_1097] : memref<192x129xf32, #tpu.memory_space<vmem>> -> memref<16x128xf32, #tpu.memory_space<vmem>>
      tpu.enqueue_dma source(%dma_start3A_1098 : memref<16x128xf32, #tpu.memory_space<vmem>>) target(%dma_start3A_1095 : memref<16x128xf32, #tpu.memory_space<hbm>>) target_semaphore(%arg14 : memref<!tpu.dma_semaphore, #tpu.memory_space<semaphore_mem>>)
      %mul3A_1099 = arith.constant 8 : i32
      %mul3A_1100 = arith.muli %add3A_965, %mul3A_1099 : i32
      %add3A_1101 = arith.constant 7 : i32
      %add3A_1102 = arith.addi %mul3A_1100, %add3A_1101 : i32
      %mul3A_1103 = arith.constant 32 : i32
      %mul3A_1104 = arith.muli %add3A_1102, %mul3A_1103 : i32
      %add3A_1105 = arith.addi %mul3A_1104, %mul3A_85 : i32
      %mul3A_1106 = arith.constant 8 : i32
      %mul3A_1107 = arith.muli %add3A_1105, %mul3A_1106 : i32
      %dma_start3A_1108 = arith.constant 168 : i32
      %dma_start3A_1109 = arith.constant 0 : i32
      %dma_start3A_1110 = tpu.memref_slice %arg8[%dma_start3A_1108, %dma_start3A_1109] : memref<192x129xf32, #tpu.memory_space<vmem>> -> memref<16x128xf32, #tpu.memory_space<vmem>>
      %dma_start3A_1111 = arith.constant 0 : i32
      %dma_start3A_1112 = tpu.memref_slice %arg5[%mul3A_1107, %dma_start3A_1111] : memref<409600x128xf32, #tpu.memory_space<hbm>> -> memref<16x128xf32, #tpu.memory_space<hbm>>
      %dma_start3A_1113 = arith.constant 0 : i32
      %dma_start3A_1114 = tpu.memref_slice %arg5[%mul3A_1107, %dma_start3A_1113] : memref<409600x128xf32, #tpu.memory_space<hbm>> -> memref<16x128xf32, #tpu.memory_space<hbm>>
      %dma_start3A_1115 = arith.constant 168 : i32
      %dma_start3A_1116 = arith.constant 0 : i32
      %dma_start3A_1117 = tpu.memref_slice %arg8[%dma_start3A_1115, %dma_start3A_1116] : memref<192x129xf32, #tpu.memory_space<vmem>> -> memref<16x128xf32, #tpu.memory_space<vmem>>
      tpu.enqueue_dma source(%dma_start3A_1117 : memref<16x128xf32, #tpu.memory_space<vmem>>) target(%dma_start3A_1114 : memref<16x128xf32, #tpu.memory_space<hbm>>) target_semaphore(%arg14 : memref<!tpu.dma_semaphore, #tpu.memory_space<semaphore_mem>>)
    }
    %scan3A_308 = arith.constant 50 : i32
    %dma_wait3A_309 = arith.constant 0 : i32
    %dma_wait3A_310 = arith.constant 0 : i32
    %dma_wait3A_311 = tpu.memref_slice %arg8[%dma_wait3A_309, %dma_wait3A_310] : memref<192x129xf32, #tpu.memory_space<vmem>> -> memref<16x128xf32, #tpu.memory_space<vmem>>
    %dma_wait3A_312 = arith.constant 0 : i32
    %dma_wait3A_313 = arith.constant 0 : i32
    %dma_wait3A_314 = tpu.memref_slice %arg5[%dma_wait3A_312, %dma_wait3A_313] : memref<409600x128xf32, #tpu.memory_space<hbm>> -> memref<16x128xf32, #tpu.memory_space<hbm>>
    %dma_wait3A_315 = arith.constant 0 : i32
    %dma_wait3A_316 = arith.constant 0 : i32
    %dma_wait3A_317 = tpu.memref_slice %arg8[%dma_wait3A_315, %dma_wait3A_316] : memref<192x129xf32, #tpu.memory_space<vmem>> -> memref<16x128xf32, #tpu.memory_space<vmem>>
    %dma_wait3A_318 = arith.constant 0 : i32
    %dma_wait3A_319 = arith.constant 0 : i32
    %dma_wait3A_320 = tpu.memref_slice %arg5[%dma_wait3A_318, %dma_wait3A_319] : memref<409600x128xf32, #tpu.memory_space<hbm>> -> memref<16x128xf32, #tpu.memory_space<hbm>>
    tpu.wait_dma2 semaphore(%arg14 : memref<!tpu.dma_semaphore, #tpu.memory_space<semaphore_mem>>) src(%dma_wait3A_320 : memref<16x128xf32, #tpu.memory_space<hbm>>) dst(%dma_wait3A_317 : memref<16x128xf32, #tpu.memory_space<vmem>>)
    %dma_wait3A_321 = arith.constant 24 : i32
    %dma_wait3A_322 = arith.constant 0 : i32
    %dma_wait3A_323 = tpu.memref_slice %arg8[%dma_wait3A_321, %dma_wait3A_322] : memref<192x129xf32, #tpu.memory_space<vmem>> -> memref<16x128xf32, #tpu.memory_space<vmem>>
    %dma_wait3A_324 = arith.constant 0 : i32
    %dma_wait3A_325 = arith.constant 0 : i32
    %dma_wait3A_326 = tpu.memref_slice %arg5[%dma_wait3A_324, %dma_wait3A_325] : memref<409600x128xf32, #tpu.memory_space<hbm>> -> memref<16x128xf32, #tpu.memory_space<hbm>>
    %dma_wait3A_327 = arith.constant 24 : i32
    %dma_wait3A_328 = arith.constant 0 : i32
    %dma_wait3A_329 = tpu.memref_slice %arg8[%dma_wait3A_327, %dma_wait3A_328] : memref<192x129xf32, #tpu.memory_space<vmem>> -> memref<16x128xf32, #tpu.memory_space<vmem>>
    %dma_wait3A_330 = arith.constant 0 : i32
    %dma_wait3A_331 = arith.constant 0 : i32
    %dma_wait3A_332 = tpu.memref_slice %arg5[%dma_wait3A_330, %dma_wait3A_331] : memref<409600x128xf32, #tpu.memory_space<hbm>> -> memref<16x128xf32, #tpu.memory_space<hbm>>
    tpu.wait_dma2 semaphore(%arg14 : memref<!tpu.dma_semaphore, #tpu.memory_space<semaphore_mem>>) src(%dma_wait3A_332 : memref<16x128xf32, #tpu.memory_space<hbm>>) dst(%dma_wait3A_329 : memref<16x128xf32, #tpu.memory_space<vmem>>)
    %dma_wait3A_333 = arith.constant 48 : i32
    %dma_wait3A_334 = arith.constant 0 : i32
    %dma_wait3A_335 = tpu.memref_slice %arg8[%dma_wait3A_333, %dma_wait3A_334] : memref<192x129xf32, #tpu.memory_space<vmem>> -> memref<16x128xf32, #tpu.memory_space<vmem>>
    %dma_wait3A_336 = arith.constant 0 : i32
    %dma_wait3A_337 = arith.constant 0 : i32
    %dma_wait3A_338 = tpu.memref_slice %arg5[%dma_wait3A_336, %dma_wait3A_337] : memref<409600x128xf32, #tpu.memory_space<hbm>> -> memref<16x128xf32, #tpu.memory_space<hbm>>
    %dma_wait3A_339 = arith.constant 48 : i32
    %dma_wait3A_340 = arith.constant 0 : i32
    %dma_wait3A_341 = tpu.memref_slice %arg8[%dma_wait3A_339, %dma_wait3A_340] : memref<192x129xf32, #tpu.memory_space<vmem>> -> memref<16x128xf32, #tpu.memory_space<vmem>>
    %dma_wait3A_342 = arith.constant 0 : i32
    %dma_wait3A_343 = arith.constant 0 : i32
    %dma_wait3A_344 = tpu.memref_slice %arg5[%dma_wait3A_342, %dma_wait3A_343] : memref<409600x128xf32, #tpu.memory_space<hbm>> -> memref<16x128xf32, #tpu.memory_space<hbm>>
    tpu.wait_dma2 semaphore(%arg14 : memref<!tpu.dma_semaphore, #tpu.memory_space<semaphore_mem>>) src(%dma_wait3A_344 : memref<16x128xf32, #tpu.memory_space<hbm>>) dst(%dma_wait3A_341 : memref<16x128xf32, #tpu.memory_space<vmem>>)
    %dma_wait3A_345 = arith.constant 72 : i32
    %dma_wait3A_346 = arith.constant 0 : i32
    %dma_wait3A_347 = tpu.memref_slice %arg8[%dma_wait3A_345, %dma_wait3A_346] : memref<192x129xf32, #tpu.memory_space<vmem>> -> memref<16x128xf32, #tpu.memory_space<vmem>>
    %dma_wait3A_348 = arith.constant 0 : i32
    %dma_wait3A_349 = arith.constant 0 : i32
    %dma_wait3A_350 = tpu.memref_slice %arg5[%dma_wait3A_348, %dma_wait3A_349] : memref<409600x128xf32, #tpu.memory_space<hbm>> -> memref<16x128xf32, #tpu.memory_space<hbm>>
    %dma_wait3A_351 = arith.constant 72 : i32
    %dma_wait3A_352 = arith.constant 0 : i32
    %dma_wait3A_353 = tpu.memref_slice %arg8[%dma_wait3A_351, %dma_wait3A_352] : memref<192x129xf32, #tpu.memory_space<vmem>> -> memref<16x128xf32, #tpu.memory_space<vmem>>
    %dma_wait3A_354 = arith.constant 0 : i32
    %dma_wait3A_355 = arith.constant 0 : i32
    %dma_wait3A_356 = tpu.memref_slice %arg5[%dma_wait3A_354, %dma_wait3A_355] : memref<409600x128xf32, #tpu.memory_space<hbm>> -> memref<16x128xf32, #tpu.memory_space<hbm>>
    tpu.wait_dma2 semaphore(%arg14 : memref<!tpu.dma_semaphore, #tpu.memory_space<semaphore_mem>>) src(%dma_wait3A_356 : memref<16x128xf32, #tpu.memory_space<hbm>>) dst(%dma_wait3A_353 : memref<16x128xf32, #tpu.memory_space<vmem>>)
    %dma_wait3A_357 = arith.constant 96 : i32
    %dma_wait3A_358 = arith.constant 0 : i32
    %dma_wait3A_359 = tpu.memref_slice %arg8[%dma_wait3A_357, %dma_wait3A_358] : memref<192x129xf32, #tpu.memory_space<vmem>> -> memref<16x128xf32, #tpu.memory_space<vmem>>
    %dma_wait3A_360 = arith.constant 0 : i32
    %dma_wait3A_361 = arith.constant 0 : i32
    %dma_wait3A_362 = tpu.memref_slice %arg5[%dma_wait3A_360, %dma_wait3A_361] : memref<409600x128xf32, #tpu.memory_space<hbm>> -> memref<16x128xf32, #tpu.memory_space<hbm>>
    %dma_wait3A_363 = arith.constant 96 : i32
    %dma_wait3A_364 = arith.constant 0 : i32
    %dma_wait3A_365 = tpu.memref_slice %arg8[%dma_wait3A_363, %dma_wait3A_364] : memref<192x129xf32, #tpu.memory_space<vmem>> -> memref<16x128xf32, #tpu.memory_space<vmem>>
    %dma_wait3A_366 = arith.constant 0 : i32
    %dma_wait3A_367 = arith.constant 0 : i32
    %dma_wait3A_368 = tpu.memref_slice %arg5[%dma_wait3A_366, %dma_wait3A_367] : memref<409600x128xf32, #tpu.memory_space<hbm>> -> memref<16x128xf32, #tpu.memory_space<hbm>>
    tpu.wait_dma2 semaphore(%arg14 : memref<!tpu.dma_semaphore, #tpu.memory_space<semaphore_mem>>) src(%dma_wait3A_368 : memref<16x128xf32, #tpu.memory_space<hbm>>) dst(%dma_wait3A_365 : memref<16x128xf32, #tpu.memory_space<vmem>>)
    %dma_wait3A_369 = arith.constant 120 : i32
    %dma_wait3A_370 = arith.constant 0 : i32
    %dma_wait3A_371 = tpu.memref_slice %arg8[%dma_wait3A_369, %dma_wait3A_370] : memref<192x129xf32, #tpu.memory_space<vmem>> -> memref<16x128xf32, #tpu.memory_space<vmem>>
    %dma_wait3A_372 = arith.constant 0 : i32
    %dma_wait3A_373 = arith.constant 0 : i32
    %dma_wait3A_374 = tpu.memref_slice %arg5[%dma_wait3A_372, %dma_wait3A_373] : memref<409600x128xf32, #tpu.memory_space<hbm>> -> memref<16x128xf32, #tpu.memory_space<hbm>>
    %dma_wait3A_375 = arith.constant 120 : i32
    %dma_wait3A_376 = arith.constant 0 : i32
    %dma_wait3A_377 = tpu.memref_slice %arg8[%dma_wait3A_375, %dma_wait3A_376] : memref<192x129xf32, #tpu.memory_space<vmem>> -> memref<16x128xf32, #tpu.memory_space<vmem>>
    %dma_wait3A_378 = arith.constant 0 : i32
    %dma_wait3A_379 = arith.constant 0 : i32
    %dma_wait3A_380 = tpu.memref_slice %arg5[%dma_wait3A_378, %dma_wait3A_379] : memref<409600x128xf32, #tpu.memory_space<hbm>> -> memref<16x128xf32, #tpu.memory_space<hbm>>
    tpu.wait_dma2 semaphore(%arg14 : memref<!tpu.dma_semaphore, #tpu.memory_space<semaphore_mem>>) src(%dma_wait3A_380 : memref<16x128xf32, #tpu.memory_space<hbm>>) dst(%dma_wait3A_377 : memref<16x128xf32, #tpu.memory_space<vmem>>)
    %dma_wait3A_381 = arith.constant 144 : i32
    %dma_wait3A_382 = arith.constant 0 : i32
    %dma_wait3A_383 = tpu.memref_slice %arg8[%dma_wait3A_381, %dma_wait3A_382] : memref<192x129xf32, #tpu.memory_space<vmem>> -> memref<16x128xf32, #tpu.memory_space<vmem>>
    %dma_wait3A_384 = arith.constant 0 : i32
    %dma_wait3A_385 = arith.constant 0 : i32
    %dma_wait3A_386 = tpu.memref_slice %arg5[%dma_wait3A_384, %dma_wait3A_385] : memref<409600x128xf32, #tpu.memory_space<hbm>> -> memref<16x128xf32, #tpu.memory_space<hbm>>
    %dma_wait3A_387 = arith.constant 144 : i32
    %dma_wait3A_388 = arith.constant 0 : i32
    %dma_wait3A_389 = tpu.memref_slice %arg8[%dma_wait3A_387, %dma_wait3A_388] : memref<192x129xf32, #tpu.memory_space<vmem>> -> memref<16x128xf32, #tpu.memory_space<vmem>>
    %dma_wait3A_390 = arith.constant 0 : i32
    %dma_wait3A_391 = arith.constant 0 : i32
    %dma_wait3A_392 = tpu.memref_slice %arg5[%dma_wait3A_390, %dma_wait3A_391] : memref<409600x128xf32, #tpu.memory_space<hbm>> -> memref<16x128xf32, #tpu.memory_space<hbm>>
    tpu.wait_dma2 semaphore(%arg14 : memref<!tpu.dma_semaphore, #tpu.memory_space<semaphore_mem>>) src(%dma_wait3A_392 : memref<16x128xf32, #tpu.memory_space<hbm>>) dst(%dma_wait3A_389 : memref<16x128xf32, #tpu.memory_space<vmem>>)
    %dma_wait3A_393 = arith.constant 168 : i32
    %dma_wait3A_394 = arith.constant 0 : i32
    %dma_wait3A_395 = tpu.memref_slice %arg8[%dma_wait3A_393, %dma_wait3A_394] : memref<192x129xf32, #tpu.memory_space<vmem>> -> memref<16x128xf32, #tpu.memory_space<vmem>>
    %dma_wait3A_396 = arith.constant 0 : i32
    %dma_wait3A_397 = arith.constant 0 : i32
    %dma_wait3A_398 = tpu.memref_slice %arg5[%dma_wait3A_396, %dma_wait3A_397] : memref<409600x128xf32, #tpu.memory_space<hbm>> -> memref<16x128xf32, #tpu.memory_space<hbm>>
    %dma_wait3A_399 = arith.constant 168 : i32
    %dma_wait3A_400 = arith.constant 0 : i32
    %dma_wait3A_401 = tpu.memref_slice %arg8[%dma_wait3A_399, %dma_wait3A_400] : memref<192x129xf32, #tpu.memory_space<vmem>> -> memref<16x128xf32, #tpu.memory_space<vmem>>
    %dma_wait3A_402 = arith.constant 0 : i32
    %dma_wait3A_403 = arith.constant 0 : i32
    %dma_wait3A_404 = tpu.memref_slice %arg5[%dma_wait3A_402, %dma_wait3A_403] : memref<409600x128xf32, #tpu.memory_space<hbm>> -> memref<16x128xf32, #tpu.memory_space<hbm>>
    tpu.wait_dma2 semaphore(%arg14 : memref<!tpu.dma_semaphore, #tpu.memory_space<semaphore_mem>>) src(%dma_wait3A_404 : memref<16x128xf32, #tpu.memory_space<hbm>>) dst(%dma_wait3A_401 : memref<16x128xf32, #tpu.memory_space<vmem>>)
    %dma_wait3A_405 = arith.constant 0 : i32
    %dma_wait3A_406 = arith.constant 1 : i32
    %dma_wait3A_407 = arith.constant 0 : i32
    %dma_wait3A_408 = arith.constant 0 : i32
    %dma_wait3A_409 = tpu.memref_slice %arg6[%dma_wait3A_406, %dma_wait3A_407, %dma_wait3A_408] : memref<2x2x128xi32, #tpu.memory_space<vmem>> -> memref<1x1x128xi32, #tpu.memory_space<vmem>>
    %dma_wait3A_410 = tpu.memref_squeeze %dma_wait3A_409 : memref<1x1x128xi32, #tpu.memory_space<vmem>> -> memref<128xi32, #tpu.memory_space<vmem>>
    %dma_wait3A_411 = arith.constant 0 : i32
    %dma_wait3A_412 = tpu.memref_slice %arg3[%dma_wait3A_405, %dma_wait3A_411] : memref<6400x128xi32, #tpu.memory_space<hbm>> -> memref<1x128xi32, #tpu.memory_space<hbm>>
    %dma_wait3A_413 = tpu.memref_squeeze %dma_wait3A_412 : memref<1x128xi32, #tpu.memory_space<hbm>> -> memref<128xi32, #tpu.memory_space<hbm>>
    %dma_wait3A_414 = arith.constant 0 : i32
    %dma_wait3A_415 = tpu.memref_slice %arg6[%dma_wait3A_406, %dma_wait3A_407, %dma_wait3A_414] : memref<2x2x128xi32, #tpu.memory_space<vmem>> -> memref<1x1x128xi32, #tpu.memory_space<vmem>>
    %dma_wait3A_416 = tpu.memref_squeeze %dma_wait3A_415 : memref<1x1x128xi32, #tpu.memory_space<vmem>> -> memref<128xi32, #tpu.memory_space<vmem>>
    %dma_wait3A_417 = arith.constant 0 : i32
    %dma_wait3A_418 = tpu.memref_slice %arg3[%dma_wait3A_405, %dma_wait3A_417] : memref<6400x128xi32, #tpu.memory_space<hbm>> -> memref<1x128xi32, #tpu.memory_space<hbm>>
    %dma_wait3A_419 = tpu.memref_squeeze %dma_wait3A_418 : memref<1x128xi32, #tpu.memory_space<hbm>> -> memref<128xi32, #tpu.memory_space<hbm>>
    tpu.wait_dma2 semaphore(%arg11 : memref<!tpu.dma_semaphore, #tpu.memory_space<semaphore_mem>>) src(%dma_wait3A_419 : memref<128xi32, #tpu.memory_space<hbm>>) dst(%dma_wait3A_416 : memref<128xi32, #tpu.memory_space<vmem>>)
    %dma_wait3A_420 = arith.constant 0 : i32
    %dma_wait3A_421 = arith.constant 1 : i32
    %dma_wait3A_422 = arith.constant 1 : i32
    %dma_wait3A_423 = arith.constant 0 : i32
    %dma_wait3A_424 = tpu.memref_slice %arg6[%dma_wait3A_421, %dma_wait3A_422, %dma_wait3A_423] : memref<2x2x128xi32, #tpu.memory_space<vmem>> -> memref<1x1x128xi32, #tpu.memory_space<vmem>>
    %dma_wait3A_425 = tpu.memref_squeeze %dma_wait3A_424 : memref<1x1x128xi32, #tpu.memory_space<vmem>> -> memref<128xi32, #tpu.memory_space<vmem>>
    %dma_wait3A_426 = arith.constant 0 : i32
    %dma_wait3A_427 = tpu.memref_slice %arg3[%dma_wait3A_420, %dma_wait3A_426] : memref<6400x128xi32, #tpu.memory_space<hbm>> -> memref<1x128xi32, #tpu.memory_space<hbm>>
    %dma_wait3A_428 = tpu.memref_squeeze %dma_wait3A_427 : memref<1x128xi32, #tpu.memory_space<hbm>> -> memref<128xi32, #tpu.memory_space<hbm>>
    %dma_wait3A_429 = arith.constant 0 : i32
    %dma_wait3A_430 = tpu.memref_slice %arg6[%dma_wait3A_421, %dma_wait3A_422, %dma_wait3A_429] : memref<2x2x128xi32, #tpu.memory_space<vmem>> -> memref<1x1x128xi32, #tpu.memory_space<vmem>>
    %dma_wait3A_431 = tpu.memref_squeeze %dma_wait3A_430 : memref<1x1x128xi32, #tpu.memory_space<vmem>> -> memref<128xi32, #tpu.memory_space<vmem>>
    %dma_wait3A_432 = arith.constant 0 : i32
    %dma_wait3A_433 = tpu.memref_slice %arg3[%dma_wait3A_420, %dma_wait3A_432] : memref<6400x128xi32, #tpu.memory_space<hbm>> -> memref<1x128xi32, #tpu.memory_space<hbm>>
    %dma_wait3A_434 = tpu.memref_squeeze %dma_wait3A_433 : memref<1x128xi32, #tpu.memory_space<hbm>> -> memref<128xi32, #tpu.memory_space<hbm>>
    tpu.wait_dma2 semaphore(%arg11 : memref<!tpu.dma_semaphore, #tpu.memory_space<semaphore_mem>>) src(%dma_wait3A_434 : memref<128xi32, #tpu.memory_space<hbm>>) dst(%dma_wait3A_431 : memref<128xi32, #tpu.memory_space<vmem>>)
    %dma_wait3A_435 = arith.constant 0 : i32
    %dma_wait3A_436 = arith.constant 0 : i32
    %dma_wait3A_437 = arith.constant 0 : i32
    %dma_wait3A_438 = tpu.memref_slice %arg7[%dma_wait3A_435, %dma_wait3A_436, %dma_wait3A_437] : memref<2x256x128xf32, #tpu.memory_space<vmem>> -> memref<1x256x128xf32, #tpu.memory_space<vmem>>
    %dma_wait3A_439 = tpu.memref_squeeze %dma_wait3A_438 : memref<1x256x128xf32, #tpu.memory_space<vmem>> -> memref<256x128xf32, #tpu.memory_space<vmem>>
    %dma_wait3A_440 = arith.constant 0 : i32
    %dma_wait3A_441 = arith.constant 0 : i32
    %dma_wait3A_442 = tpu.memref_slice %arg2[%dma_wait3A_440, %dma_wait3A_441] : memref<1000000x128xf32, #tpu.memory_space<hbm>> -> memref<256x128xf32, #tpu.memory_space<hbm>>
    %dma_wait3A_443 = arith.constant 0 : i32
    %dma_wait3A_444 = arith.constant 0 : i32
    %dma_wait3A_445 = tpu.memref_slice %arg7[%dma_wait3A_435, %dma_wait3A_443, %dma_wait3A_444] : memref<2x256x128xf32, #tpu.memory_space<vmem>> -> memref<1x256x128xf32, #tpu.memory_space<vmem>>
    %dma_wait3A_446 = tpu.memref_squeeze %dma_wait3A_445 : memref<1x256x128xf32, #tpu.memory_space<vmem>> -> memref<256x128xf32, #tpu.memory_space<vmem>>
    %dma_wait3A_447 = arith.constant 0 : i32
    %dma_wait3A_448 = arith.constant 0 : i32
    %dma_wait3A_449 = tpu.memref_slice %arg2[%dma_wait3A_447, %dma_wait3A_448] : memref<1000000x128xf32, #tpu.memory_space<hbm>> -> memref<256x128xf32, #tpu.memory_space<hbm>>
    tpu.wait_dma2 semaphore(%arg12 : memref<!tpu.dma_semaphore, #tpu.memory_space<semaphore_mem>>) src(%dma_wait3A_449 : memref<256x128xf32, #tpu.memory_space<hbm>>) dst(%dma_wait3A_446 : memref<256x128xf32, #tpu.memory_space<vmem>>)
    return
  }
}

module attributes {stable_mosaic.version = 14 : i64} {
  func.func @body(%arg0: i32, %arg1: memref<64x2048xf32, #tpu.memory_space<vmem>>, %arg2: memref<2048x128xf32, #tpu.memory_space<vmem>>) attributes {dimension_semantics = [#tpu.dimension_semantics<arbitrary>], iteration_bounds = array<i64: 489>, scalar_prefetch = 0 : i64, scratch_operands = 0 : i64, tpu.core_type = #tpu.core_type<tc>, window_params = [{transform_indices = @transform_0, window_bounds = array<i64: 64, 2048>}, {transform_indices = @transform_1, window_bounds = array<i64: 2048, 128>}]} {
    %get3A = arith.constant 0 : index
    %get3A_0 = arith.constant 0 : index
    %get3A_1 = vector.load %arg1[%get3A, %get3A_0] : memref<64x2048xf32, #tpu.memory_space<vmem>>, vector<64x2048xf32>
    %transpose3A = tpu.transpose %get3A_1, [1, 0] : vector<64x2048xf32> -> vector<2048x64xf32>
    %swap3A = arith.constant 0 : index
    %swap3A_2 = arith.constant 0 : index
    %swap3A_3 = vector.load %arg2[%swap3A, %swap3A_2] : memref<2048x128xf32, #tpu.memory_space<vmem>>, vector<2048x64xf32>
    tpu.vector_store %arg2[%swap3A, %swap3A_2], %transpose3A {strides = array<i32>} : memref<2048x128xf32, #tpu.memory_space<vmem>>, vector<2048x64xf32>,
    return
  }
  func.func @transform_0(%arg0: i32) -> (i32, i32) {
    %c0_i32 = arith.constant 0 : i32
    %c0_i32_0 = arith.constant 0 : i32
    return %c0_i32, %arg0 : i32, i32
  }
  func.func @transform_1(%arg0: i32) -> (i32, i32) {
    %c0_i32 = arith.constant 0 : i32
    %c0_i32_0 = arith.constant 0 : i32
    return %arg0, %c0_i32 : i32, i32
  }
}

</mosaic_0001>

<sc_bundles>
// kernel: kernel.4.cloned.1.call-start
scs
__scs_entry_jumppad:
0x0: {  	(pc) =	sbr.rel $0x88, $3  }
0x1: {  	(tag) =	ssettag $0x0;
	lr =	simm.s32 $0x1  }
0x2: {  	[smem:$0x3F9E] =	sst lr;
	_ =	strace $0xD0000000  }
0x3: {  	_ = 	snop  }
0x4: {  	_ = 	snop  }
0x5: {  	_ = 	snop  }
0x6: {  	_ = 	snop  }
0x7: {  	_ = 	snop  }
__scs_overlays_trampoline_lowered:
0x8: {  	[smem:$0x3FAD] =	sst s0  }
0x9: {  	[smem:$0x3FAE] =	sst s1  }
0xa: {  	[smem:$0x3FAF] =	sst s2  }
0xb: {  	[smem:$0x3FB0] =	sst s3  }
0xc: {  	[smem:$0x3FB1] =	sst s4  }
0xd: {  	[smem:$0x3FB2] =	sst s5  }
0xe: {  	[smem:$0x3FB3] =	sst s6  }
0xf: {  	[smem:$0x3FB4] =	sst s7  }
0x10: {  	[smem:$0x3FB5] =	sst s8  }
0x11: {  	[smem:$0x3FB6] =	sst s9;
	s0 =	simm.s32 @!p0 $0x0  }
0x12: {  	s1 =	sld [smem:$0x3F9C];
	s0 =	simm.s32 @p0 $0x1  }
0x13: {  	[smem:$0x3FB7] =	sst s0;
	s0 =	simm.s32 @!p1 $0x0  }
0x14: {  	s2 =	sld [smem:$0x3F9B];
	s0 =	simm.s32 @p1 $0x1  }
0x15: {  	[smem:$0x3FB8] =	sst s0;
	s0 =	simm.s32 @!p2 $0x0  }
0x16: {  	s3 =	sld [smem:$0x3FDB];
	s0 =	simm.s32 @p2 $0x1  }
0x17: {  	s4 =	simm.s32 $0x1BF5;
	[smem:$0x3FBA] =	sst s0  }
0x18: {  	s0 =	sld [smem:$0x3F9D];
	_ =	swait.ge [sflag:s4], $0x0  }
0x19: {  	s7 =	sld [smem:$0x3F9E]  }
0x1a: {  	s8 =	sadd.s32 $0xFFFFE003, lr  }
0x1b: {  	s9 =	sadd.s32 $0xFFFFFEF7, lr;
	s5 =	simm.s32 $0xFFFFFFFF;
	p2 =	slt.u32 s8, $0xFFFFF086  }
0x1c: {  	p1 =	slt.u32 s9, $0xF7A;
	s5 =	simm.s32 @!p2 $0x0  }
0x1d: {  	s5 =	simm.s32 @p1 $0x1;
	p0 =	seq.s32 s7, s2  }
0x1e: {  	s7 =	smul.u32 @!p0 $0xF7A, s2;
	p2 =	seq.s32 @!p0 s5, $0x0  }
0x1f: {  	s9 =	smul.u32 $0xF7A, s1;
	s8 =	simm.s32 @!p0 $0x1BF5;
	p2 =	por !p2, p0  }
0x20: {  	[sflag:s8] =	ssyncset.s32 @!p0 $0xFFFFF086;
	s6 =	sadd.s32 @!p0 s3, s7;
	s7 =	simm.s32 @!p0 $0x108  }
0x21: {  	s3 =	sadd.s32 s3, s9;
	s6 =	sadd.s32 @!p0 $0x88, s6;
	s7 =	simm.s32 @p2 $0x1082  }
0x22: {  	[simem:s7], [sflag:s8] =	dma.local @!p0 [hbm:s6], $0xF7A  }
0x23: {  	s9 =	sor.u32 $0xD0000000, s2;
	s6 =	simm.s32 $0x108;
	_ =	swait.ge @!p0 [sflag:s8], $0x0  }
0x24: {  	s3 =	sadd.s32 $0x88, s3;
	s6 =	simm.s32 @!p1 $0x1082;
	[sflag:s4] =	ssyncset.s32 $0xFFFFF086  }
0x25: {  	[simem:s6], [sflag:s4] =	dma.local [hbm:s3], $0xF7A  }
0x26: {  	[smem:$0x3F9E] =	sst s1;
	(tag) =	ssettag s2;
	_ =	strace s9  }
0x27: {  	s1 =	sld [smem:$0x3FAE]  }
0x28: {  	s2 =	sld [smem:$0x3FAF]  }
0x29: {  	s4 =	sld [smem:$0x3FB1]  }
0x2a: {  	p0 =	seq.s32 s5, $0x0;
	s5 =	sld [smem:$0x3FB2]  }
0x2b: {  	s6 =	sld [smem:$0x3FB3]  }
0x2c: {  	s7 =	sld [smem:$0x3FB4]  }
0x2d: {  	s3 =	simm.s32 $0x108;
	s8 =	sld [smem:$0x3FB5]  }
0x2e: {  	s3 =	simm.s32 @!p0 $0x1082;
	s9 =	sld [smem:$0x3FB6]  }
0x2f: {  	lr =	sadd.s32 s0, s3;
	s0 =	sld [smem:$0x3FAD]  }
0x30: {  	s3 =	sld [smem:$0x3FB0]  }
0x31: {  	[smem:$0x3FB9] =	sst s10  }
0x32: {  	s10 =	sld [smem:$0x3FB7];
	_ =	sdelay $0x3  }
0x33: {  	p0 =	seq.s32 s10, $0x1;
	s10 =	sld [smem:$0x3FB9];
	_ =	sdelay $0x3  }
0x34: {  	[smem:$0x3FB9] =	sst s10  }
0x35: {  	s10 =	sld [smem:$0x3FB8];
	_ =	sdelay $0x3  }
0x36: {  	p1 =	seq.s32 s10, $0x1;
	s10 =	sld [smem:$0x3FB9];
	_ =	sdelay $0x3  }
0x37: {  	[smem:$0x3FB9] =	sst s10  }
0x38: {  	s10 =	sld [smem:$0x3FBA]  }
0x39: {  	_ = 	snop;
	(pc) =	sbr.ind lr, $3  }
0x3a: {  	_ = 	snop  }
0x3b: {  	_ = 	snop  }
0x3c: {  	p2 =	seq.s32 s10, $0x1;
	s10 =	sld [smem:$0x3FB9]  }
0x3d: {  	_ =	shalt  }
0x3e: {  	_ =	shalt  }
0x3f: {  	_ =	shalt  }
0x40: {  	_ =	shalt  }
0x41: {  	_ =	shalt  }
0x42: {  	_ =	shalt  }
0x43: {  	_ =	shalt  }
0x44: {  	_ =	shalt  }
0x45: {  	_ =	shalt  }
0x46: {  	_ =	shalt  }
0x47: {  	_ =	shalt  }
0x48: {  	_ =	shalt  }
0x49: {  	_ =	shalt  }
0x4a: {  	_ =	shalt  }
0x4b: {  	_ =	shalt  }
0x4c: {  	_ =	shalt  }
0x4d: {  	_ =	shalt  }
0x4e: {  	_ =	shalt  }
0x4f: {  	_ =	shalt  }
0x50: {  	_ =	shalt  }
0x51: {  	_ =	shalt  }
0x52: {  	_ =	shalt  }
0x53: {  	_ =	shalt  }
0x54: {  	_ =	shalt  }
0x55: {  	_ =	shalt  }
0x56: {  	_ =	shalt  }
0x57: {  	_ =	shalt  }
0x58: {  	_ =	shalt  }
0x59: {  	_ =	shalt  }
0x5a: {  	_ =	shalt  }
0x5b: {  	_ =	shalt  }
0x5c: {  	_ =	shalt  }
0x5d: {  	_ =	shalt  }
0x5e: {  	_ =	shalt  }
0x5f: {  	_ =	shalt  }
0x60: {  	_ =	shalt  }
0x61: {  	_ =	shalt  }
0x62: {  	_ =	shalt  }
0x63: {  	_ =	shalt  }
0x64: {  	_ =	shalt  }
0x65: {  	_ =	shalt  }
0x66: {  	_ =	shalt  }
0x67: {  	_ =	shalt  }
0x68: {  	_ =	shalt  }
0x69: {  	_ =	shalt  }
0x6a: {  	_ =	shalt  }
0x6b: {  	_ =	shalt  }
0x6c: {  	_ =	shalt  }
0x6d: {  	_ =	shalt  }
0x6e: {  	_ =	shalt  }
0x6f: {  	_ =	shalt  }
0x70: {  	_ =	shalt  }
0x71: {  	_ =	shalt  }
0x72: {  	_ =	shalt  }
0x73: {  	_ =	shalt  }
0x74: {  	_ =	shalt  }
0x75: {  	_ =	shalt  }
0x76: {  	_ =	shalt  }
0x77: {  	_ =	shalt  }
0x78: {  	_ =	shalt  }
0x79: {  	_ =	shalt  }
0x7a: {  	_ =	shalt  }
0x7b: {  	_ =	shalt  }
0x7c: {  	_ =	shalt  }
0x7d: {  	_ =	shalt  }
0x7e: {  	_ =	shalt  }
0x7f: {  	_ =	shalt  }
0x80: {  	_ =	shalt  }
0x81: {  	_ =	shalt  }
0x82: {  	_ =	shalt  }
0x83: {  	_ =	shalt  }
0x84: {  	_ =	shalt  }
0x85: {  	_ =	shalt  }
0x86: {  	_ =	shalt  }
0x87: {  	_ =	shalt  }
.Lfunc_end0:
.L_simem_size_0:
called_computation_lowered:
.L_overlay_start_0:
0x88: {  	s2 =	sld [smem:$0x3FD9]  }
0x89: {  	s3 =	sld [smem:$0x3FFE];
	_ =	sdelay $0x1  }
0x8a: {  	s1 =	srdreg.scid  }
0x8b: {  	s0 =	sand.u32 $0x1, s1  }
0x8c: {  	s17 =	sshll.u32 s0, $0xA;
	s2 =	sadd.s32 s3, s2  }
0x8d: {  	s2 =	sadd.s32 s2, s17  }
0x8e: {  	[smem:$0x3FC5] =	sst s2  }
0x8f: {  	_ = 	snop  }
0x90: {  	s2 =	sld [smem:$0x3FC9]  }
0x91: {  	s18 =	sld [smem:$0x3FD0];
	(tm) =	ssettm $0x1  }
0x92: {  	s4 =	sld [smem:$0x3FFB];
	_ =	sdelay $0x3  }
0x93: {  	_ =	strace s4  }
0x94: {  	s4 =	sld [smem:$0x3FFC];
	_ =	sdelay $0x3  }
0x95: {  	_ =	strace s4  }
0x96: {  	s4 =	sld [smem:$0x3FFD];
	_ =	sdelay $0x3  }
0x97: {  	_ =	strace s4  }
0x98: {  	_ =	strace $0x8FFFFFFF  }
0x99: {  	s19 =	sld [smem:$0x3FDB];
	_ =	sdelay $0x1  }
0x9a: {  	s5 =	simm.s32 $_scs_section_size  }
0x9b: {  	s6 =	simm.s32 $_size__tile_overlayer_lowered;
	s7 =	simm.s32 $_tile_overlayer_lowered  }
0x9c: {  	s22 =	simm.s32 $0x1BFF;
	s21 =	sshll.u32 s7, $0x1;
	s4 =	sadd.s32 s5, s19  }
0x9d: {  	s8 =	simm.s32 $0x0;
	s20 =	sshll.u32 s6, $0x1;
	s6 =	sadd.s32 s21, s4  }
0x9e: {  	[timem:s8], [sflag:s22] =	dma.local [hbm:s6], s20  }
0x9f: {  	_ =	swait.ge [sflag:s22], s20  }
0xa0: {  	s5 =	ssub.s32 $0x0, s20;
	[sflag:s22] =	ssyncset.done $0x0  }
0xa1: {  	[sflag:s22] =	ssyncadd.s32 s5;
	_ =	sdelay $0x1  }
0xa2: {  	s23 =	simm.s32 $0x1B8B  }
0xa3: {  	_ =	swait.ge [sflag:s23], $0x1  }
0xa4: {  	[sflag:s23] =	ssyncset.done $0x0  }
0xa5: {  	s25 =	simm.s32 $0x1B8E;
	s24 =	sld [smem:$0x3FFE];
	[sflag:s23] =	ssyncadd.s32 $0xFFFFFFFF  }
0xa6: {  	s26 =	simm.s32 $execute0_lowered;
	[smem:$0x3FD2] =	sst s25  }
0xa7: {  	s6 =	sshll.u32 s26, $0x1;
	_ =	strace $0x80000046;
	[dreg:$0x1] =	wrdreg $0xFFFFFFFF  }
0xa8: {  	s28 =	simm.s32 $_size_execute0_lowered;
	s4 =	sadd.s32 s4, s6;
	[dreg:$0x0] =	wrdreg $0x0  }
0xa9: {  	s6 =	sshll.u32 s28, $0x1;
	[dreg:$0x2] =	wrdreg s4  }
0xaa: {  	[dreg:$0x3] =	wrdreg s6  }
0xab: {  	[dreg:$0x4] =	wrdreg $0xC0  }
0xac: {  	_ =	task [dreg:s8], $0x5FFFF  }
0xad: {  	[dreg:$0x1] =	wrdreg $0xFFFFFFFF  }
0xae: {  	[dreg:$0x0] =	wrdreg $0x60  }
0xaf: {  	[dreg:$0x2] =	wrdreg s24  }
0xb0: {  	[dreg:$0x3] =	wrdreg s2  }
0xb1: {  	[dreg:$0x4] =	wrdreg s18  }
0xb2: {  	[dreg:$0x5] =	wrdreg $0x9  }
0xb3: {  	_ =	task.clear_ibuf [dreg:s8], $0x6FFFF;
	_ =	strace $0x90000046  }
0xb4: {  	s29 =	simm.s32 $0x9;
	_ =	strace $0x80000048  }
0xb5: {  	_ =	swait.ge [sflag:s29], $0x1  }
0xb6: {  	[sflag:s29] =	ssyncadd.s32 $0xFFFFFFFF  }
0xb7: {  	_ =	strace $0x90000048  }
0xb8: {  	_ =	sfence  }
0xb9: {  	s30 =	sld [smem:$0x0];
	_ =	sdelay $0x2  }
0xba: {  	s31 =	sshll.u32 s1, $0xD;
	s1 =	sshrl.u32 s1, $0x2  }
0xbb: {  	s3 =	sand.u32 $0x4000, s31;
	s1 =	sadd.s32 s1, s30  }
0xbc: {  	s0 =	sor.u32 s3, s0;
	s1 =	sshll.u32 s1, $0x11  }
0xbd: {  	s0 =	sor.u32 s1, s0  }
0xbe: {  	s0 =	sadd.s32 $0x8F2B, s0  }
0xbf: {  	[sflag:s0] =	ssyncadd.remote.s32 $0x1  }
0xc0: {  	_ =	sfence.sel $0xFFFF  }
0xc1: {  	[dreg:$0x0] =	wrdreg $0xFFFFFFFF;
	(pc) =	sbr.abs _section_cstart, $3  }
0xc2: {  	[dreg:$0x1] =	wrdreg $0xFFFFFFFF  }
0xc3: {  	_ =	task.clear_ibuf [dreg:s8], $0x2FFFF;
	_ =	strace $0x9FFFFFFF  }
0xc4: {  	(tm) =	ssettm $0x7FFFFFFF  }
0xc5: {  	_ =	shalt  }
tec
execute0_lowered:
.L_overlay_start_1:
0x0: {  	(tag) =	ssettag $0x1  }
0x1: {  	v0 =	vimm.s32 $0x1078;
	vm14 =	vcmask $0x300;
	vm13 =	vcmask $0x704  }
0x2: {  	vm12 =	vcmask $0xB08;
	vm11 =	vcmask $0xF0C;
	vm10 =	vcmask $0x1310  }
0x3: {  	vm9 =	vcmask $0x1714;
	vm8 =	vcmask $0x1B18;
	vm7 =	vcmask $0x1F1C  }
0x4: {  	vm6 =	vcmask $0x2320;
	vm5 =	vcmask $0x2724;
	vm4 =	vcmask $0x2B28  }
0x5: {  	vm3 =	vcmask $0x2F2C;
	vm2 =	vcmask $0x3330;
	vm1 =	vcmask $0x3734  }
0x6: {  	vm0 =	vcmask $0x3B38;
	v1 =	vimm.s32 $0x0;
	v2 =	vimm.s32 $0x29F8  }
0x7: {  	v3 =	vimm.s32 $0x4378;
	v4 =	vimm.s32 $0x5CF8;
	v0 =	vsel vm14, $0x0, v0  }
0x8: {  	s0 =	rddreg [dreg:$0x0];
	v2 =	vsel vm14, $0x1980, v2;
	v3 =	vsel vm14, $0x3300, v3;
	v4 =	vsel vm14, $0x4C80, v4  }
0x9: {  	s31 =	rddreg [dreg:$0x1];
	v0 =	vsel vm13, $0x88, v0;
	v2 =	vsel vm13, $0x1A08, v2;
	v3 =	vsel vm13, $0x3388, v3  }
0xa: {  	s11 =	rddreg [dreg:$0x2];
	s4 =	simm.s32 $0x0;
	s3 =	stileid.u32;
	v4 =	vsel vm13, $0x4D08, v4;
	v0 =	vsel vm12, $0x110, v0;
	v2 =	vsel vm12, $0x1A90, v2  }
0xb: {  	s1 =	srdreg.scid;
	[smem:$0x7FF] =	sst s4;
	s2 =	sshll.u32 s3, $0x1;
	v3 =	vsel vm12, $0x3410, v3;
	v4 =	vsel vm12, $0x4D90, v4;
	v0 =	vsel vm11, $0x198, v0  }
0xc: {  	s3 =	sshrl.u32 s3, $0x3;
	s5 =	sadd.s32 $0xC00, s0;
	s0 =	sadd.s32 $0x400, s0;
	v2 =	vsel vm11, $0x1B18, v2;
	v3 =	vsel vm11, $0x3498, v3;
	v4 =	vsel vm11, $0x4E18, v4  }
0xd: {  	s15 =	sadd.s32 $0x1000, s11;
	s16 =	sadd.s32 $0x2000, s11;
	s17 =	sadd.s32 $0x3000, s11;
	v0 =	vsel vm10, $0x220, v0;
	v2 =	vsel vm10, $0x1BA0, v2;
	v3 =	vsel vm10, $0x3520, v3  }
0xe: {  	s18 =	sadd.s32 $0x4000, s11;
	s19 =	sadd.s32 $0x5000, s11;
	s20 =	sadd.s32 $0x6000, s11;
	v4 =	vsel vm10, $0x4EA0, v4;
	v0 =	vsel vm9, $0x2A8, v0;
	v2 =	vsel vm9, $0x1C28, v2  }
0xf: {  	s1 =	sand.u32 $0x1, s1;
	s21 =	sadd.s32 $0x7000, s11;
	_ =	strace $0x80000047;
	v3 =	vsel vm9, $0x35A8, v3;
	v4 =	vsel vm9, $0x4F28, v4;
	v0 =	vsel vm8, $0x330, v0  }
0x10: {  	s11 =	simm.s32 $0x10200;
	s2 =	sand.u32 $0xE, s2;
	s7 =	smul.u32 $0xC80, s3;
	v2 =	vsel vm8, $0x1CB0, v2;
	v3 =	vsel vm8, $0x3630, v3;
	v4 =	vsel vm8, $0x4FB0, v4  }
0x11: {  	s6 =	smul.u32 $0x64, s3;
	[dreg:$0x4] =	wrdreg s0;
	s2 =	sor.u32 s1, s2;
	v0 =	vsel vm7, $0x3B8, v0;
	v2 =	vsel vm7, $0x1D38, v2;
	v3 =	vsel vm7, $0x36B8, v3  }
0x12: {  	s1 =	ssub.s32 $0x2, s1;
	s23 =	sand.u32 $0xF00, s7;
	s24 =	sshll.u32 s2, $0x4;
	v4 =	vsel vm7, $0x5038, v4;
	v0 =	vsel vm6, $0xCC0, v0;
	v2 =	vsel vm6, $0x2640, v2  }
0x13: {  	s8 =	sshrl.u32 s1, $0x1;
	s10 =	sand.u32 $0x4, s6;
	s2 =	sshll.u32 s2, $0x8;
	v3 =	vsel vm6, $0x3FC0, v3;
	v4 =	vsel vm6, $0x5940, v4;
	v0 =	vsel vm5, $0xD48, v0  }
0x14: {  	s7 =	simm.s32 $0x100;
	s9 =	smov.u32 s24;
	s3 =	sor.u32 s23, s24;
	v2 =	vsel vm5, $0x26C8, v2;
	v3 =	vsel vm5, $0x4048, v3;
	v4 =	vsel vm5, $0x59C8, v4  }
0x15: {  	s25 =	ssub.s32 s1, s8;
	[dreg:$0x5] =	wrdreg s2;
	s26 =	sor.u32 s10, s3;
	v0 =	vsel vm4, $0xDD0, v0;
	v2 =	vsel vm4, $0x2750, v2;
	v3 =	vsel vm4, $0x40D0, v3  }
0x16: {  	s24 =	simm.s32 $0x5;
	s0 =	smax.u32 s25, $0x1;
	s1 =	sshll.u32 s26, $0x4;
	v4 =	vsel vm4, $0x5A50, v4;
	v0 =	vsel vm3, $0xE58, v0;
	v2 =	vsel vm3, $0x27D8, v2  }
0x17: {  	s10 =	sadd.s32 $0x80, s31;
	[dreg:$0xa] =	wrdreg s0;
	s28 =	sadd.s32 s31, s1;
	v3 =	vsel vm3, $0x4158, v3;
	v4 =	vsel vm3, $0x5AD8, v4;
	v0 =	vsel vm2, $0xEE0, v0  }
0x18: {  	s29 =	sadd.s32 s1, s10;
	s1 =	sor.u32 $0x10, s1;
	[dreg:$0x6] =	wrdreg s28;
	v2 =	vsel vm2, $0x2860, v2;
	v3 =	vsel vm2, $0x41E0, v3;
	v0 =	vsel vm1, $0xF68, v0  }
0x19: {  	s25 =	simm.s32 $0x80;
	[dreg:$0x7] =	wrdreg s29;
	s30 =	sadd.s32 s31, s1;
	v4 =	vsel vm2, $0x5B60, v4;
	v2 =	vsel vm1, $0x28E8, v2;
	v0 =	vsel vm0, $0xFF0, v0  }
0x1a: {  	s3 =	simm.s32 $0x0;
	s1 =	sadd.s32 s1, s10;
	[dreg:$0x8] =	wrdreg s30;
	v3 =	vsel vm1, $0x4268, v3;
	v4 =	vsel vm1, $0x5BE8, v4;
	[tilespmem:$0x1FFE0] =	vst v0;
	v0 =	vsel vm0, $0x2970, v2  }
0x1b: {  	v1 =	vsel vm14, $0x3, v1;
	s26 =	simm.s32 $0x1;
	s0 =	simm.s32 $0x2;
	[dreg:$0x9] =	wrdreg s1;
	v62 =	vsel vm0, $0x42F0, v3;
	v63 =	vsel vm0, $0x5C70, v4;
	[tilespmem:$0x1FFF0] =	vst v0  }
.LBB2_1:
0x1c: {  	[dreg:$0xb] =	wrdreg s3  }
0x1d: {  	s1 =	rddreg [dreg:$0x4];
	s2 =	simm.s32 $0x16800;
	s12 =	simm.s32 $0x6  }
0x1e: {  	[tilespmem:s2], [sflag:$0x6] =	stream.linear.gather [hbm4b:s1+s4], $0x3200, $0x38;
	[tilespmem:$0x19A00] =	vst v63  }
0x1f: {  	_ =	swait.ge [sflag:s12], $0x3200  }
0x20: {  	[sflag:s12] =	ssyncset.done $0x0  }
0x21: {  	s13 =	rddreg [dreg:$0x6];
	[sflag:s12] =	ssyncadd.s32 $0xFFFFCE00  }
0x22: {  	[tilespmem:s4], [sflag:$0x1] =	stream.linear.gather [hbm4b:s13+s4], $0x80, $0x38;
	[tilespmem:$0x19A00] =	vst v63  }
0x23: {  	s14 =	rddreg [dreg:$0x7]  }
0x24: {  	[tilespmem:s25], [sflag:$0x1] =	stream.linear.gather [hbm4b:s14+s4], $0x80, $0x38;
	[tilespmem:$0x19A00] =	vst v63  }
0x25: {  	_ =	swait.ge [sflag:s26], $0x80  }
0x26: {  	[sflag:s26] =	ssyncset.done $0x0  }
0x27: {  	[sflag:s26] =	ssyncadd.s32 $0xFFFFFF80  }
0x28: {  	_ =	swait.ge [sflag:s26], $0x80  }
0x29: {  	[sflag:s26] =	ssyncset.done $0x0  }
0x2a: {  	s22 =	simm.s32 $0x200;
	[sflag:s26] =	ssyncadd.s32 $0xFFFFFF80  }
0x2b: {  	[tilespmem:s22], [sflag:$0x3] =	stream.indirect.gather [hbm4b:s5+s25], $0x80, s4, s25, $0xb8;
	[tilespmem:$0x19A00] =	vst v63  }
0x2c: {  	s23 =	simm.s32 $0x4200  }
0x2d: {  	[tilespmem:s23], [sflag:$0x3] =	stream.indirect.gather [hbm4b:s5+s25], $0x80, s25, s25, $0xb8;
	[tilespmem:$0x19A00] =	vst v63  }
0x2e: {  	s28 =	rddreg [dreg:$0x8]  }
0x2f: {  	[tilespmem:s7], [sflag:$0x2] =	stream.linear.gather [hbm4b:s28+s4], $0x80, $0x38;
	[tilespmem:$0x19A00] =	vst v63  }
0x30: {  	s30 =	simm.s32 $0x180;
	s3 =	simm.s32 $0x0;
	s29 =	rddreg [dreg:$0x9]  }
0x31: {  	[tilespmem:s30], [sflag:$0x2] =	stream.linear.gather [hbm4b:s29+s4], $0x80, $0x38;
	[tilespmem:$0x19A00] =	vst v63  }
.LBB2_2:
0x32: {  	_ =	swait.ge [sflag:s0], $0x80  }
0x33: {  	[sflag:s0] =	ssyncset.done $0x0  }
0x34: {  	[sflag:s0] =	ssyncadd.s32 $0xFFFFFF80  }
0x35: {  	_ =	swait.ge [sflag:s0], $0x80  }
0x36: {  	[sflag:s0] =	ssyncset.done $0x0  }
0x37: {  	s1 =	simm.s32 $0x8200;
	s23 =	sshll.u32 s3, $0x1;
	[sflag:s0] =	ssyncadd.s32 $0xFFFFFF80  }
0x38: {  	[tilespmem:s1], [sflag:$0x4] =	stream.indirect.gather [hbm4b:s5+s25], $0x80, s7, s25, $0xb8;
	[tilespmem:$0x19A00] =	vst v63  }
0x39: {  	p0 =	seq.s32 s3, $0x31;
	s1 =	sadd.s32 $0x2, s23  }
0x3a: {  	s8 =	simm.s32 $0x180;
	s2 =	simm.s32 $0xC200;
	s1 =	simm.s32 @p0 $0x0  }
0x3b: {  	[tilespmem:s2], [sflag:$0x4] =	stream.indirect.gather [hbm4b:s5+s25], $0x80, s8, s25, $0xb8;
	[tilespmem:$0x19A00] =	vst v63  }
0x3c: {  	s1 =	sadd.s32 s6, s1  }
0x3d: {  	s28 =	sshll.u32 s1, $0x5  }
0x3e: {  	s1 =	sand.u32 $0x6, s1;
	s28 =	sand.u32 $0x1F00, s28  }
0x3f: {  	s12 =	simm.s32 $0x3;
	s1 =	sor.u32 s28, s1  }
0x40: {  	_ =	swait.ge [sflag:s12], $0x8000;
	s1 =	sor.u32 s9, s1  }
0x41: {  	[sflag:s12] =	ssyncset.done $0x0;
	s1 =	sshll.u32 s1, $0x4  }
0x42: {  	[sflag:s12] =	ssyncadd.s32 $0xFFFF8000;
	s28 =	sadd.s32 s31, s1  }
0x43: {  	[tilespmem:s4], [sflag:$0x1] =	stream.linear.gather [hbm4b:s28+s4], $0x80, $0x38;
	[tilespmem:$0x19A00] =	vst v63  }
0x44: {  	p0 =	seq.s32 s3, $0x0;
	s1 =	sadd.s32 s1, s10  }
0x45: {  	[tilespmem:s25], [sflag:$0x1] =	stream.linear.gather [hbm4b:s1+s4], $0x80, $0x38;
	[tilespmem:$0x19A00] =	vst v63  }
0x46: {  	s1 =	simm.s32 @!p0 $0x5  }
0x47: {  	_ =	swait.ge @!p0 [sflag:s1], $0x800  }
0x48: {  	[sflag:s1] =	ssyncset.done @!p0 $0x0  }
0x49: {  	[sflag:s1] =	ssyncadd.s32 @!p0 $0xFFFFF800  }
0x4a: {  	_ =	swait.ge @!p0 [sflag:s1], $0x800  }
0x4b: {  	[sflag:s1] =	ssyncset.done @!p0 $0x0  }
0x4c: {  	[sflag:s1] =	ssyncadd.s32 @!p0 $0xFFFFF800  }
0x4d: {  	_ =	swait.ge @!p0 [sflag:s1], $0x800  }
0x4e: {  	[sflag:s1] =	ssyncset.done @!p0 $0x0  }
0x4f: {  	[sflag:s1] =	ssyncadd.s32 @!p0 $0xFFFFF800  }
0x50: {  	_ =	swait.ge @!p0 [sflag:s1], $0x800  }
0x51: {  	[sflag:s1] =	ssyncset.done @!p0 $0x0  }
0x52: {  	[sflag:s1] =	ssyncadd.s32 @!p0 $0xFFFFF800  }
0x53: {  	_ =	swait.ge @!p0 [sflag:s1], $0x800  }
0x54: {  	[sflag:s1] =	ssyncset.done @!p0 $0x0  }
0x55: {  	[sflag:s1] =	ssyncadd.s32 @!p0 $0xFFFFF800  }
0x56: {  	_ =	swait.ge @!p0 [sflag:s1], $0x800  }
0x57: {  	[sflag:s1] =	ssyncset.done @!p0 $0x0  }
0x58: {  	[sflag:s1] =	ssyncadd.s32 @!p0 $0xFFFFF800  }
0x59: {  	_ =	swait.ge @!p0 [sflag:s1], $0x800  }
0x5a: {  	s22 =	simm.s32 $0x0;
	s7 =	smov.u32 s31;
	[sflag:s1] =	ssyncset.done @!p0 $0x0  }
0x5b: {  	s2 =	sand.u32 $0x8, s22;
	s31 =	simm.s32 $0x3;
	[sflag:s1] =	ssyncadd.s32 @!p0 $0xFFFFF800  }
0x5c: {  	s30 =	sadd.s32 s6, s23;
	v11 =	vmov s2;
	s31 =	sand.u32 $0x78, s31;
	_ =	swait.ge @!p0 [sflag:s1], $0x800  }
0x5d: {  	v13 =	vmul.u32 $0x88, v11;
	s28 =	sshll.u32 s30, $0x6;
	v9 =	vmov s31;
	[sflag:s1] =	ssyncset.done @!p0 $0x0;
	v0 =	vld [tilespmem:$0x1FFE0]  }
0x5e: {  	s28 =	sand.u32 $0x3FFFFFC0, s28;
	v9 =	vshrl.u32 v9, $0x3;
	v2 =	vld [tilespmem:$0x1FFF0];
	[sflag:s1] =	ssyncadd.s32 @!p0 $0xFFFFF800  }
0x5f: {  	s29 =	simm.s32 $0x400;
	v13 =	vbroadcast v13, $0x0;
	v9 =	vshll.u32 v9, v1;
	v5 =	vld [tilespmem:s28+$0x16800]  }
0x60: {  	s13 =	simm.s32 $0x2;
	s14 =	simm.s32 $0x5;
	s31 =	simm.s32 $0x1;
	v9 =	vbroadcast v9, $0x0;
	v6 =	vld [tilespmem:s29+$0xFFFFFE80]  }
0x61: {  	v20 =	vadd.s32 v63, v13;
	v35 =	vadd.s32 v62, v13;
	s1 =	sand.u32 $0x78, s13;
	s13 =	sand.u32 $0x78, s31;
	s31 =	simm.s32 $0x0;
	v8 =	vld [tilespmem:s29+$0xFFFFFF80]  }
0x62: {  	v38 =	vadd.s32 v9, v35;
	v7 =	vmov s1;
	s1 =	sand.u32 $0x78, s14;
	v12 =	vld [tilespmem:s29+$0x100];
	v15 =	vmov s13;
	s13 =	sand.u32 $0x8, s31  }
0x63: {  	v7 =	vshrl.u32 v7, $0x3;
	v10 =	vmov s1;
	v59 =	vmov s13  }
0x64: {  	s2 =	simm.s32 $0x6;
	v16 =	vadd.s32 v0, v13;
	v22 =	vadd.s32 v2, v13;
	v13 =	vshrl.u32 v15, $0x3  }
0x65: {  	s8 =	simm.s32 $0x7;
	s1 =	sand.u32 $0x78, s2;
	v7 =	vshll.u32 v7, v1;
	v13 =	vshll.u32 v13, v1;
	v14 =	vadd.f32 v6, v5  }
0x66: {  	s12 =	sand.u32 $0x78, s8;
	v6 =	vshrl.u32 v10, $0x3;
	v10 =	vbroadcast v7, $0x0;
	v7 =	vmov s1  }
0x67: {  	s14 =	simm.s32 $0x4;
	v11 =	vadd.f32 v8, v5;
	v8 =	vmov s12;
	v12 =	vadd.f32 v12, v5  }
0x68: {  	s1 =	sand.u32 $0x78, s14;
	v7 =	vshrl.u32 v7, $0x3;
	v8 =	vshrl.u32 v8, $0x3;
	v6 =	vshll.u32 v6, v1  }
0x69: {  	s22 =	simm.s32 $0x0;
	v25 =	vmov s1;
	v7 =	vshll.u32 v7, v1;
	v19 =	vadd.s32 v10, v16  }
0x6a: {  	s1 =	sand.u32 $0x78, s22;
	v3 =	vadd.s32 v10, v20;
	v26 =	vbroadcast v6, $0x0;
	v6 =	vshll.u32 v8, v1  }
0x6b: {  	v27 =	vadd.s32 v10, v22;
	v8 =	vshrl.u32 v25, $0x3;
	v28 =	vmov s1  }
0x6c: {  	s2 =	simm.s32 $0xA;
	v10 =	vadd.s32 v10, v35;
	v18 =	vbroadcast v7, $0x0;
	v23 =	vor.u32 $0x2, v19  }
0x6d: {  	s8 =	simm.s32 $0xB;
	s22 =	simm.s32 $0xF;
	s1 =	sand.u32 $0x78, s2;
	v28 =	vshrl.u32 v28, $0x3;
	v33 =	vbroadcast v6, $0x0;
	v37 =	vor.u32 $0x2, v27  }
0x6e: {  	s2 =	sand.u32 $0x78, s8;
	s8 =	sand.u32 $0x78, s22;
	v27 =	vadd.s32 v9, v16;
	v47 =	vor.u32 $0x2, v10;
	v56 =	vmov s1  }
0x6f: {  	v7 =	vld [tilespmem:s29+$0xFFFFFF00];
	v58 =	vmov s2;
	v60 =	vmov s8;
	v15 =	vshll.u32 v28, v1  }
0x70: {  	[tilespmem:$0x1FFD0] =	vst v3;
	v28 =	vbroadcast v13, $0x0;
	v48 =	vshrl.u32 v58, $0x3;
	v21 =	vadd.s32 v18, v16  }
0x71: {  	v19 =	vld [tilespmem:s29+$0x0];
	v24 =	vadd.s32 v18, v20;
	v39 =	vbroadcast v15, $0x0;
	v15 =	vadd.s32 v26, v22  }
0x72: {  	v31 =	vld [tilespmem:s29+$0x80];
	v53 =	vadd.s32 v33, v35;
	v10 =	vadd.s32 v33, v20;
	v48 =	vshll.u32 v48, v1  }
0x73: {  	v21 =	vor.u32 $0x6, v21;
	v41 =	vadd.s32 v28, v16;
	v50 =	vadd.s32 v28, v22  }
0x74: {  	v52 =	vadd.s32 v28, v20;
	v25 =	vadd.f32 v7, v5;
	v7 =	vshll.u32 v8, v1  }
0x75: {  	v44 =	vld [tilespmem:s29+$0x180];
	v42 =	vadd.s32 v39, v16;
	v8 =	vadd.s32 v26, v16;
	v29 =	vbroadcast v7, $0x0  }
0x76: {  	v41 =	vor.u32 $0x1, v41;
	v30 =	vor.u32 $0x5, v8;
	v32 =	vadd.f32 v19, v5;
	v8 =	vld [tilespmem:s28+$0x16810]  }
0x77: {  	v19 =	vadd.s32 v9, v20;
	v7 =	vld [tilespmem:s28+$0x16820];
	v31 =	vadd.f32 v31, v5;
	v6 =	vadd.s32 v29, v16  }
0x78: {  	v9 =	vadd.s32 v9, v22;
	v34 =	vadd.s32 v29, v22;
	v36 =	vor.u32 $0x4, v6;
	v6 =	vld [tilespmem:s28+$0x16830]  }
0x79: {  	v45 =	vor.u32 $0x3, v27;
	v49 =	vadd.s32 v29, v35;
	v16 =	vadd.s32 v33, v16;
	[tilespmem:v23+s11+$0x0] =	vst.idx.msk $0xffff, v25;
	v23 =	vld [tilespmem:s29+$0xFFFFFE00]  }
0x7a: {  	v27 =	vadd.s32 v29, v20;
	v29 =	vor.u32 $0x3, v38;
	v25 =	vadd.s32 v18, v22;
	[tilespmem:v21+s11+$0x0] =	vst.idx.msk $0xffff, v12;
	v40 =	vld [tilespmem:s29+$0xFFFFFF10]  }
0x7b: {  	v12 =	vor.u32 $0x5, v15;
	v15 =	vadd.s32 v28, v35;
	v18 =	vadd.s32 v18, v35;
	[tilespmem:v41+s11+$0x0] =	vst.idx.msk $0xffff, v14;
	s28 =	simm.s32 $0x800;
	v43 =	vld [tilespmem:s29+$0x110]  }
0x7c: {  	v21 =	vadd.s32 v26, v35;
	v16 =	vor.u32 $0x7, v16;
	v41 =	vadd.f32 v44, v5;
	v61 =	vld [tilespmem:s28+$0xFFFFFF00];
	[tilespmem:v30+s11+$0x0] =	vst.idx.msk $0xffff, v31  }
0x7d: {  	v13 =	vor.u32 $0x6, v25;
	v25 =	vadd.s32 v33, v22;
	v15 =	vor.u32 $0x1, v15;
	v51 =	vld [tilespmem:s29+$0x90]  }
0x7e: {  	v46 =	vor.u32 $0x5, v21;
	v21 =	vor.u32 $0x6, v18;
	v18 =	vor.u32 $0x1, v50;
	v54 =	vld [tilespmem:s29+$0xFFFFFE90]  }
0x7f: {  	[tilespmem:v45+s11+$0x0] =	vst.idx.msk $0xffff, v11;
	v33 =	vmul.u32 $0x88, v59;
	v30 =	vor.u32 $0x4, v34;
	v28 =	vor.u32 $0x7, v25  }
0x80: {  	v34 =	vadd.s32 v39, v35;
	[tilespmem:v36+s11+$0x0] =	vst.idx.msk $0xffff, v32;
	v23 =	vadd.f32 v23, v5;
	v36 =	vor.u32 $0x4, v49  }
0x81: {  	v32 =	vshrl.u32 v56, $0x3;
	[tilespmem:v16+s11+$0x0] =	vst.idx.msk $0xffff, v41;
	v40 =	vadd.f32 v40, v8;
	v43 =	vadd.f32 v43, v8  }
0x82: {  	s31 =	simm.s32 $0x8;
	v49 =	vld [tilespmem:s28+$0x100];
	v56 =	vshrl.u32 v60, $0x3;
	[tilespmem:v42+s11+$0x0] =	vst.idx.msk $0xffff, v23;
	v42 =	vadd.f32 v61, v5;
	v14 =	vadd.f32 v51, v8  }
0x83: {  	s22 =	sand.u32 $0x78, s31;
	v31 =	vld [tilespmem:s29+$0x10];
	[tilespmem:v37+s11+$0x0] =	vst.idx.msk $0xffff, v40;
	v37 =	vor.u32 $0x3, v9;
	v9 =	vadd.s32 v39, v20;
	v40 =	vadd.f32 v54, v8  }
0x84: {  	s12 =	simm.s32 $0xD;
	v16 =	vld [tilespmem:s28+$0x0];
	v61 =	vmov s22;
	v51 =	vshll.u32 v32, v1;
	[tilespmem:v12+s11+$0x0] =	vst.idx.msk $0xffff, v14;
	v14 =	vadd.s32 v26, v20  }
0x85: {  	s1 =	sand.u32 $0x78, s12;
	s12 =	simm.s32 $0x9;
	v23 =	vld [tilespmem:s29+$0xFFFFFF90];
	v20 =	vor.u32 $0x6, v24;
	v24 =	vadd.s32 v39, v22;
	v26 =	vor.u32 $0x7, v53  }
0x86: {  	s13 =	sand.u32 $0x78, s12;
	v55 =	vld [tilespmem:s29+$0xFFFFFF20];
	v22 =	vor.u32 $0x1, v52;
	v39 =	vbroadcast v51, $0x0;
	v51 =	vbroadcast v33, $0x0  }
0x87: {  	v49 =	vadd.f32 v49, v5;
	v53 =	vmov s13;
	[tilespmem:v18+s11+$0x0] =	vst.idx.msk $0xffff, v40;
	v40 =	vshrl.u32 v61, $0x3;
	v12 =	vld [tilespmem:s29+$0xA0]  }
0x88: {  	v31 =	vadd.f32 v31, v8;
	v25 =	vor.u32 $0x5, v14;
	v14 =	vld [tilespmem:s28+$0xFFFFFE80];
	v40 =	vshll.u32 v40, v1  }
0x89: {  	v57 =	vld [tilespmem:s28+$0xFFFFFF80];
	v61 =	vshrl.u32 v53, $0x3;
	v45 =	vadd.s32 v0, v51;
	v33 =	vadd.s32 v63, v51  }
0x8a: {  	v23 =	vadd.f32 v23, v8;
	v54 =	vadd.s32 v39, v45;
	v11 =	vadd.s32 v39, v33  }
0x8b: {  	[tilespmem:v30+s11+$0x0] =	vst.idx.msk $0xffff, v31;
	v30 =	vshll.u32 v56, v1;
	v56 =	vbroadcast v48, $0x0;
	v50 =	vadd.f32 v55, v7  }
0x8c: {  	s14 =	simm.s32 $0xE;
	v48 =	vadd.f32 v16, v5;
	v16 =	vadd.s32 v62, v51;
	v54 =	vor.u32 $0x2, v54  }
0x8d: {  	v44 =	vadd.f32 v12, v7;
	v12 =	vmov s1;
	v32 =	vadd.f32 v14, v5;
	s1 =	sand.u32 $0x78, s14;
	s14 =	simm.s32 $0xC;
	[tilespmem:v47+s11+$0x0] =	vst.idx.msk $0xffff, v50;
	v47 =	vld [tilespmem:s29+$0xFFFFFEA0]  }
0x8e: {  	v35 =	vshrl.u32 v12, $0x3;
	v14 =	vmov s1;
	v12 =	vadd.f32 v57, v5;
	s1 =	sand.u32 $0x78, s14;
	v57 =	vld [tilespmem:s29+$0xFFFFFE10]  }
0x8f: {  	v14 =	vshrl.u32 v14, $0x3;
	v58 =	vshll.u32 v35, v1;
	v59 =	vmov s1;
	[tilespmem:v46+s11+$0x0] =	vst.idx.msk $0xffff, v44;
	v44 =	vld [tilespmem:s29+$0x20]  }
0x90: {  	v50 =	vld [tilespmem:s28+$0x80];
	v14 =	vshll.u32 v14, v1;
	v38 =	vbroadcast v58, $0x0;
	v41 =	vshrl.u32 v59, $0x3  }
0x91: {  	[tilespmem:v13+s11+$0x0] =	vst.idx.msk $0xffff, v43;
	v52 =	vbroadcast v14, $0x0;
	v14 =	vadd.s32 v2, v51;
	v13 =	vshll.u32 v41, v1  }
0x92: {  	[tilespmem:v37+s11+$0x0] =	vst.idx.msk $0xffff, v23;
	v31 =	vadd.s32 v39, v14;
	v60 =	vadd.s32 v38, v45;
	v46 =	vbroadcast v13, $0x0  }
0x93: {  	v13 =	vadd.s32 v56, v33;
	v47 =	vadd.f32 v47, v7;
	v18 =	vadd.f32 v57, v8  }
0x94: {  	[tilespmem:v54+s11+$0x0] =	vst.idx.msk $0xffff, v42;
	v55 =	vadd.s32 v52, v45;
	v41 =	vor.u32 $0x5, v60;
	v60 =	vld [tilespmem:s29+$0x120];
	v44 =	vadd.f32 v44, v7  }
0x95: {  	v50 =	vadd.f32 v50, v5;
	v55 =	vor.u32 $0x6, v55;
	[tilespmem:v24+s11+$0x0] =	vst.idx.msk $0xffff, v18;
	v18 =	vbroadcast v40, $0x0;
	v40 =	vld [tilespmem:s29+$0xFFFFFFA0]  }
0x96: {  	v39 =	vadd.s32 v39, v16;
	v35 =	vadd.s32 v52, v33;
	v54 =	vor.u32 $0x2, v31;
	[tilespmem:v36+s11+$0x0] =	vst.idx.msk $0xffff, v44;
	v36 =	vld [tilespmem:s29+$0x190]  }
0x97: {  	v3 =	vmovc v62;
	v42 =	vld [tilespmem:s28+$0xFFFFFE00];
	v31 =	vadd.s32 v56, v45;
	v58 =	vadd.s32 v52, v14;
	v52 =	vadd.s32 v52, v16  }
0x98: {  	v57 =	vbroadcast v30, $0x0;
	v23 =	vadd.s32 v46, v45;
	v30 =	vadd.s32 v46, v14;
	[tilespmem:v15+s11+$0x0] =	vst.idx.msk $0xffff, v47;
	v62 =	vld [tilespmem:s29+$0xFFFFFE20]  }
0x99: {  	v51 =	vor.u32 $0x4, v23;
	v44 =	vshll.u32 v61, v1;
	v53 =	vld [tilespmem:s29+$0x30];
	v37 =	vadd.f32 v60, v7;
	[tilespmem:v41+s11+$0x0] =	vst.idx.msk $0xffff, v50  }
0x9a: {  	v47 =	vadd.s32 v46, v16;
	v59 =	vbroadcast v44, $0x0;
	v60 =	vld [tilespmem:s28+$0xFFFFFF10];
	[tilespmem:v55+s11+$0x0] =	vst.idx.msk $0xffff, v49;
	v40 =	vadd.f32 v40, v7  }
0x9b: {  	v27 =	vor.u32 $0x4, v27;
	v44 =	vadd.s32 v38, v14;
	v50 =	vld [tilespmem:s28+$0x180];
	[tilespmem:v21+s11+$0x0] =	vst.idx.msk $0xffff, v37;
	v15 =	vadd.f32 v36, v8  }
0x9c: {  	v4 =	vmovc v63;
	v24 =	vor.u32 $0x6, v58;
	v58 =	vor.u32 $0x5, v44;
	v37 =	vadd.s32 v59, v45;
	v44 =	vld [tilespmem:s29+$0x130];
	[tilespmem:v29+s11+$0x0] =	vst.idx.msk $0xffff, v40  }
0x9d: {  	v49 =	vadd.s32 v59, v16;
	v36 =	vor.u32 $0x1, v37;
	v37 =	vld [tilespmem:s29+$0xFFFFFEB0];
	v29 =	vadd.f32 v62, v7;
	[tilespmem:v28+s11+$0x0] =	vst.idx.msk $0xffff, v15  }
0x9e: {  	v23 =	vadd.s32 v56, v16;
	[tilespmem:v51+s11+$0x0] =	vst.idx.msk $0xffff, v48;
	v53 =	vadd.f32 v53, v6;
	v15 =	vor.u32 $0x1, v49;
	v49 =	vld [tilespmem:s29+$0x1A0]  }
0x9f: {  	v10 =	vor.u32 $0x7, v10;
	v61 =	vadd.s32 v57, v14;
	v63 =	vld [tilespmem:s28+$0x110];
	v60 =	vadd.f32 v60, v8;
	[tilespmem:v34+s11+$0x0] =	vst.idx.msk $0xffff, v29  }
0xa0: {  	v31 =	vor.u32 $0x3, v31;
	v21 =	vadd.s32 v18, v45;
	v45 =	vadd.s32 v57, v45;
	v51 =	vld [tilespmem:s29+$0xFFFFFF30];
	[tilespmem:v27+s11+$0x0] =	vst.idx.msk $0xffff, v53  }
0xa1: {  	v30 =	vor.u32 $0x4, v30;
	v41 =	vld [tilespmem:s28+$0x10];
	v28 =	vadd.f32 v42, v5;
	[tilespmem:v54+s11+$0x0] =	vst.idx.msk $0xffff, v60;
	v42 =	vadd.f32 v44, v6  }
0xa2: {  	v43 =	vld [tilespmem:s29+$0xB0];
	v55 =	vadd.s32 v59, v14;
	v48 =	vor.u32 $0x7, v45;
	[tilespmem:v36+s11+$0x0] =	vst.idx.msk $0xffff, v32;
	v17 =	vadd.f32 v37, v6  }
0xa3: {  	v45 =	vadd.s32 v38, v16;
	v62 =	vor.u32 $0x3, v19;
	v36 =	vld [tilespmem:s28+$0x90];
	[tilespmem:v20+s11+$0x0] =	vst.idx.msk $0xffff, v42;
	v29 =	vadd.f32 v49, v7  }
0xa4: {  	v19 =	vor.u32 $0x6, v52;
	v40 =	vor.u32 $0x1, v55;
	v50 =	vadd.f32 v50, v5;
	v42 =	vld [tilespmem:s29+$0xFFFFFFB0];
	[tilespmem:v22+s11+$0x0] =	vst.idx.msk $0xffff, v17  }
0xa5: {  	v27 =	vadd.s32 v56, v14;
	v34 =	vld [tilespmem:s29+$0xFFFFFE30];
	v51 =	vadd.f32 v51, v6;
	v32 =	vor.u32 $0x5, v45;
	[tilespmem:v26+s11+$0x0] =	vst.idx.msk $0xffff, v29  }
0xa6: {  	v44 =	vadd.f32 v63, v8;
	v37 =	vadd.s32 v59, v33;
	v45 =	vadd.f32 v41, v8;
	v0 =	vld [tilespmem:$0x1FFD0]  }
0xa7: {  	v20 =	vor.u32 $0x7, v61;
	v17 =	vadd.f32 v43, v6;
	v22 =	vadd.s32 v46, v33  }
0xa8: {  	v52 =	vld [tilespmem:s28+$0xFFFFFE90];
	v43 =	vor.u32 $0x3, v27;
	v27 =	vadd.s32 v57, v33;
	v61 =	vadd.f32 v36, v8  }
0xa9: {  	v49 =	vadd.s32 v57, v16;
	v26 =	vor.u32 $0x4, v47;
	v47 =	vld [tilespmem:s28+$0xFFFFFF20];
	[tilespmem:v25+s11+$0x0] =	vst.idx.msk $0xffff, v17;
	v63 =	vadd.f32 v42, v6  }
0xaa: {  	v46 =	vadd.f32 v34, v6;
	v34 =	vadd.s32 v18, v33;
	v36 =	vor.u32 $0x2, v39;
	v29 =	vld [tilespmem:s29+$0x1B0];
	[tilespmem:v58+s11+$0x0] =	vst.idx.msk $0xffff, v61  }
0xab: {  	v25 =	vadd.s32 v38, v33;
	v17 =	vor.u32 $0x6, v35;
	s29 =	simm.s32 $0xC00;
	v41 =	vld [tilespmem:s28+$0xA0];
	[tilespmem:v62+s11+$0x0] =	vst.idx.msk $0xffff, v63;
	v53 =	vor.u32 $0x2, v0  }
.LBB2_3:
0xac: {  	s1 =	sadd.s32 $0xA, s31  }
0xad: {  	s12 =	sadd.s32 $0xC, s31;
	v25 =	vor.u32 $0x5, v25;
	v35 =	vor.u32 $0x7, v27;
	v33 =	vor.u32 $0x3, v23;
	s1 =	sand.u32 $0x78, s1  }
0xae: {  	v23 =	vld [tilespmem:s29+$0xFFFFFF80];
	v27 =	vor.u32 $0x1, v37;
	[tilespmem:v48+s11+$0x0] =	vst.idx.msk $0xffff, v50;
	v48 =	vadd.s32 v18, v14;
	s12 =	sand.u32 $0x78, s12;
	v14 =	vmov s1  }
0xaf: {  	s2 =	sadd.s32 $0xB, s31;
	s13 =	smov.u32 s31;
	s14 =	sadd.s32 $0xF, s31;
	v55 =	vld [tilespmem:s29+$0x100];
	v37 =	vadd.s32 v18, v16;
	[tilespmem:v24+s11+$0x0] =	vst.idx.msk $0xffff, v44;
	v60 =	vmov s12;
	v14 =	vshrl.u32 v14, $0x3  }
0xb0: {  	s31 =	sadd.s32 $0x8, s31;
	[tilespmem:v31+s11+$0x0] =	vst.idx.msk $0xffff, v12;
	s2 =	sand.u32 $0x78, s2;
	s1 =	sadd.s32 $0xD, s13;
	v50 =	vshrl.u32 v60, $0x3;
	v38 =	vadd.f32 v29, v6;
	v29 =	vor.u32 $0x7, v49  }
0xb1: {  	v39 =	vld [tilespmem:s29+$0xFFFFFE80];
	[tilespmem:v53+s11+$0x0] =	vst.idx.msk $0xffff, v51;
	s8 =	sshrl.u32 s31, $0x4;
	s1 =	sand.u32 $0x78, s1;
	v42 =	vadd.f32 v52, v8;
	v52 =	vmov s2;
	v53 =	vadd.f32 v41, v7  }
0xb2: {  	[tilespmem:v9+s11+$0x0] =	vst.idx.msk $0xffff, v46;
	s2 =	sand.u32 $0x8, s8;
	v54 =	vmov s1;
	v56 =	vadd.f32 v47, v7;
	v14 =	vshll.u32 v14, v1  }
0xb3: {  	s22 =	sadd.s32 $0x9, s13;
	[tilespmem:v30+s11+$0x0] =	vst.idx.msk $0xffff, v45;
	v57 =	vld [tilespmem:s29+$0xFFFFFF00];
	v50 =	vshll.u32 v50, v1;
	v30 =	vmov s2;
	v18 =	vshrl.u32 v54, $0x3  }
0xb4: {  	s13 =	sadd.s32 $0xE, s13;
	[tilespmem:v21+s11+$0x0] =	vst.idx.msk $0xffff, v28;
	v21 =	vld [tilespmem:s28+$0xFFFFFF90];
	s8 =	sand.u32 $0x78, s22;
	s22 =	sand.u32 $0x78, s31;
	v44 =	vbroadcast v14, $0x0;
	v14 =	vadd.f32 v23, v5;
	v47 =	vadd.f32 v55, v5  }
0xb5: {  	s14 =	sand.u32 $0x78, s14;
	v61 =	vld [tilespmem:s28+$0x20];
	s2 =	sand.u32 $0x78, s13;
	v46 =	vmov s22;
	[tilespmem:v10+s11+$0x0] =	vst.idx.msk $0xffff, v38;
	v10 =	vmovc v35;
	v35 =	vshrl.u32 v52, $0x3;
	v16 =	vmul.u32 $0x88, v30  }
0xb6: {  	v59 =	vld [tilespmem:s28+$0xFFFFFE10];
	[tilespmem:v32+s11+$0x0] =	vst.idx.msk $0xffff, v53;
	v32 =	vadd.f32 v39, v5;
	v24 =	vmov s2;
	v30 =	vmov s14  }
0xb7: {  	v0 =	vld [tilespmem:$0x1FFE0];
	[tilespmem:v36+s11+$0x0] =	vst.idx.msk $0xffff, v56;
	v18 =	vshll.u32 v18, v1;
	v56 =	vbroadcast v50, $0x0;
	v60 =	vshrl.u32 v46, $0x3  }
0xb8: {  	v23 =	vld [tilespmem:s29+$0x0];
	v24 =	vshrl.u32 v24, $0x3;
	v58 =	vshll.u32 v35, v1;
	v30 =	vshrl.u32 v30, $0x3  }
0xb9: {  	[tilespmem:v40+s11+$0x0] =	vst.idx.msk $0xffff, v42;
	v42 =	vbroadcast v18, $0x0;
	v21 =	vadd.f32 v21, v8;
	v45 =	vadd.f32 v57, v5  }
0xba: {  	v61 =	vadd.f32 v61, v7;
	v16 =	vbroadcast v16, $0x0;
	v24 =	vshll.u32 v24, v1  }
0xbb: {  	v18 =	vshll.u32 v30, v1;
	v54 =	vadd.f32 v59, v8;
	v55 =	vbroadcast v58, $0x0;
	[tilespmem:v43+s11+$0x0] =	vst.idx.msk $0xffff, v21;
	v21 =	vld [tilespmem:s28+$0x120]  }
0xbc: {  	v49 =	vbroadcast v24, $0x0;
	v46 =	vbroadcast v18, $0x0;
	[tilespmem:v26+s11+$0x0] =	vst.idx.msk $0xffff, v61;
	v26 =	vld [tilespmem:s28+$0x190];
	v31 =	vadd.s32 v0, v16  }
0xbd: {  	v0 =	vld [tilespmem:$0x1FFF0];
	v35 =	vadd.s32 v4, v16;
	v43 =	vadd.f32 v23, v5;
	v24 =	vadd.s32 v44, v31  }
0xbe: {  	v41 =	vadd.s32 v44, v35;
	v28 =	vadd.s32 v49, v31;
	v39 =	vadd.s32 v49, v35  }
0xbf: {  	v62 =	vadd.s32 v42, v31;
	v18 =	vadd.s32 v56, v31;
	v51 =	vadd.s32 v55, v35  }
0xc0: {  	v9 =	vmovc v34;
	v34 =	vld [tilespmem:s28+$0xB0];
	[tilespmem:v48+s11+$0x0] =	vst.idx.msk $0xffff, v54;
	v24 =	vor.u32 $0x2, v24;
	v54 =	vor.u32 $0x4, v18;
	v18 =	vshll.u32 v60, v1  }
0xc1: {  	v63 =	vld [tilespmem:s28+$0xFFFFFEA0];
	v58 =	vadd.s32 v55, v31;
	v18 =	vbroadcast v18, $0x0;
	v21 =	vadd.f32 v21, v7  }
0xc2: {  	v12 =	vmovc v14;
	v60 =	vld [tilespmem:s28+$0xFFFFFFA0];
	v26 =	vadd.f32 v26, v8;
	v14 =	vadd.s32 v0, v16;
	v16 =	vadd.s32 v3, v16  }
0xc3: {  	v38 =	vld [tilespmem:s28+$0xFFFFFF30];
	v30 =	vadd.s32 v44, v14;
	v23 =	vadd.s32 v55, v16;
	v48 =	vadd.s32 v49, v14  }
0xc4: {  	v50 =	vld [tilespmem:s29+$0xFFFFFE00];
	v28 =	vor.u32 $0x6, v28;
	[tilespmem:v19+s11+$0x0] =	vst.idx.msk $0xffff, v21;
	v21 =	vadd.s32 v18, v31;
	v2 =	vadd.s32 v56, v16  }
0xc5: {  	v36 =	vmov s8;
	v40 =	vld [tilespmem:s28+$0x30];
	v49 =	vadd.s32 v49, v16;
	[tilespmem:v24+s11+$0x0] =	vst.idx.msk $0xffff, v45;
	v45 =	vadd.s32 v56, v14  }
0xc6: {  	[tilespmem:v20+s11+$0x0] =	vst.idx.msk $0xffff, v26;
	v24 =	vld [tilespmem:s29+$0x80];
	v57 =	vor.u32 $0x2, v30;
	v30 =	vshrl.u32 v36, $0x3;
	v36 =	vadd.f32 v63, v7  }
0xc7: {  	v22 =	vor.u32 $0x4, v22;
	v53 =	vld [tilespmem:s28+$0xFFFFFE20];
	v63 =	vadd.s32 v46, v14;
	[tilespmem:v54+s11+$0x0] =	vst.idx.msk $0xffff, v43;
	v20 =	vadd.f32 v60, v7  }
0xc8: {  	v52 =	vor.u32 $0x5, v62;
	v26 =	vld [tilespmem:s28+$0x1A0];
	v54 =	vadd.s32 v44, v16;
	v30 =	vshll.u32 v30, v1;
	[tilespmem:v15+s11+$0x0] =	vst.idx.msk $0xffff, v36  }
0xc9: {  	v59 =	vbroadcast v30, $0x0;
	v30 =	vadd.s32 v42, v14;
	v36 =	vld [tilespmem:s28+$0x130];
	[tilespmem:v28+s11+$0x0] =	vst.idx.msk $0xffff, v47;
	v28 =	vadd.f32 v50, v5  }
0xca: {  	v61 =	vld [tilespmem:s29+$0xFFFFFF10];
	[tilespmem:v33+s11+$0x0] =	vst.idx.msk $0xffff, v20;
	v20 =	vor.u32 $0x7, v63;
	v63 =	vadd.f32 v34, v6;
	v34 =	vadd.s32 v18, v35  }
0xcb: {  	v43 =	vld [tilespmem:s29+$0x10];
	v0 =	vor.u32 $0x5, v30;
	v30 =	vor.u32 $0x4, v45;
	v62 =	vadd.f32 v24, v5  }
0xcc: {  	v50 =	vld [tilespmem:s29+$0x180];
	v45 =	vadd.s32 v46, v31;
	v19 =	vadd.s32 v59, v31;
	v15 =	vadd.s32 v59, v16  }
0xcd: {  	v24 =	vor.u32 $0x6, v48;
	v48 =	vor.u32 $0x7, v45;
	v45 =	vadd.f32 v53, v7;
	[tilespmem:v52+s11+$0x0] =	vst.idx.msk $0xffff, v62;
	v52 =	vld [tilespmem:s28+$0xFFFFFEB0]  }
0xce: {  	v47 =	vadd.s32 v59, v14;
	v19 =	vor.u32 $0x1, v19;
	v53 =	vadd.f32 v40, v6;
	v62 =	vld [tilespmem:s29+$0x110]  }
0xcf: {  	v31 =	vor.u32 $0x3, v58;
	v58 =	vor.u32 $0x3, v13;
	v61 =	vadd.f32 v61, v8;
	[tilespmem:v37+s11+$0x0] =	vst.idx.msk $0xffff, v45;
	v33 =	vld [tilespmem:s29+$0x90]  }
0xd0: {  	v13 =	vmov v51;
	v51 =	vadd.f32 v38, v6;
	v36 =	vadd.f32 v36, v6;
	[tilespmem:v22+s11+$0x0] =	vst.idx.msk $0xffff, v53  }
0xd1: {  	v60 =	vld [tilespmem:s28+$0xFFFFFFB0];
	v15 =	vor.u32 $0x1, v15;
	v37 =	vadd.s32 v59, v35;
	v45 =	vadd.f32 v43, v8;
	[tilespmem:v57+s11+$0x0] =	vst.idx.msk $0xffff, v61  }
0xd2: {  	v40 =	vor.u32 $0x1, v47;
	v50 =	vadd.f32 v50, v5;
	[tilespmem:v17+s11+$0x0] =	vst.idx.msk $0xffff, v36;
	v17 =	vadd.f32 v26, v7  }
0xd3: {  	p0 =	slt.u32 s31, $0xF8;
	v53 =	vor.u32 $0x2, v11;
	[tilespmem:v19+s11+$0x0] =	vst.idx.msk $0xffff, v32;
	v52 =	vadd.f32 v52, v6;
	v44 =	vadd.f32 v62, v8;
	v62 =	vld [tilespmem:s28+$0xFFFFFE30]  }
.Ltmp0:
0xd4: {  	v22 =	vadd.s32 v56, v35;
	v26 =	vor.u32 $0x4, v2;
	[tilespmem:v29+s11+$0x0] =	vst.idx.msk $0xffff, v17;
	v17 =	vadd.f32 v33, v8;
	(pc) =	sbr.rel @p0 .LBB2_3-.Ltmp0, $4  }
0xd5: {  	v36 =	vor.u32 $0x2, v54;
	v2 =	vadd.s32 v55, v14;
	v47 =	vld [tilespmem:s29+$0xFFFFFF20];
	v19 =	vadd.s32 v42, v16;
	[tilespmem:v27+s11+$0x0] =	vst.idx.msk $0xffff, v52  }
0xd6: {  	v11 =	vmovc v41;
	v43 =	vor.u32 $0x3, v2;
	v32 =	vor.u32 $0x5, v19;
	v29 =	vld [tilespmem:s28+$0x1B0];
	[tilespmem:v0+s11+$0x0] =	vst.idx.msk $0xffff, v17;
	v0 =	vadd.f32 v60, v6  }
0xd7: {  	v19 =	vor.u32 $0x6, v49;
	v49 =	vadd.s32 v46, v16;
	v27 =	vadd.s32 v46, v35;
	v41 =	vld [tilespmem:s29+$0xA0];
	[tilespmem:v25+s11+$0x0] =	vst.idx.msk $0xffff, v63  }
0xd8: {  	s28 =	smov.u32 s29;
	v52 =	vld [tilespmem:s29+$0xFFFFFE90];
	v17 =	vor.u32 $0x6, v39;
	v25 =	vadd.s32 v42, v35;
	s29 =	sadd.s32 $0x400, s29;
	v46 =	vadd.f32 v62, v6;
	[tilespmem:v58+s11+$0x0] =	vst.idx.msk $0xffff, v0  }
0xd9: {  	_ =	sdelay $0x3  }
0xda: {  	[tilespmem:v31+s11+$0x0] =	vst.idx.msk $0xffff, v12  }
0xdb: {  	[tilespmem:v48+s11+$0x0] =	vst.idx.msk $0xffff, v50;
	v0 =	vld [tilespmem:s28+$0xFFFFFF90]  }
0xdc: {  	[tilespmem:v53+s11+$0x0] =	vst.idx.msk $0xffff, v51  }
0xdd: {  	[tilespmem:v21+s11+$0x0] =	vst.idx.msk $0xffff, v28;
	v2 =	vld [tilespmem:s28+$0x190]  }
0xde: {  	[tilespmem:v24+s11+$0x0] =	vst.idx.msk $0xffff, v44;
	v12 =	vld [tilespmem:s28+$0xFFFFFE10];
	v5 =	vadd.f32 v52, v8  }
0xdf: {  	[tilespmem:v30+s11+$0x0] =	vst.idx.msk $0xffff, v45;
	v24 =	vld [tilespmem:s28+$0x120];
	v21 =	vadd.f32 v29, v6  }
0xe0: {  	v14 =	vadd.s32 v18, v14;
	[tilespmem:v40+s11+$0x0] =	vst.idx.msk $0xffff, v5;
	v0 =	vadd.f32 v0, v8;
	v5 =	vld [tilespmem:s28+$0x20]  }
0xe1: {  	[tilespmem:v10+s11+$0x0] =	vst.idx.msk $0xffff, v21;
	v10 =	vld [tilespmem:s28+$0xFFFFFEA0]  }
0xe2: {  	[tilespmem:v43+s11+$0x0] =	vst.idx.msk $0xffff, v0;
	v0 =	vadd.f32 v2, v8  }
0xe3: {  	[tilespmem:v9+s11+$0x0] =	vst.idx.msk $0xffff, v46;
	v2 =	vadd.f32 v12, v8;
	v8 =	vld [tilespmem:s28+$0xFFFFFFA0]  }
0xe4: {  	v9 =	vadd.f32 v24, v7;
	[tilespmem:v20+s11+$0x0] =	vst.idx.msk $0xffff, v0  }
0xe5: {  	v0 =	vor.u32 $0x3, v23;
	[tilespmem:v14+s11+$0x0] =	vst.idx.msk $0xffff, v2;
	v2 =	vadd.f32 v5, v7;
	v5 =	vld [tilespmem:s28+$0x1A0]  }
0xe6: {  	[tilespmem:v19+s11+$0x0] =	vst.idx.msk $0xffff, v9;
	v12 =	vld [tilespmem:s28+$0xFFFFFE20];
	v10 =	vadd.f32 v10, v7  }
0xe7: {  	v9 =	vor.u32 $0x7, v49;
	v14 =	vadd.f32 v41, v7;
	[tilespmem:v26+s11+$0x0] =	vst.idx.msk $0xffff, v2;
	v2 =	vld [tilespmem:s28+$0x130]  }
0xe8: {  	v16 =	vadd.s32 v18, v16;
	v18 =	vld [tilespmem:s28+$0x30];
	[tilespmem:v15+s11+$0x0] =	vst.idx.msk $0xffff, v10;
	v8 =	vadd.f32 v8, v7  }
0xe9: {  	[tilespmem:v32+s11+$0x0] =	vst.idx.msk $0xffff, v14;
	v10 =	vadd.f32 v47, v7;
	v14 =	vld [tilespmem:s28+$0xFFFFFEB0]  }
0xea: {  	v19 =	vor.u32 $0x4, v22;
	v15 =	vld [tilespmem:s28+$0xB0];
	[tilespmem:v0+s11+$0x0] =	vst.idx.msk $0xffff, v8;
	v0 =	vadd.f32 v5, v7  }
0xeb: {  	v5 =	vor.u32 $0x1, v37;
	[tilespmem:v36+s11+$0x0] =	vst.idx.msk $0xffff, v10;
	v7 =	vadd.f32 v12, v7;
	v8 =	vld [tilespmem:s28+$0xFFFFFFB0]  }
0xec: {  	v10 =	vor.u32 $0x5, v25;
	v12 =	vld [tilespmem:s28+$0xFFFFFF30];
	v2 =	vadd.f32 v2, v6;
	[tilespmem:v9+s11+$0x0] =	vst.idx.msk $0xffff, v0  }
0xed: {  	v0 =	vor.u32 $0x3, v13;
	[tilespmem:v16+s11+$0x0] =	vst.idx.msk $0xffff, v7;
	v9 =	vadd.f32 v18, v6;
	v7 =	vld [tilespmem:s28+$0x1B0]  }
0xee: {  	v11 =	vor.u32 $0x2, v11;
	v13 =	vadd.f32 v14, v6;
	[tilespmem:v17+s11+$0x0] =	vst.idx.msk $0xffff, v2  }
0xef: {  	v14 =	vor.u32 $0x7, v27;
	[tilespmem:v19+s11+$0x0] =	vst.idx.msk $0xffff, v9;
	v9 =	vadd.f32 v15, v6  }
0xf0: {  	v2 =	vld [tilespmem:s28+$0xFFFFFE30];
	[tilespmem:v5+s11+$0x0] =	vst.idx.msk $0xffff, v13;
	v5 =	vadd.f32 v8, v6  }
0xf1: {  	v8 =	vadd.f32 v12, v6;
	[tilespmem:v10+s11+$0x0] =	vst.idx.msk $0xffff, v9  }
0xf2: {  	[tilespmem:v0+s11+$0x0] =	vst.idx.msk $0xffff, v5;
	v0 =	vadd.f32 v7, v6  }
0xf3: {  	[tilespmem:v11+s11+$0x0] =	vst.idx.msk $0xffff, v8  }
0xf4: {  	[tilespmem:v14+s11+$0x0] =	vst.idx.msk $0xffff, v0  }
0xf5: {  	s1 =	sshll.u32 s30, $0xF;
	v2 =	vadd.f32 v2, v6;
	s2 =	rddreg [dreg:$0x5]  }
0xf6: {  	s12 =	rddreg [dreg:$0x2];
	s28 =	sor.u32 s2, s1  }
0xf7: {  	[tilespmem:v34+s11+$0x0] =	vst.idx.msk $0xffff, v2;
	s1 =	sadd.s32 s12, s28  }
0xf8: {  	[hbm4b:s1+s4] =	stream.linear.scatter [tilespmem:s11], [sflag:$0x5], $0x80, $0x38;
	[tilespmem:$0x19A00] =	vst v63  }
0xf9: {  	s8 =	simm.s32 $0x10288;
	s13 =	sadd.s32 $0x10, s1  }
0xfa: {  	[hbm4b:s13+s4] =	stream.linear.scatter [tilespmem:s8], [sflag:$0x5], $0x80, $0x38;
	[tilespmem:$0x19A00] =	vst v63  }
0xfb: {  	s22 =	simm.s32 $0x10310;
	s14 =	sadd.s32 $0x20, s1  }
0xfc: {  	[hbm4b:s14+s4] =	stream.linear.scatter [tilespmem:s22], [sflag:$0x5], $0x80, $0x38;
	[tilespmem:$0x19A00] =	vst v63  }
0xfd: {  	s12 =	sadd.s32 $0x30, s1;
	s13 =	simm.s32 $0x10398  }
0xfe: {  	[hbm4b:s12+s4] =	stream.linear.scatter [tilespmem:s13], [sflag:$0x5], $0x80, $0x38;
	[tilespmem:$0x19A00] =	vst v63  }
0xff: {  	s14 =	sadd.s32 $0x40, s1;
	s22 =	simm.s32 $0x10420  }
0x100: {  	[hbm4b:s14+s4] =	stream.linear.scatter [tilespmem:s22], [sflag:$0x5], $0x80, $0x38;
	[tilespmem:$0x19A00] =	vst v63  }
0x101: {  	s12 =	sadd.s32 $0x50, s1;
	s13 =	simm.s32 $0x104A8  }
0x102: {  	[hbm4b:s12+s4] =	stream.linear.scatter [tilespmem:s13], [sflag:$0x5], $0x80, $0x38;
	[tilespmem:$0x19A00] =	vst v63  }
0x103: {  	s14 =	sadd.s32 $0x60, s1;
	s22 =	simm.s32 $0x10530  }
0x104: {  	[hbm4b:s14+s4] =	stream.linear.scatter [tilespmem:s22], [sflag:$0x5], $0x80, $0x38;
	[tilespmem:$0x19A00] =	vst v63  }
0x105: {  	s12 =	sadd.s32 $0x70, s1;
	s13 =	simm.s32 $0x105B8  }
0x106: {  	[hbm4b:s12+s4] =	stream.linear.scatter [tilespmem:s13], [sflag:$0x5], $0x80, $0x38;
	[tilespmem:$0x19A00] =	vst v63  }
0x107: {  	s14 =	sadd.s32 $0x80, s1;
	s22 =	simm.s32 $0x10640  }
0x108: {  	[hbm4b:s14+s4] =	stream.linear.scatter [tilespmem:s22], [sflag:$0x5], $0x80, $0x38;
	[tilespmem:$0x19A00] =	vst v63  }
0x109: {  	s12 =	sadd.s32 $0x90, s1;
	s13 =	simm.s32 $0x106C8  }
0x10a: {  	[hbm4b:s12+s4] =	stream.linear.scatter [tilespmem:s13], [sflag:$0x5], $0x80, $0x38;
	[tilespmem:$0x19A00] =	vst v63  }
0x10b: {  	s14 =	sadd.s32 $0xA0, s1;
	s22 =	simm.s32 $0x10750  }
0x10c: {  	[hbm4b:s14+s4] =	stream.linear.scatter [tilespmem:s22], [sflag:$0x5], $0x80, $0x38;
	[tilespmem:$0x19A00] =	vst v63  }
0x10d: {  	s12 =	sadd.s32 $0xB0, s1;
	s13 =	simm.s32 $0x107D8  }
0x10e: {  	[hbm4b:s12+s4] =	stream.linear.scatter [tilespmem:s13], [sflag:$0x5], $0x80, $0x38;
	[tilespmem:$0x19A00] =	vst v63  }
0x10f: {  	s14 =	sadd.s32 $0xC0, s1;
	s22 =	simm.s32 $0x10860  }
0x110: {  	[hbm4b:s14+s4] =	stream.linear.scatter [tilespmem:s22], [sflag:$0x5], $0x80, $0x38;
	[tilespmem:$0x19A00] =	vst v63  }
0x111: {  	s8 =	sadd.s32 $0xD0, s1;
	s12 =	simm.s32 $0x108E8  }
0x112: {  	[hbm4b:s8+s4] =	stream.linear.scatter [tilespmem:s12], [sflag:$0x5], $0x80, $0x38;
	[tilespmem:$0x19A00] =	vst v63  }
0x113: {  	s13 =	sadd.s32 $0xE0, s1;
	s14 =	simm.s32 $0x10970  }
0x114: {  	[hbm4b:s13+s4] =	stream.linear.scatter [tilespmem:s14], [sflag:$0x5], $0x80, $0x38;
	[tilespmem:$0x19A00] =	vst v63  }
0x115: {  	s1 =	sadd.s32 $0xF0, s1;
	s22 =	simm.s32 $0x109F8  }
0x116: {  	[hbm4b:s1+s4] =	stream.linear.scatter [tilespmem:s22], [sflag:$0x5], $0x80, $0x38;
	[tilespmem:$0x19A00] =	vst v63  }
0x117: {  	s8 =	simm.s32 $0x10EC0;
	s1 =	sadd.s32 s28, s15  }
0x118: {  	[hbm4b:s1+s4] =	stream.linear.scatter [tilespmem:s8], [sflag:$0x5], $0x80, $0x38;
	[tilespmem:$0x19A00] =	vst v63  }
0x119: {  	s13 =	simm.s32 $0x10F48;
	s12 =	sadd.s32 $0x10, s1  }
0x11a: {  	[hbm4b:s12+s4] =	stream.linear.scatter [tilespmem:s13], [sflag:$0x5], $0x80, $0x38;
	[tilespmem:$0x19A00] =	vst v63  }
0x11b: {  	s22 =	simm.s32 $0x10FD0;
	s14 =	sadd.s32 $0x20, s1  }
0x11c: {  	[hbm4b:s14+s4] =	stream.linear.scatter [tilespmem:s22], [sflag:$0x5], $0x80, $0x38;
	[tilespmem:$0x19A00] =	vst v63  }
0x11d: {  	s12 =	sadd.s32 $0x30, s1;
	s13 =	simm.s32 $0x11058  }
0x11e: {  	[hbm4b:s12+s4] =	stream.linear.scatter [tilespmem:s13], [sflag:$0x5], $0x80, $0x38;
	[tilespmem:$0x19A00] =	vst v63  }
0x11f: {  	s14 =	sadd.s32 $0x40, s1;
	s22 =	simm.s32 $0x110E0  }
0x120: {  	[hbm4b:s14+s4] =	stream.linear.scatter [tilespmem:s22], [sflag:$0x5], $0x80, $0x38;
	[tilespmem:$0x19A00] =	vst v63  }
0x121: {  	s12 =	sadd.s32 $0x50, s1;
	s13 =	simm.s32 $0x11168  }
0x122: {  	[hbm4b:s12+s4] =	stream.linear.scatter [tilespmem:s13], [sflag:$0x5], $0x80, $0x38;
	[tilespmem:$0x19A00] =	vst v63  }
0x123: {  	s14 =	sadd.s32 $0x60, s1;
	s22 =	simm.s32 $0x111F0  }
0x124: {  	[hbm4b:s14+s4] =	stream.linear.scatter [tilespmem:s22], [sflag:$0x5], $0x80, $0x38;
	[tilespmem:$0x19A00] =	vst v63  }
0x125: {  	s12 =	sadd.s32 $0x70, s1;
	s13 =	simm.s32 $0x11278  }
0x126: {  	[hbm4b:s12+s4] =	stream.linear.scatter [tilespmem:s13], [sflag:$0x5], $0x80, $0x38;
	[tilespmem:$0x19A00] =	vst v63  }
0x127: {  	s14 =	sadd.s32 $0x80, s1;
	s22 =	simm.s32 $0x11300  }
0x128: {  	[hbm4b:s14+s4] =	stream.linear.scatter [tilespmem:s22], [sflag:$0x5], $0x80, $0x38;
	[tilespmem:$0x19A00] =	vst v63  }
0x129: {  	s12 =	sadd.s32 $0x90, s1;
	s13 =	simm.s32 $0x11388  }
0x12a: {  	[hbm4b:s12+s4] =	stream.linear.scatter [tilespmem:s13], [sflag:$0x5], $0x80, $0x38;
	[tilespmem:$0x19A00] =	vst v63  }
0x12b: {  	s14 =	sadd.s32 $0xA0, s1;
	s22 =	simm.s32 $0x11410  }
0x12c: {  	[hbm4b:s14+s4] =	stream.linear.scatter [tilespmem:s22], [sflag:$0x5], $0x80, $0x38;
	[tilespmem:$0x19A00] =	vst v63  }
0x12d: {  	s12 =	sadd.s32 $0xB0, s1;
	s13 =	simm.s32 $0x11498  }
0x12e: {  	[hbm4b:s12+s4] =	stream.linear.scatter [tilespmem:s13], [sflag:$0x5], $0x80, $0x38;
	[tilespmem:$0x19A00] =	vst v63  }
0x12f: {  	s14 =	sadd.s32 $0xC0, s1;
	s22 =	simm.s32 $0x11520  }
0x130: {  	[hbm4b:s14+s4] =	stream.linear.scatter [tilespmem:s22], [sflag:$0x5], $0x80, $0x38;
	[tilespmem:$0x19A00] =	vst v63  }
0x131: {  	s8 =	sadd.s32 $0xD0, s1;
	s12 =	simm.s32 $0x115A8  }
0x132: {  	[hbm4b:s8+s4] =	stream.linear.scatter [tilespmem:s12], [sflag:$0x5], $0x80, $0x38;
	[tilespmem:$0x19A00] =	vst v63  }
0x133: {  	s13 =	sadd.s32 $0xE0, s1;
	s14 =	simm.s32 $0x11630  }
0x134: {  	[hbm4b:s13+s4] =	stream.linear.scatter [tilespmem:s14], [sflag:$0x5], $0x80, $0x38;
	[tilespmem:$0x19A00] =	vst v63  }
0x135: {  	s1 =	sadd.s32 $0xF0, s1;
	s22 =	simm.s32 $0x116B8  }
0x136: {  	[hbm4b:s1+s4] =	stream.linear.scatter [tilespmem:s22], [sflag:$0x5], $0x80, $0x38;
	[tilespmem:$0x19A00] =	vst v63  }
0x137: {  	s8 =	simm.s32 $0x11B80;
	s1 =	sadd.s32 s28, s16  }
0x138: {  	[hbm4b:s1+s4] =	stream.linear.scatter [tilespmem:s8], [sflag:$0x5], $0x80, $0x38;
	[tilespmem:$0x19A00] =	vst v63  }
0x139: {  	s13 =	simm.s32 $0x11C08;
	s12 =	sadd.s32 $0x10, s1  }
0x13a: {  	[hbm4b:s12+s4] =	stream.linear.scatter [tilespmem:s13], [sflag:$0x5], $0x80, $0x38;
	[tilespmem:$0x19A00] =	vst v63  }
0x13b: {  	s22 =	simm.s32 $0x11C90;
	s14 =	sadd.s32 $0x20, s1  }
0x13c: {  	[hbm4b:s14+s4] =	stream.linear.scatter [tilespmem:s22], [sflag:$0x5], $0x80, $0x38;
	[tilespmem:$0x19A00] =	vst v63  }
0x13d: {  	s12 =	sadd.s32 $0x30, s1;
	s13 =	simm.s32 $0x11D18  }
0x13e: {  	[hbm4b:s12+s4] =	stream.linear.scatter [tilespmem:s13], [sflag:$0x5], $0x80, $0x38;
	[tilespmem:$0x19A00] =	vst v63  }
0x13f: {  	s14 =	sadd.s32 $0x40, s1;
	s22 =	simm.s32 $0x11DA0  }
0x140: {  	[hbm4b:s14+s4] =	stream.linear.scatter [tilespmem:s22], [sflag:$0x5], $0x80, $0x38;
	[tilespmem:$0x19A00] =	vst v63  }
0x141: {  	s12 =	sadd.s32 $0x50, s1;
	s13 =	simm.s32 $0x11E28  }
0x142: {  	[hbm4b:s12+s4] =	stream.linear.scatter [tilespmem:s13], [sflag:$0x5], $0x80, $0x38;
	[tilespmem:$0x19A00] =	vst v63  }
0x143: {  	s14 =	sadd.s32 $0x60, s1;
	s22 =	simm.s32 $0x11EB0  }
0x144: {  	[hbm4b:s14+s4] =	stream.linear.scatter [tilespmem:s22], [sflag:$0x5], $0x80, $0x38;
	[tilespmem:$0x19A00] =	vst v63  }
0x145: {  	s12 =	sadd.s32 $0x70, s1;
	s13 =	simm.s32 $0x11F38  }
0x146: {  	[hbm4b:s12+s4] =	stream.linear.scatter [tilespmem:s13], [sflag:$0x5], $0x80, $0x38;
	[tilespmem:$0x19A00] =	vst v63  }
0x147: {  	s14 =	sadd.s32 $0x80, s1;
	s22 =	simm.s32 $0x11FC0  }
0x148: {  	[hbm4b:s14+s4] =	stream.linear.scatter [tilespmem:s22], [sflag:$0x5], $0x80, $0x38;
	[tilespmem:$0x19A00] =	vst v63  }
0x149: {  	s12 =	sadd.s32 $0x90, s1;
	s13 =	simm.s32 $0x12048  }
0x14a: {  	[hbm4b:s12+s4] =	stream.linear.scatter [tilespmem:s13], [sflag:$0x5], $0x80, $0x38;
	[tilespmem:$0x19A00] =	vst v63  }
0x14b: {  	s14 =	sadd.s32 $0xA0, s1;
	s22 =	simm.s32 $0x120D0  }
0x14c: {  	[hbm4b:s14+s4] =	stream.linear.scatter [tilespmem:s22], [sflag:$0x5], $0x80, $0x38;
	[tilespmem:$0x19A00] =	vst v63  }
0x14d: {  	s12 =	sadd.s32 $0xB0, s1;
	s13 =	simm.s32 $0x12158  }
0x14e: {  	[hbm4b:s12+s4] =	stream.linear.scatter [tilespmem:s13], [sflag:$0x5], $0x80, $0x38;
	[tilespmem:$0x19A00] =	vst v63  }
0x14f: {  	s14 =	sadd.s32 $0xC0, s1;
	s22 =	simm.s32 $0x121E0  }
0x150: {  	[hbm4b:s14+s4] =	stream.linear.scatter [tilespmem:s22], [sflag:$0x5], $0x80, $0x38;
	[tilespmem:$0x19A00] =	vst v63  }
0x151: {  	s8 =	sadd.s32 $0xD0, s1;
	s12 =	simm.s32 $0x12268  }
0x152: {  	[hbm4b:s8+s4] =	stream.linear.scatter [tilespmem:s12], [sflag:$0x5], $0x80, $0x38;
	[tilespmem:$0x19A00] =	vst v63  }
0x153: {  	s13 =	sadd.s32 $0xE0, s1;
	s14 =	simm.s32 $0x122F0  }
0x154: {  	[hbm4b:s13+s4] =	stream.linear.scatter [tilespmem:s14], [sflag:$0x5], $0x80, $0x38;
	[tilespmem:$0x19A00] =	vst v63  }
0x155: {  	s1 =	sadd.s32 $0xF0, s1;
	s22 =	simm.s32 $0x12378  }
0x156: {  	[hbm4b:s1+s4] =	stream.linear.scatter [tilespmem:s22], [sflag:$0x5], $0x80, $0x38;
	[tilespmem:$0x19A00] =	vst v63  }
0x157: {  	s8 =	simm.s32 $0x12840;
	s1 =	sadd.s32 s28, s17  }
0x158: {  	[hbm4b:s1+s4] =	stream.linear.scatter [tilespmem:s8], [sflag:$0x5], $0x80, $0x38;
	[tilespmem:$0x19A00] =	vst v63  }
0x159: {  	s13 =	simm.s32 $0x128C8;
	s12 =	sadd.s32 $0x10, s1  }
0x15a: {  	[hbm4b:s12+s4] =	stream.linear.scatter [tilespmem:s13], [sflag:$0x5], $0x80, $0x38;
	[tilespmem:$0x19A00] =	vst v63  }
0x15b: {  	s22 =	simm.s32 $0x12950;
	s14 =	sadd.s32 $0x20, s1  }
0x15c: {  	[hbm4b:s14+s4] =	stream.linear.scatter [tilespmem:s22], [sflag:$0x5], $0x80, $0x38;
	[tilespmem:$0x19A00] =	vst v63  }
0x15d: {  	s12 =	sadd.s32 $0x30, s1;
	s13 =	simm.s32 $0x129D8  }
0x15e: {  	[hbm4b:s12+s4] =	stream.linear.scatter [tilespmem:s13], [sflag:$0x5], $0x80, $0x38;
	[tilespmem:$0x19A00] =	vst v63  }
0x15f: {  	s14 =	sadd.s32 $0x40, s1;
	s22 =	simm.s32 $0x12A60  }
0x160: {  	[hbm4b:s14+s4] =	stream.linear.scatter [tilespmem:s22], [sflag:$0x5], $0x80, $0x38;
	[tilespmem:$0x19A00] =	vst v63  }
0x161: {  	s12 =	sadd.s32 $0x50, s1;
	s13 =	simm.s32 $0x12AE8  }
0x162: {  	[hbm4b:s12+s4] =	stream.linear.scatter [tilespmem:s13], [sflag:$0x5], $0x80, $0x38;
	[tilespmem:$0x19A00] =	vst v63  }
0x163: {  	s14 =	sadd.s32 $0x60, s1;
	s22 =	simm.s32 $0x12B70  }
0x164: {  	[hbm4b:s14+s4] =	stream.linear.scatter [tilespmem:s22], [sflag:$0x5], $0x80, $0x38;
	[tilespmem:$0x19A00] =	vst v63  }
0x165: {  	s12 =	sadd.s32 $0x70, s1;
	s13 =	simm.s32 $0x12BF8  }
0x166: {  	[hbm4b:s12+s4] =	stream.linear.scatter [tilespmem:s13], [sflag:$0x5], $0x80, $0x38;
	[tilespmem:$0x19A00] =	vst v63  }
0x167: {  	s14 =	sadd.s32 $0x80, s1;
	s22 =	simm.s32 $0x12C80  }
0x168: {  	[hbm4b:s14+s4] =	stream.linear.scatter [tilespmem:s22], [sflag:$0x5], $0x80, $0x38;
	[tilespmem:$0x19A00] =	vst v63  }
0x169: {  	s12 =	sadd.s32 $0x90, s1;
	s13 =	simm.s32 $0x12D08  }
0x16a: {  	[hbm4b:s12+s4] =	stream.linear.scatter [tilespmem:s13], [sflag:$0x5], $0x80, $0x38;
	[tilespmem:$0x19A00] =	vst v63  }
0x16b: {  	s14 =	sadd.s32 $0xA0, s1;
	s22 =	simm.s32 $0x12D90  }
0x16c: {  	[hbm4b:s14+s4] =	stream.linear.scatter [tilespmem:s22], [sflag:$0x5], $0x80, $0x38;
	[tilespmem:$0x19A00] =	vst v63  }
0x16d: {  	s12 =	sadd.s32 $0xB0, s1;
	s13 =	simm.s32 $0x12E18  }
0x16e: {  	[hbm4b:s12+s4] =	stream.linear.scatter [tilespmem:s13], [sflag:$0x5], $0x80, $0x38;
	[tilespmem:$0x19A00] =	vst v63  }
0x16f: {  	s14 =	sadd.s32 $0xC0, s1;
	s22 =	simm.s32 $0x12EA0  }
0x170: {  	[hbm4b:s14+s4] =	stream.linear.scatter [tilespmem:s22], [sflag:$0x5], $0x80, $0x38;
	[tilespmem:$0x19A00] =	vst v63  }
0x171: {  	s8 =	sadd.s32 $0xD0, s1;
	s12 =	simm.s32 $0x12F28  }
0x172: {  	[hbm4b:s8+s4] =	stream.linear.scatter [tilespmem:s12], [sflag:$0x5], $0x80, $0x38;
	[tilespmem:$0x19A00] =	vst v63  }
0x173: {  	s13 =	sadd.s32 $0xE0, s1;
	s14 =	simm.s32 $0x12FB0  }
0x174: {  	[hbm4b:s13+s4] =	stream.linear.scatter [tilespmem:s14], [sflag:$0x5], $0x80, $0x38;
	[tilespmem:$0x19A00] =	vst v63  }
0x175: {  	s1 =	sadd.s32 $0xF0, s1;
	s22 =	simm.s32 $0x13038  }
0x176: {  	[hbm4b:s1+s4] =	stream.linear.scatter [tilespmem:s22], [sflag:$0x5], $0x80, $0x38;
	[tilespmem:$0x19A00] =	vst v63  }
0x177: {  	s8 =	simm.s32 $0x13500;
	s1 =	sadd.s32 s28, s18  }
0x178: {  	[hbm4b:s1+s4] =	stream.linear.scatter [tilespmem:s8], [sflag:$0x5], $0x80, $0x38;
	[tilespmem:$0x19A00] =	vst v63  }
0x179: {  	s13 =	simm.s32 $0x13588;
	s12 =	sadd.s32 $0x10, s1  }
0x17a: {  	[hbm4b:s12+s4] =	stream.linear.scatter [tilespmem:s13], [sflag:$0x5], $0x80, $0x38;
	[tilespmem:$0x19A00] =	vst v63  }
0x17b: {  	s22 =	simm.s32 $0x13610;
	s14 =	sadd.s32 $0x20, s1  }
0x17c: {  	[hbm4b:s14+s4] =	stream.linear.scatter [tilespmem:s22], [sflag:$0x5], $0x80, $0x38;
	[tilespmem:$0x19A00] =	vst v63  }
0x17d: {  	s12 =	sadd.s32 $0x30, s1;
	s13 =	simm.s32 $0x13698  }
0x17e: {  	[hbm4b:s12+s4] =	stream.linear.scatter [tilespmem:s13], [sflag:$0x5], $0x80, $0x38;
	[tilespmem:$0x19A00] =	vst v63  }
0x17f: {  	s14 =	sadd.s32 $0x40, s1;
	s22 =	simm.s32 $0x13720  }
0x180: {  	[hbm4b:s14+s4] =	stream.linear.scatter [tilespmem:s22], [sflag:$0x5], $0x80, $0x38;
	[tilespmem:$0x19A00] =	vst v63  }
0x181: {  	s12 =	sadd.s32 $0x50, s1;
	s13 =	simm.s32 $0x137A8  }
0x182: {  	[hbm4b:s12+s4] =	stream.linear.scatter [tilespmem:s13], [sflag:$0x5], $0x80, $0x38;
	[tilespmem:$0x19A00] =	vst v63  }
0x183: {  	s14 =	sadd.s32 $0x60, s1;
	s22 =	simm.s32 $0x13830  }
0x184: {  	[hbm4b:s14+s4] =	stream.linear.scatter [tilespmem:s22], [sflag:$0x5], $0x80, $0x38;
	[tilespmem:$0x19A00] =	vst v63  }
0x185: {  	s12 =	sadd.s32 $0x70, s1;
	s13 =	simm.s32 $0x138B8  }
0x186: {  	[hbm4b:s12+s4] =	stream.linear.scatter [tilespmem:s13], [sflag:$0x5], $0x80, $0x38;
	[tilespmem:$0x19A00] =	vst v63  }
0x187: {  	s14 =	sadd.s32 $0x80, s1;
	s22 =	simm.s32 $0x13940  }
0x188: {  	[hbm4b:s14+s4] =	stream.linear.scatter [tilespmem:s22], [sflag:$0x5], $0x80, $0x38;
	[tilespmem:$0x19A00] =	vst v63  }
0x189: {  	s12 =	sadd.s32 $0x90, s1;
	s13 =	simm.s32 $0x139C8  }
0x18a: {  	[hbm4b:s12+s4] =	stream.linear.scatter [tilespmem:s13], [sflag:$0x5], $0x80, $0x38;
	[tilespmem:$0x19A00] =	vst v63  }
0x18b: {  	s14 =	sadd.s32 $0xA0, s1;
	s22 =	simm.s32 $0x13A50  }
0x18c: {  	[hbm4b:s14+s4] =	stream.linear.scatter [tilespmem:s22], [sflag:$0x5], $0x80, $0x38;
	[tilespmem:$0x19A00] =	vst v63  }
0x18d: {  	s12 =	sadd.s32 $0xB0, s1;
	s13 =	simm.s32 $0x13AD8  }
0x18e: {  	[hbm4b:s12+s4] =	stream.linear.scatter [tilespmem:s13], [sflag:$0x5], $0x80, $0x38;
	[tilespmem:$0x19A00] =	vst v63  }
0x18f: {  	s14 =	sadd.s32 $0xC0, s1;
	s22 =	simm.s32 $0x13B60  }
0x190: {  	[hbm4b:s14+s4] =	stream.linear.scatter [tilespmem:s22], [sflag:$0x5], $0x80, $0x38;
	[tilespmem:$0x19A00] =	vst v63  }
0x191: {  	s8 =	sadd.s32 $0xD0, s1;
	s12 =	simm.s32 $0x13BE8  }
0x192: {  	[hbm4b:s8+s4] =	stream.linear.scatter [tilespmem:s12], [sflag:$0x5], $0x80, $0x38;
	[tilespmem:$0x19A00] =	vst v63  }
0x193: {  	s13 =	sadd.s32 $0xE0, s1;
	s14 =	simm.s32 $0x13C70  }
0x194: {  	[hbm4b:s13+s4] =	stream.linear.scatter [tilespmem:s14], [sflag:$0x5], $0x80, $0x38;
	[tilespmem:$0x19A00] =	vst v63  }
0x195: {  	s1 =	sadd.s32 $0xF0, s1;
	s22 =	simm.s32 $0x13CF8  }
0x196: {  	[hbm4b:s1+s4] =	stream.linear.scatter [tilespmem:s22], [sflag:$0x5], $0x80, $0x38;
	[tilespmem:$0x19A00] =	vst v63  }
0x197: {  	s8 =	simm.s32 $0x141C0;
	s1 =	sadd.s32 s28, s19  }
0x198: {  	[hbm4b:s1+s4] =	stream.linear.scatter [tilespmem:s8], [sflag:$0x5], $0x80, $0x38;
	[tilespmem:$0x19A00] =	vst v63  }
0x199: {  	s13 =	simm.s32 $0x14248;
	s12 =	sadd.s32 $0x10, s1  }
0x19a: {  	[hbm4b:s12+s4] =	stream.linear.scatter [tilespmem:s13], [sflag:$0x5], $0x80, $0x38;
	[tilespmem:$0x19A00] =	vst v63  }
0x19b: {  	s22 =	simm.s32 $0x142D0;
	s14 =	sadd.s32 $0x20, s1  }
0x19c: {  	[hbm4b:s14+s4] =	stream.linear.scatter [tilespmem:s22], [sflag:$0x5], $0x80, $0x38;
	[tilespmem:$0x19A00] =	vst v63  }
0x19d: {  	s12 =	sadd.s32 $0x30, s1;
	s13 =	simm.s32 $0x14358  }
0x19e: {  	[hbm4b:s12+s4] =	stream.linear.scatter [tilespmem:s13], [sflag:$0x5], $0x80, $0x38;
	[tilespmem:$0x19A00] =	vst v63  }
0x19f: {  	s14 =	sadd.s32 $0x40, s1;
	s22 =	simm.s32 $0x143E0  }
0x1a0: {  	[hbm4b:s14+s4] =	stream.linear.scatter [tilespmem:s22], [sflag:$0x5], $0x80, $0x38;
	[tilespmem:$0x19A00] =	vst v63  }
0x1a1: {  	s12 =	sadd.s32 $0x50, s1;
	s13 =	simm.s32 $0x14468  }
0x1a2: {  	[hbm4b:s12+s4] =	stream.linear.scatter [tilespmem:s13], [sflag:$0x5], $0x80, $0x38;
	[tilespmem:$0x19A00] =	vst v63  }
0x1a3: {  	s14 =	sadd.s32 $0x60, s1;
	s22 =	simm.s32 $0x144F0  }
0x1a4: {  	[hbm4b:s14+s4] =	stream.linear.scatter [tilespmem:s22], [sflag:$0x5], $0x80, $0x38;
	[tilespmem:$0x19A00] =	vst v63  }
0x1a5: {  	s12 =	sadd.s32 $0x70, s1;
	s13 =	simm.s32 $0x14578  }
0x1a6: {  	[hbm4b:s12+s4] =	stream.linear.scatter [tilespmem:s13], [sflag:$0x5], $0x80, $0x38;
	[tilespmem:$0x19A00] =	vst v63  }
0x1a7: {  	s14 =	sadd.s32 $0x80, s1;
	s22 =	simm.s32 $0x14600  }
0x1a8: {  	[hbm4b:s14+s4] =	stream.linear.scatter [tilespmem:s22], [sflag:$0x5], $0x80, $0x38;
	[tilespmem:$0x19A00] =	vst v63  }
0x1a9: {  	s12 =	sadd.s32 $0x90, s1;
	s13 =	simm.s32 $0x14688  }
0x1aa: {  	[hbm4b:s12+s4] =	stream.linear.scatter [tilespmem:s13], [sflag:$0x5], $0x80, $0x38;
	[tilespmem:$0x19A00] =	vst v63  }
0x1ab: {  	s14 =	sadd.s32 $0xA0, s1;
	s22 =	simm.s32 $0x14710  }
0x1ac: {  	[hbm4b:s14+s4] =	stream.linear.scatter [tilespmem:s22], [sflag:$0x5], $0x80, $0x38;
	[tilespmem:$0x19A00] =	vst v63  }
0x1ad: {  	s12 =	sadd.s32 $0xB0, s1;
	s13 =	simm.s32 $0x14798  }
0x1ae: {  	[hbm4b:s12+s4] =	stream.linear.scatter [tilespmem:s13], [sflag:$0x5], $0x80, $0x38;
	[tilespmem:$0x19A00] =	vst v63  }
0x1af: {  	s14 =	sadd.s32 $0xC0, s1;
	s22 =	simm.s32 $0x14820  }
0x1b0: {  	[hbm4b:s14+s4] =	stream.linear.scatter [tilespmem:s22], [sflag:$0x5], $0x80, $0x38;
	[tilespmem:$0x19A00] =	vst v63  }
0x1b1: {  	s8 =	sadd.s32 $0xD0, s1;
	s12 =	simm.s32 $0x148A8  }
0x1b2: {  	[hbm4b:s8+s4] =	stream.linear.scatter [tilespmem:s12], [sflag:$0x5], $0x80, $0x38;
	[tilespmem:$0x19A00] =	vst v63  }
0x1b3: {  	s13 =	sadd.s32 $0xE0, s1;
	s14 =	simm.s32 $0x14930  }
0x1b4: {  	[hbm4b:s13+s4] =	stream.linear.scatter [tilespmem:s14], [sflag:$0x5], $0x80, $0x38;
	[tilespmem:$0x19A00] =	vst v63  }
0x1b5: {  	s1 =	sadd.s32 $0xF0, s1;
	s22 =	simm.s32 $0x149B8  }
0x1b6: {  	[hbm4b:s1+s4] =	stream.linear.scatter [tilespmem:s22], [sflag:$0x5], $0x80, $0x38;
	[tilespmem:$0x19A00] =	vst v63  }
0x1b7: {  	s8 =	simm.s32 $0x14E80;
	s1 =	sadd.s32 s28, s20  }
0x1b8: {  	[hbm4b:s1+s4] =	stream.linear.scatter [tilespmem:s8], [sflag:$0x5], $0x80, $0x38;
	[tilespmem:$0x19A00] =	vst v63  }
0x1b9: {  	s13 =	simm.s32 $0x14F08;
	s12 =	sadd.s32 $0x10, s1  }
0x1ba: {  	[hbm4b:s12+s4] =	stream.linear.scatter [tilespmem:s13], [sflag:$0x5], $0x80, $0x38;
	[tilespmem:$0x19A00] =	vst v63  }
0x1bb: {  	s22 =	simm.s32 $0x14F90;
	s14 =	sadd.s32 $0x20, s1  }
0x1bc: {  	[hbm4b:s14+s4] =	stream.linear.scatter [tilespmem:s22], [sflag:$0x5], $0x80, $0x38;
	[tilespmem:$0x19A00] =	vst v63  }
0x1bd: {  	s12 =	sadd.s32 $0x30, s1;
	s13 =	simm.s32 $0x15018  }
0x1be: {  	[hbm4b:s12+s4] =	stream.linear.scatter [tilespmem:s13], [sflag:$0x5], $0x80, $0x38;
	[tilespmem:$0x19A00] =	vst v63  }
0x1bf: {  	s14 =	sadd.s32 $0x40, s1;
	s22 =	simm.s32 $0x150A0  }
0x1c0: {  	[hbm4b:s14+s4] =	stream.linear.scatter [tilespmem:s22], [sflag:$0x5], $0x80, $0x38;
	[tilespmem:$0x19A00] =	vst v63  }
0x1c1: {  	s12 =	sadd.s32 $0x50, s1;
	s13 =	simm.s32 $0x15128  }
0x1c2: {  	[hbm4b:s12+s4] =	stream.linear.scatter [tilespmem:s13], [sflag:$0x5], $0x80, $0x38;
	[tilespmem:$0x19A00] =	vst v63  }
0x1c3: {  	s14 =	sadd.s32 $0x60, s1;
	s22 =	simm.s32 $0x151B0  }
0x1c4: {  	[hbm4b:s14+s4] =	stream.linear.scatter [tilespmem:s22], [sflag:$0x5], $0x80, $0x38;
	[tilespmem:$0x19A00] =	vst v63  }
0x1c5: {  	s12 =	sadd.s32 $0x70, s1;
	s13 =	simm.s32 $0x15238  }
0x1c6: {  	[hbm4b:s12+s4] =	stream.linear.scatter [tilespmem:s13], [sflag:$0x5], $0x80, $0x38;
	[tilespmem:$0x19A00] =	vst v63  }
0x1c7: {  	s14 =	sadd.s32 $0x80, s1;
	s22 =	simm.s32 $0x152C0  }
0x1c8: {  	[hbm4b:s14+s4] =	stream.linear.scatter [tilespmem:s22], [sflag:$0x5], $0x80, $0x38;
	[tilespmem:$0x19A00] =	vst v63  }
0x1c9: {  	s12 =	sadd.s32 $0x90, s1;
	s13 =	simm.s32 $0x15348  }
0x1ca: {  	[hbm4b:s12+s4] =	stream.linear.scatter [tilespmem:s13], [sflag:$0x5], $0x80, $0x38;
	[tilespmem:$0x19A00] =	vst v63  }
0x1cb: {  	s14 =	sadd.s32 $0xA0, s1;
	s22 =	simm.s32 $0x153D0  }
0x1cc: {  	[hbm4b:s14+s4] =	stream.linear.scatter [tilespmem:s22], [sflag:$0x5], $0x80, $0x38;
	[tilespmem:$0x19A00] =	vst v63  }
0x1cd: {  	s12 =	sadd.s32 $0xB0, s1;
	s13 =	simm.s32 $0x15458  }
0x1ce: {  	[hbm4b:s12+s4] =	stream.linear.scatter [tilespmem:s13], [sflag:$0x5], $0x80, $0x38;
	[tilespmem:$0x19A00] =	vst v63  }
0x1cf: {  	s14 =	sadd.s32 $0xC0, s1;
	s22 =	simm.s32 $0x154E0  }
0x1d0: {  	[hbm4b:s14+s4] =	stream.linear.scatter [tilespmem:s22], [sflag:$0x5], $0x80, $0x38;
	[tilespmem:$0x19A00] =	vst v63  }
0x1d1: {  	s8 =	sadd.s32 $0xD0, s1;
	s12 =	simm.s32 $0x15568  }
0x1d2: {  	[hbm4b:s8+s4] =	stream.linear.scatter [tilespmem:s12], [sflag:$0x5], $0x80, $0x38;
	[tilespmem:$0x19A00] =	vst v63  }
0x1d3: {  	s13 =	sadd.s32 $0xE0, s1;
	s14 =	simm.s32 $0x155F0  }
0x1d4: {  	[hbm4b:s13+s4] =	stream.linear.scatter [tilespmem:s14], [sflag:$0x5], $0x80, $0x38;
	[tilespmem:$0x19A00] =	vst v63  }
0x1d5: {  	s1 =	sadd.s32 $0xF0, s1;
	s22 =	simm.s32 $0x15678  }
0x1d6: {  	[hbm4b:s1+s4] =	stream.linear.scatter [tilespmem:s22], [sflag:$0x5], $0x80, $0x38;
	[tilespmem:$0x19A00] =	vst v63  }
0x1d7: {  	s8 =	simm.s32 $0x15B40;
	s1 =	sadd.s32 s28, s21  }
0x1d8: {  	[hbm4b:s1+s4] =	stream.linear.scatter [tilespmem:s8], [sflag:$0x5], $0x80, $0x38;
	[tilespmem:$0x19A00] =	vst v63  }
0x1d9: {  	s13 =	simm.s32 $0x15BC8;
	s12 =	sadd.s32 $0x10, s1  }
0x1da: {  	[hbm4b:s12+s4] =	stream.linear.scatter [tilespmem:s13], [sflag:$0x5], $0x80, $0x38;
	[tilespmem:$0x19A00] =	vst v63  }
0x1db: {  	s22 =	simm.s32 $0x15C50;
	s14 =	sadd.s32 $0x20, s1  }
0x1dc: {  	[hbm4b:s14+s4] =	stream.linear.scatter [tilespmem:s22], [sflag:$0x5], $0x80, $0x38;
	[tilespmem:$0x19A00] =	vst v63  }
0x1dd: {  	s12 =	sadd.s32 $0x30, s1;
	s13 =	simm.s32 $0x15CD8  }
0x1de: {  	[hbm4b:s12+s4] =	stream.linear.scatter [tilespmem:s13], [sflag:$0x5], $0x80, $0x38;
	[tilespmem:$0x19A00] =	vst v63  }
0x1df: {  	s14 =	sadd.s32 $0x40, s1;
	s22 =	simm.s32 $0x15D60  }
0x1e0: {  	[hbm4b:s14+s4] =	stream.linear.scatter [tilespmem:s22], [sflag:$0x5], $0x80, $0x38;
	[tilespmem:$0x19A00] =	vst v63  }
0x1e1: {  	s12 =	sadd.s32 $0x50, s1;
	s13 =	simm.s32 $0x15DE8  }
0x1e2: {  	[hbm4b:s12+s4] =	stream.linear.scatter [tilespmem:s13], [sflag:$0x5], $0x80, $0x38;
	[tilespmem:$0x19A00] =	vst v63  }
0x1e3: {  	s14 =	sadd.s32 $0x60, s1;
	s22 =	simm.s32 $0x15E70  }
0x1e4: {  	[hbm4b:s14+s4] =	stream.linear.scatter [tilespmem:s22], [sflag:$0x5], $0x80, $0x38;
	[tilespmem:$0x19A00] =	vst v63  }
0x1e5: {  	s12 =	sadd.s32 $0x70, s1;
	s13 =	simm.s32 $0x15EF8  }
0x1e6: {  	[hbm4b:s12+s4] =	stream.linear.scatter [tilespmem:s13], [sflag:$0x5], $0x80, $0x38;
	[tilespmem:$0x19A00] =	vst v63  }
0x1e7: {  	s14 =	sadd.s32 $0x80, s1;
	s22 =	simm.s32 $0x15F80  }
0x1e8: {  	[hbm4b:s14+s4] =	stream.linear.scatter [tilespmem:s22], [sflag:$0x5], $0x80, $0x38;
	[tilespmem:$0x19A00] =	vst v63  }
0x1e9: {  	s12 =	sadd.s32 $0x90, s1;
	s13 =	simm.s32 $0x16008  }
0x1ea: {  	[hbm4b:s12+s4] =	stream.linear.scatter [tilespmem:s13], [sflag:$0x5], $0x80, $0x38;
	[tilespmem:$0x19A00] =	vst v63  }
0x1eb: {  	s14 =	sadd.s32 $0xA0, s1;
	s22 =	simm.s32 $0x16090  }
0x1ec: {  	[hbm4b:s14+s4] =	stream.linear.scatter [tilespmem:s22], [sflag:$0x5], $0x80, $0x38;
	[tilespmem:$0x19A00] =	vst v63  }
0x1ed: {  	s12 =	sadd.s32 $0xB0, s1;
	s13 =	simm.s32 $0x16118  }
0x1ee: {  	[hbm4b:s12+s4] =	stream.linear.scatter [tilespmem:s13], [sflag:$0x5], $0x80, $0x38;
	[tilespmem:$0x19A00] =	vst v63  }
0x1ef: {  	s14 =	sadd.s32 $0xC0, s1;
	s22 =	simm.s32 $0x161A0  }
0x1f0: {  	[hbm4b:s14+s4] =	stream.linear.scatter [tilespmem:s22], [sflag:$0x5], $0x80, $0x38;
	[tilespmem:$0x19A00] =	vst v63  }
0x1f1: {  	s12 =	sadd.s32 $0xD0, s1;
	s13 =	simm.s32 $0x16228  }
0x1f2: {  	[hbm4b:s12+s4] =	stream.linear.scatter [tilespmem:s13], [sflag:$0x5], $0x80, $0x38;
	[tilespmem:$0x19A00] =	vst v63  }
0x1f3: {  	s12 =	sadd.s32 $0x3, s23  }
0x1f4: {  	s14 =	sadd.s32 $0xE0, s1;
	s22 =	simm.s32 $0x162B0;
	s13 =	smulhi.u32 $0x51EB851F, s12  }
0x1f5: {  	[hbm4b:s14+s4] =	stream.linear.scatter [tilespmem:s22], [sflag:$0x5], $0x80, $0x38;
	[tilespmem:$0x19A00] =	vst v63  }
0x1f6: {  	s8 =	simm.s32 $0x16338;
	s1 =	sadd.s32 $0xF0, s1;
	s2 =	sshrl.u32 s13, $0x5  }
0x1f7: {  	[hbm4b:s1+s4] =	stream.linear.scatter [tilespmem:s8], [sflag:$0x5], $0x80, $0x38;
	[tilespmem:$0x19A00] =	vst v63  }
0x1f8: {  	s2 =	smul.u32 $0x64, s2;
	_ =	swait.ge [sflag:s26], $0x80  }
0x1f9: {  	[sflag:s26] =	ssyncset.done $0x0  }
0x1fa: {  	s1 =	ssub.s32 s12, s2;
	[sflag:s26] =	ssyncadd.s32 $0xFFFFFF80  }
0x1fb: {  	s1 =	sadd.s32 s6, s1;
	_ =	swait.ge [sflag:s26], $0x80  }
0x1fc: {  	s12 =	sshll.u32 s1, $0x5;
	[sflag:s26] =	ssyncset.done $0x0  }
0x1fd: {  	s14 =	simm.s32 $0x200;
	s1 =	sor.u32 s12, s1;
	[sflag:s26] =	ssyncadd.s32 $0xFFFFFF80  }
0x1fe: {  	[tilespmem:s14], [sflag:$0x3] =	stream.indirect.gather [hbm4b:s5+s25], $0x80, s4, s25, $0xb8;
	[tilespmem:$0x19A00] =	vst v63  }
0x1ff: {  	s22 =	simm.s32 $0x4200;
	s13 =	simm.s32 $0x4;
	s1 =	sand.u32 $0x1F07, s1  }
0x200: {  	[tilespmem:s22], [sflag:$0x3] =	stream.indirect.gather [hbm4b:s5+s25], $0x80, s25, s25, $0xb8;
	[tilespmem:$0x19A00] =	vst v63  }
0x201: {  	s1 =	sor.u32 s9, s1;
	_ =	swait.ge [sflag:s13], $0x8000  }
0x202: {  	s31 =	smov.u32 s7;
	s1 =	sshll.u32 s1, $0x4;
	[sflag:s13] =	ssyncset.done $0x0  }
0x203: {  	s14 =	sadd.s32 s7, s1;
	s7 =	simm.s32 $0x100;
	[sflag:s13] =	ssyncadd.s32 $0xFFFF8000  }
0x204: {  	[tilespmem:s7], [sflag:$0x2] =	stream.linear.gather [hbm4b:s14+s4], $0x80, $0x38;
	[tilespmem:$0x19A00] =	vst v63  }
0x205: {  	s1 =	sadd.s32 s1, s10;
	s22 =	simm.s32 $0x180  }
0x206: {  	[tilespmem:s22], [sflag:$0x2] =	stream.linear.gather [hbm4b:s1+s4], $0x80, $0x38;
	[tilespmem:$0x19A00] =	vst v63  }
0x207: {  	_ =	swait.ge [sflag:s24], $0x800  }
0x208: {  	[sflag:s24] =	ssyncset.done $0x0  }
0x209: {  	[sflag:s24] =	ssyncadd.s32 $0xFFFFF800  }
0x20a: {  	_ =	swait.ge [sflag:s24], $0x800  }
0x20b: {  	[sflag:s24] =	ssyncset.done $0x0  }
0x20c: {  	[sflag:s24] =	ssyncadd.s32 $0xFFFFF800  }
0x20d: {  	_ =	swait.ge [sflag:s24], $0x800  }
0x20e: {  	[sflag:s24] =	ssyncset.done $0x0  }
0x20f: {  	[sflag:s24] =	ssyncadd.s32 $0xFFFFF800  }
0x210: {  	_ =	swait.ge [sflag:s24], $0x800  }
0x211: {  	[sflag:s24] =	ssyncset.done $0x0  }
0x212: {  	[sflag:s24] =	ssyncadd.s32 $0xFFFFF800  }
0x213: {  	_ =	swait.ge [sflag:s24], $0x800  }
0x214: {  	s8 =	sadd.s32 s23, s6;
	[sflag:s24] =	ssyncset.done $0x0  }
0x215: {  	s23 =	sadd.s32 $0x1, s8;
	[sflag:s24] =	ssyncadd.s32 $0xFFFFF800  }
0x216: {  	s12 =	simm.s32 $0x2;
	s13 =	simm.s32 $0x3;
	_ =	swait.ge [sflag:s24], $0x800  }
0x217: {  	s2 =	sand.u32 $0x78, s13;
	s14 =	simm.s32 $0x5;
	[sflag:s24] =	ssyncset.done $0x0  }
0x218: {  	s13 =	simm.s32 $0x6;
	s8 =	sand.u32 $0x78, s14;
	[sflag:s24] =	ssyncadd.s32 $0xFFFFF800  }
0x219: {  	v6 =	vmov s2;
	s13 =	sand.u32 $0x78, s13;
	s1 =	sshll.u32 s23, $0x6;
	_ =	swait.ge [sflag:s24], $0x800  }
0x21a: {  	v7 =	vmov s8;
	s22 =	simm.s32 $0x7;
	v6 =	vshrl.u32 v6, $0x3;
	s28 =	sand.u32 $0x3FFFFFC0, s1;
	[sflag:s24] =	ssyncset.done $0x0  }
0x21b: {  	v10 =	vmov s13;
	s1 =	sand.u32 $0x78, s12;
	s12 =	simm.s32 $0x0;
	v7 =	vshrl.u32 v7, $0x3;
	v6 =	vshll.u32 v6, v1;
	[sflag:s24] =	ssyncadd.s32 $0xFFFFF800  }
0x21c: {  	v2 =	vmov s1;
	s12 =	sand.u32 $0x8, s12;
	s1 =	sand.u32 $0x78, s22;
	v7 =	vshll.u32 v7, v1;
	v28 =	vbroadcast v6, $0x0;
	_ =	swait.ge [sflag:s24], $0x800  }
0x21d: {  	s14 =	simm.s32 $0x1;
	v9 =	vmov s12;
	v2 =	vshrl.u32 v2, $0x3;
	v13 =	vmov s1;
	[sflag:s24] =	ssyncset.done $0x0;
	v54 =	vld [tilespmem:$0x1FFE0]  }
0x21e: {  	s22 =	simm.s32 $0x4;
	s1 =	sand.u32 $0x78, s14;
	v24 =	vbroadcast v7, $0x0;
	v9 =	vmul.u32 $0x88, v9;
	v2 =	vshll.u32 v2, v1;
	v56 =	vld [tilespmem:$0x1FFF0];
	[sflag:s24] =	ssyncadd.s32 $0xFFFFF800  }
0x21f: {  	s29 =	simm.s32 $0x85B0;
	v15 =	vmov s1;
	s1 =	sand.u32 $0x78, s22;
	v13 =	vshrl.u32 v13, $0x3;
	v2 =	vbroadcast v2, $0x0;
	v5 =	vld [tilespmem:s28+$0x16800]  }
0x220: {  	s2 =	simm.s32 $0x0;
	v23 =	vmov s1;
	v7 =	vshll.u32 v13, v1;
	v15 =	vshrl.u32 v15, $0x3;
	v0 =	vld [tilespmem:s29+$0xFFFFFCD0]  }
0x221: {  	s8 =	simm.s32 $0xA;
	s1 =	sand.u32 $0x78, s2;
	v14 =	vbroadcast v9, $0x0;
	v9 =	vshrl.u32 v10, $0x3;
	v23 =	vshrl.u32 v23, $0x3;
	v8 =	vld [tilespmem:s29+$0xFFFFFDD0]  }
0x222: {  	s13 =	simm.s32 $0xD;
	v26 =	vmov s1;
	v31 =	vbroadcast v7, $0x0;
	v15 =	vshll.u32 v15, v1;
	s1 =	sand.u32 $0x78, s8;
	v11 =	vld [tilespmem:s29+$0xFFFFFF50]  }
0x223: {  	v26 =	vshrl.u32 v26, $0x3;
	v53 =	vbroadcast v15, $0x0;
	v61 =	vmov s1;
	s1 =	sand.u32 $0x78, s13  }
0x224: {  	v47 =	vmov s1;
	v29 =	vld [tilespmem:s29+$0xFFFFFED0];
	v16 =	vadd.s32 v54, v14;
	v12 =	vadd.s32 v56, v14  }
0x225: {  	v19 =	vadd.s32 v2, v16;
	v13 =	vadd.s32 v2, v12;
	v52 =	vadd.s32 v28, v16  }
0x226: {  	v15 =	vadd.s32 v24, v12;
	v39 =	vadd.s32 v53, v16;
	v0 =	vadd.f32 v0, v5  }
0x227: {  	v10 =	vadd.f32 v8, v5;
	v8 =	vshll.u32 v9, v1;
	v11 =	vadd.f32 v11, v5  }
0x228: {  	v9 =	vadd.s32 v4, v14;
	v21 =	vor.u32 $0x2, v19;
	v18 =	vbroadcast v8, $0x0;
	v8 =	vld [tilespmem:s29+$0xFFFFFD50]  }
0x229: {  	v14 =	vadd.s32 v3, v14;
	v13 =	vor.u32 $0x2, v13;
	v29 =	vadd.f32 v29, v5  }
0x22a: {  	v19 =	vld [tilespmem:s29+$0xFFFFFE50];
	v55 =	vor.u32 $0x5, v15;
	v39 =	vor.u32 $0x1, v39;
	v17 =	vadd.s32 v2, v9  }
0x22b: {  	v35 =	vadd.s32 v28, v14;
	v15 =	vadd.s32 v53, v14;
	v2 =	vadd.s32 v2, v14  }
0x22c: {  	v36 =	vadd.s32 v53, v9;
	v15 =	vor.u32 $0x1, v15;
	v20 =	vadd.s32 v18, v16  }
0x22d: {  	v20 =	vor.u32 $0x6, v20;
	v25 =	vadd.f32 v8, v5;
	v8 =	vshll.u32 v23, v1  }
0x22e: {  	v60 =	vld [tilespmem:s29+$0xFFFFFFD0];
	v2 =	vor.u32 $0x2, v2;
	v32 =	vor.u32 $0x3, v35;
	v27 =	vbroadcast v8, $0x0  }
0x22f: {  	v7 =	vld [tilespmem:s28+$0x16820];
	v22 =	vadd.s32 v18, v9;
	v30 =	vadd.f32 v19, v5;
	v23 =	vadd.s32 v24, v16  }
0x230: {  	v19 =	vadd.s32 v28, v9;
	v23 =	vor.u32 $0x5, v23;
	v8 =	vld [tilespmem:s28+$0x16810];
	v6 =	vadd.s32 v27, v16  }
0x231: {  	v51 =	vadd.s32 v27, v12;
	v33 =	vor.u32 $0x4, v6;
	v6 =	vld [tilespmem:s28+$0x16830];
	[tilespmem:v21+s11+$0x0] =	vst.idx.msk $0xffff, v25;
	v25 =	vshll.u32 v26, v1  }
0x232: {  	v26 =	vadd.s32 v18, v12;
	v42 =	vor.u32 $0x4, v51;
	[tilespmem:v20+s11+$0x0] =	vst.idx.msk $0xffff, v11;
	v11 =	vadd.s32 v31, v16  }
0x233: {  	v21 =	vld [tilespmem:s29+$0xFFFFFC50];
	v18 =	vadd.s32 v18, v14;
	[tilespmem:v39+s11+$0x0] =	vst.idx.msk $0xffff, v0;
	v0 =	vadd.f32 v60, v5;
	v60 =	vshrl.u32 v61, $0x3  }
0x234: {  	v37 =	vbroadcast v25, $0x0;
	v38 =	vor.u32 $0x6, v26;
	v26 =	vadd.s32 v31, v12  }
0x235: {  	s12 =	simm.s32 $0xB;
	s22 =	simm.s32 $0xE;
	v25 =	vld [tilespmem:s29+$0xFFFFFD60];
	v43 =	vor.u32 $0x7, v11;
	v63 =	vshll.u32 v60, v1;
	[tilespmem:v23+s11+$0x0] =	vst.idx.msk $0xffff, v29;
	v23 =	vadd.s32 v27, v14  }
0x236: {  	s2 =	sand.u32 $0x78, s12;
	s12 =	simm.s32 $0x9;
	s1 =	sand.u32 $0x78, s22;
	v20 =	vld [tilespmem:s29+$0xFFFFFF60];
	v40 =	vadd.s32 v37, v16;
	v16 =	vadd.s32 v53, v12;
	v50 =	vor.u32 $0x4, v23  }
0x237: {  	v39 =	vld [tilespmem:s29+$0xFFFFFCE0];
	v23 =	vmov s1;
	s1 =	sand.u32 $0x78, s12;
	v53 =	vadd.s32 v37, v12;
	v35 =	vadd.s32 v37, v14  }
0x238: {  	v16 =	vor.u32 $0x1, v16;
	v41 =	vmov s1;
	[tilespmem:v33+s11+$0x0] =	vst.idx.msk $0xffff, v30;
	v30 =	vadd.f32 v21, v5  }
0x239: {  	v59 =	vld [tilespmem:s29+$0xFFFFFEE0];
	v33 =	vor.u32 $0x3, v52;
	v21 =	vadd.s32 v24, v14;
	v24 =	vadd.s32 v24, v9  }
0x23a: {  	v25 =	vadd.f32 v25, v8;
	v44 =	vor.u32 $0x5, v21;
	v21 =	vor.u32 $0x6, v18  }
0x23b: {  	s14 =	simm.s32 $0x0;
	s13 =	simm.s32 $0xC;
	v18 =	vmov s2;
	v46 =	vadd.f32 v20, v8;
	v20 =	vor.u32 $0x7, v26  }
0x23c: {  	s2 =	sand.u32 $0x8, s14;
	v26 =	vadd.s32 v31, v14;
	s14 =	sand.u32 $0x78, s13;
	v39 =	vadd.f32 v39, v8;
	v14 =	vshrl.u32 v23, $0x3  }
0x23d: {  	s8 =	simm.s32 $0xF;
	v29 =	vld [tilespmem:s29+$0xFFFFFE60];
	v57 =	vmov s2;
	v51 =	vmov s14;
	v26 =	vor.u32 $0x7, v26  }
0x23e: {  	s2 =	sand.u32 $0x78, s8;
	v18 =	vshrl.u32 v18, $0x3;
	v14 =	vshll.u32 v14, v1;
	v11 =	vadd.f32 v59, v8  }
0x23f: {  	s28 =	simm.s32 $0x89B0;
	v58 =	vmov s2;
	[tilespmem:v13+s11+$0x0] =	vst.idx.msk $0xffff, v25;
	v25 =	vor.u32 $0x5, v24;
	v49 =	vmul.u32 $0x88, v57  }
0x240: {  	s30 =	simm.s32 $0x8;
	v24 =	vld [tilespmem:s28+$0xFFFFFCD0];
	v18 =	vshll.u32 v18, v1;
	[tilespmem:v40+s11+$0x0] =	vst.idx.msk $0xffff, v30;
	v60 =	vshrl.u32 v51, $0x3;
	v58 =	vshrl.u32 v58, $0x3  }
0x241: {  	s22 =	sand.u32 $0x78, s30;
	v30 =	vld [tilespmem:s28+$0xFFFFFD50];
	v40 =	vshll.u32 v60, v1;
	v51 =	vbroadcast v18, $0x0;
	[tilespmem:v55+s11+$0x0] =	vst.idx.msk $0xffff, v11;
	v11 =	vadd.s32 v31, v9  }
0x242: {  	v59 =	vld [tilespmem:s29+$0xFFFFFD70];
	v31 =	vmov s22;
	v55 =	vbroadcast v14, $0x0;
	v62 =	vadd.f32 v29, v8  }
0x243: {  	v29 =	vadd.s32 v28, v12;
	v28 =	vadd.s32 v27, v9;
	v9 =	vadd.s32 v37, v9  }
0x244: {  	[tilespmem:v43+s11+$0x0] =	vst.idx.msk $0xffff, v0;
	v27 =	vld [tilespmem:s29+$0xFFFFFEF0];
	v18 =	vshrl.u32 v31, $0x3;
	v13 =	vor.u32 $0x3, v29;
	v29 =	vor.u32 $0x6, v22  }
0x245: {  	[tilespmem:v33+s11+$0x0] =	vst.idx.msk $0xffff, v10;
	v12 =	vld [tilespmem:s28+$0xFFFFFDD0];
	v22 =	vor.u32 $0x1, v36;
	v18 =	vshll.u32 v18, v1;
	v37 =	vadd.f32 v24, v5  }
0x246: {  	[tilespmem:v16+s11+$0x0] =	vst.idx.msk $0xffff, v39;
	v23 =	vld [tilespmem:s29+$0xFFFFFDE0];
	v24 =	vshrl.u32 v47, $0x3;
	v47 =	vbroadcast v49, $0x0;
	v49 =	vbroadcast v63, $0x0  }
0x247: {  	v30 =	vadd.f32 v30, v5;
	v45 =	vadd.f32 v59, v7;
	v24 =	vshll.u32 v24, v1  }
0x248: {  	[tilespmem:v42+s11+$0x0] =	vst.idx.msk $0xffff, v62;
	v62 =	vld [tilespmem:s28+$0xFFFFFE50];
	v52 =	vadd.s32 v54, v47;
	v14 =	vadd.s32 v56, v47;
	v34 =	vbroadcast v24, $0x0  }
0x249: {  	v59 =	vld [tilespmem:s29+$0xFFFFFC60];
	v24 =	vshll.u32 v58, v1;
	v16 =	vadd.s32 v3, v47;
	v61 =	vadd.f32 v27, v7  }
0x24a: {  	v63 =	vld [tilespmem:s29+$0xFFFFFE70];
	v12 =	vadd.f32 v12, v5;
	v57 =	vadd.s32 v49, v52;
	v0 =	vadd.s32 v55, v52  }
0x24b: {  	v56 =	vbroadcast v40, $0x0;
	v27 =	vld [tilespmem:s28+$0xFFFFFF50];
	v36 =	vadd.s32 v49, v14;
	v23 =	vadd.f32 v23, v8;
	[tilespmem:v2+s11+$0x0] =	vst.idx.msk $0xffff, v45  }
0x24c: {  	v2 =	vld [tilespmem:s29+$0xFFFFFCF0];
	v42 =	vbroadcast v24, $0x0;
	v48 =	vor.u32 $0x2, v57;
	[tilespmem:v44+s11+$0x0] =	vst.idx.msk $0xffff, v61;
	v61 =	vadd.s32 v34, v52  }
0x24d: {  	v0 =	vor.u32 $0x6, v0;
	v31 =	vadd.f32 v62, v5;
	[tilespmem:v13+s11+$0x0] =	vst.idx.msk $0xffff, v23;
	v23 =	vadd.s32 v56, v52  }
0x24e: {  	v24 =	vld [tilespmem:s28+$0xFFFFFED0];
	v44 =	vadd.s32 v56, v14;
	v39 =	vor.u32 $0x5, v61;
	v43 =	vadd.f32 v59, v8  }
0x24f: {  	[tilespmem:v38+s11+$0x0] =	vst.idx.msk $0xffff, v46;
	v38 =	vadd.f32 v63, v7;
	v63 =	vshrl.u32 v41, $0x3;
	v59 =	vadd.s32 v42, v14  }
0x250: {  	v62 =	vld [tilespmem:s29+$0xFFFFFF70];
	v61 =	vadd.s32 v56, v16;
	v54 =	vadd.f32 v27, v5;
	v27 =	vadd.s32 v4, v47  }
0x251: {  	v45 =	vld [tilespmem:s28+$0xFFFFFC50];
	v47 =	vor.u32 $0x4, v23;
	v23 =	vadd.s32 v51, v16;
	[tilespmem:v50+s11+$0x0] =	vst.idx.msk $0xffff, v38;
	v2 =	vadd.f32 v2, v7  }
0x252: {  	v11 =	vor.u32 $0x7, v11;
	v46 =	vld [tilespmem:s29+$0xFFFFFF00];
	v38 =	vshll.u32 v63, v1;
	v50 =	vadd.s32 v55, v14;
	[tilespmem:v53+s11+$0x0] =	vst.idx.msk $0xffff, v43  }
0x253: {  	v43 =	vld [tilespmem:s29+$0xFFFFFDF0];
	v53 =	vadd.s32 v34, v14;
	v58 =	vadd.f32 v24, v5;
	v10 =	vadd.s32 v49, v27  }
0x254: {  	v33 =	vadd.s32 v55, v27;
	v13 =	vadd.s32 v51, v27;
	[tilespmem:v48+s11+$0x0] =	vst.idx.msk $0xffff, v30;
	v30 =	vld [tilespmem:s29+$0xFFFFFFE0];
	v38 =	vbroadcast v38, $0x0  }
0x255: {  	v18 =	vbroadcast v18, $0x0;
	v48 =	vadd.s32 v51, v52;
	v41 =	vld [tilespmem:s29+$0xFFFFFE80];
	v40 =	vadd.f32 v62, v7;
	[tilespmem:v0+s11+$0x0] =	vst.idx.msk $0xffff, v54  }
0x256: {  	v60 =	vld [tilespmem:s29+$0xFFFFFC70];
	v24 =	vor.u32 $0x6, v50;
	v62 =	vadd.s32 v34, v16;
	v50 =	vadd.s32 v38, v52;
	[tilespmem:v39+s11+$0x0] =	vst.idx.msk $0xffff, v58  }
0x257: {  	v57 =	vld [tilespmem:s28+$0xFFFFFD60];
	v0 =	vadd.s32 v38, v16;
	v54 =	vadd.s32 v38, v14;
	v39 =	vor.u32 $0x4, v28;
	[tilespmem:v21+s11+$0x0] =	vst.idx.msk $0xffff, v40  }
0x258: {  	[tilespmem:v15+s11+$0x0] =	vst.idx.msk $0xffff, v2;
	v21 =	vadd.s32 v18, v52;
	v40 =	vor.u32 $0x1, v50;
	v2 =	vld [tilespmem:s29+$0xFFFFFF80];
	v43 =	vadd.f32 v43, v7  }
0x259: {  	v36 =	vor.u32 $0x2, v36;
	v63 =	vld [tilespmem:s29+$0xFFFFFD00];
	v52 =	vadd.s32 v42, v52;
	[tilespmem:v47+s11+$0x0] =	vst.idx.msk $0xffff, v31;
	v15 =	vadd.f32 v30, v8  }
0x25a: {  	v31 =	vor.u32 $0x3, v48;
	v48 =	vor.u32 $0x7, v52;
	v52 =	vld [tilespmem:s28+$0xFFFFFEE0];
	v41 =	vadd.f32 v41, v6;
	[tilespmem:v32+s11+$0x0] =	vst.idx.msk $0xffff, v43  }
0x25b: {  	v28 =	vadd.f32 v45, v5;
	v30 =	vor.u32 $0x4, v44;
	v44 =	vadd.s32 v55, v16;
	v45 =	vld [tilespmem:s28+$0xFFFFFE60];
	[tilespmem:v20+s11+$0x0] =	vst.idx.msk $0xffff, v15  }
0x25c: {  	v53 =	vor.u32 $0x5, v53;
	v55 =	vadd.s32 v49, v16;
	v43 =	vadd.f32 v60, v7;
	[tilespmem:v39+s11+$0x0] =	vst.idx.msk $0xffff, v41;
	v47 =	vld [tilespmem:s29+$0xFFFFFFF0]  }
0x25d: {  	v49 =	vld [tilespmem:s28+$0xFFFFFFD0];
	v32 =	vor.u32 $0x5, v62;
	v15 =	vor.u32 $0x1, v0;
	[tilespmem:v40+s11+$0x0] =	vst.idx.msk $0xffff, v37;
	v2 =	vadd.f32 v2, v6  }
0x25e: {  	v20 =	vld [tilespmem:s28+$0xFFFFFF60];
	v0 =	vadd.f32 v57, v8;
	v57 =	vor.u32 $0x3, v19;
	v60 =	vadd.f32 v63, v6;
	[tilespmem:v35+s11+$0x0] =	vst.idx.msk $0xffff, v43  }
0x25f: {  	v19 =	vor.u32 $0x6, v44;
	v63 =	vadd.f32 v46, v6;
	v37 =	vadd.s32 v38, v27;
	[tilespmem:v29+s11+$0x0] =	vst.idx.msk $0xffff, v2;
	v2 =	vld [tilespmem:s29+$0xFFFFFE00]  }
0x260: {  	v40 =	vor.u32 $0x1, v54;
	v38 =	vadd.s32 v18, v27;
	v35 =	vld [tilespmem:s29+$0xFFFFFC80];
	[tilespmem:v36+s11+$0x0] =	vst.idx.msk $0xffff, v0;
	v0 =	vadd.s32 v51, v14  }
0x261: {  	v58 =	vld [tilespmem:s29+$0xFFFFFD80];
	v54 =	vor.u32 $0x2, v17;
	[tilespmem:v22+s11+$0x0] =	vst.idx.msk $0xffff, v60;
	v22 =	vadd.s32 v56, v27;
	v29 =	vadd.f32 v47, v7  }
0x262: {  	v17 =	vor.u32 $0x6, v33;
	[tilespmem:v25+s11+$0x0] =	vst.idx.msk $0xffff, v63;
	v25 =	vadd.s32 v34, v27;
	v45 =	vadd.f32 v45, v8  }
0x263: {  	v36 =	vor.u32 $0x2, v55;
	v50 =	vadd.f32 v49, v5;
	v47 =	vld [tilespmem:s28+$0xFFFFFD70];
	[tilespmem:v26+s11+$0x0] =	vst.idx.msk $0xffff, v29;
	v29 =	vadd.f32 v52, v8  }
0x264: {  	v62 =	vmovc v3;
	v49 =	vadd.s32 v42, v16;
	v43 =	vor.u32 $0x3, v0;
	v63 =	vmovc v4;
	v51 =	vld [tilespmem:s29+$0x0];
	v2 =	vadd.f32 v2, v6  }
0x265: {  	v44 =	vadd.f32 v20, v8;
	v20 =	vor.u32 $0x7, v59;
	v46 =	vadd.f32 v35, v6;
	[tilespmem:v53+s11+$0x0] =	vst.idx.msk $0xffff, v29;
	v53 =	vld [tilespmem:s28+$0xFFFFFCE0]  }
0x266: {  	v26 =	vor.u32 $0x4, v61;
	v52 =	vadd.f32 v58, v6;
	s29 =	simm.s32 $0x8DB0;
	v29 =	vadd.s32 v42, v27;
	v41 =	vld [tilespmem:s28+$0xFFFFFEF0];
	[tilespmem:v57+s11+$0x0] =	vst.idx.msk $0xffff, v2  }
.LBB2_5:
0x267: {  	v0 =	vor.u32 $0x5, v25;
	v33 =	vor.u32 $0x3, v23;
	v23 =	vld [tilespmem:s29+$0xFFFFFDD0];
	[tilespmem:v31+s11+$0x0] =	vst.idx.msk $0xffff, v12  }
0x268: {  	s1 =	sadd.s32 $0xA, s30;
	v61 =	vadd.s32 v18, v14;
	[tilespmem:$0x1FFC0] =	vst v0  }
0x269: {  	s8 =	sadd.s32 $0xC, s30;
	s12 =	smov.u32 s30;
	v27 =	vor.u32 $0x1, v37;
	v37 =	vadd.s32 v18, v16;
	v22 =	vor.u32 $0x4, v22;
	[tilespmem:v48+s11+$0x0] =	vst.idx.msk $0xffff, v50;
	s1 =	sand.u32 $0x78, s1  }
0x26a: {  	v39 =	vld [tilespmem:s29+$0xFFFFFF50];
	v0 =	vor.u32 $0x7, v29;
	v29 =	vor.u32 $0x7, v49;
	[tilespmem:v54+s11+$0x0] =	vst.idx.msk $0xffff, v52;
	s8 =	sand.u32 $0x78, s8;
	v14 =	vmov s1;
	s1 =	sadd.s32 $0xD, s12  }
0x26b: {  	v34 =	vld [tilespmem:s29+$0xFFFFFCD0];
	[tilespmem:v9+s11+$0x0] =	vst.idx.msk $0xffff, v46;
	v25 =	vmovc v0;
	v56 =	vmov s8;
	v0 =	vshrl.u32 v14, $0x3;
	s1 =	sand.u32 $0x78, s1;
	v2 =	vadd.f32 v51, v6  }
0x26c: {  	[tilespmem:v21+s11+$0x0] =	vst.idx.msk $0xffff, v28;
	v21 =	vld [tilespmem:s28+$0xFFFFFDE0];
	v35 =	vadd.f32 v53, v8;
	v14 =	vadd.f32 v41, v7;
	v52 =	vmov s1  }
0x26d: {  	s2 =	sadd.s32 $0xB, s30;
	[tilespmem:v30+s11+$0x0] =	vst.idx.msk $0xffff, v45;
	v54 =	vld [tilespmem:s29+$0xFFFFFD50];
	v53 =	vadd.f32 v47, v7;
	v0 =	vshll.u32 v0, v1;
	v47 =	vshrl.u32 v56, $0x3  }
0x26e: {  	s13 =	sadd.s32 $0xF, s30;
	s30 =	sadd.s32 $0x8, s30;
	s2 =	sand.u32 $0x78, s2;
	[tilespmem:v24+s11+$0x0] =	vst.idx.msk $0xffff, v44;
	v16 =	vshrl.u32 v52, $0x3;
	v44 =	vbroadcast v0, $0x0;
	v0 =	vadd.f32 v23, v5  }
0x26f: {  	s14 =	sshrl.u32 s30, $0x4;
	v46 =	vld [tilespmem:s28+$0xFFFFFC60];
	v31 =	vadd.f32 v39, v5;
	v47 =	vshll.u32 v47, v1;
	[tilespmem:v11+s11+$0x0] =	vst.idx.msk $0xffff, v2;
	v2 =	vmov s2  }
0x270: {  	v3 =	vld [tilespmem:$0x1FFF0];
	s22 =	sadd.s32 $0x9, s12;
	s2 =	sand.u32 $0x8, s14;
	[tilespmem:v32+s11+$0x0] =	vst.idx.msk $0xffff, v14;
	v32 =	vadd.f32 v34, v5;
	v16 =	vshll.u32 v16, v1;
	v2 =	vshrl.u32 v2, $0x3  }
0x271: {  	s12 =	sadd.s32 $0xE, s12;
	v57 =	vld [tilespmem:s28+$0xFFFFFE70];
	s14 =	sand.u32 $0x78, s22;
	s22 =	sand.u32 $0x78, s30;
	v30 =	vmov s2;
	v42 =	vbroadcast v16, $0x0;
	v21 =	vadd.f32 v21, v8  }
0x272: {  	s2 =	sand.u32 $0x78, s12;
	v12 =	vmovc v0;
	v0 =	vld [tilespmem:$0x1FFE0];
	v45 =	vadd.f32 v54, v5;
	v60 =	vmov s22;
	v14 =	vmul.u32 $0x88, v30  }
0x273: {  	v23 =	vmov s2;
	v30 =	vmov s14;
	v2 =	vshll.u32 v2, v1  }
0x274: {  	s13 =	sand.u32 $0x78, s13;
	v59 =	vadd.f32 v46, v8;
	[tilespmem:v43+s11+$0x0] =	vst.idx.msk $0xffff, v21;
	v2 =	vbroadcast v2, $0x0;
	v43 =	vshrl.u32 v60, $0x3  }
0x275: {  	[tilespmem:v40+s11+$0x0] =	vst.idx.msk $0xffff, v35;
	v24 =	vbroadcast v14, $0x0;
	v14 =	vshrl.u32 v23, $0x3;
	v23 =	vmov s13  }
0x276: {  	[tilespmem:v61+s11+$0x0] =	vst.idx.msk $0xffff, v59;
	v61 =	vadd.f32 v57, v7;
	v14 =	vshll.u32 v14, v1;
	v23 =	vshrl.u32 v23, $0x3  }
0x277: {  	[tilespmem:v36+s11+$0x0] =	vst.idx.msk $0xffff, v53;
	v51 =	vld [tilespmem:s28+$0xFFFFFCF0];
	v0 =	vadd.s32 v0, v24;
	v36 =	vbroadcast v14, $0x0;
	v14 =	vadd.s32 v3, v24  }
0x278: {  	v35 =	vadd.s32 v63, v24;
	v16 =	vshll.u32 v23, v1;
	v28 =	vadd.s32 v44, v0  }
0x279: {  	v21 =	vld [tilespmem:s28+$0xFFFFFF70];
	v41 =	vadd.s32 v44, v35;
	v23 =	vadd.s32 v44, v14;
	v58 =	vadd.s32 v42, v0  }
0x27a: {  	v18 =	vld [tilespmem:s29+$0xFFFFFE50];
	v46 =	vbroadcast v16, $0x0;
	v16 =	vadd.s32 v62, v24;
	v28 =	vor.u32 $0x2, v28  }
0x27b: {  	v34 =	vld [tilespmem:s28+$0xFFFFFF00];
	[tilespmem:v26+s11+$0x0] =	vst.idx.msk $0xffff, v61;
	v52 =	vadd.s32 v2, v35;
	v56 =	vadd.s32 v2, v0;
	v24 =	vshrl.u32 v30, $0x3  }
0x27c: {  	v26 =	vld [tilespmem:s28+$0xFFFFFFE0];
	v30 =	vadd.f32 v51, v7;
	v55 =	vadd.s32 v36, v0;
	v39 =	vadd.s32 v36, v35  }
0x27d: {  	v11 =	vmovc v10;
	v10 =	vmovc v38;
	v38 =	vld [tilespmem:s28+$0xFFFFFD80];
	v50 =	vor.u32 $0x5, v58;
	v54 =	vor.u32 $0x2, v23;
	v23 =	vadd.s32 v2, v16  }
0x27e: {  	v59 =	vld [tilespmem:s28+$0xFFFFFDF0];
	v24 =	vshll.u32 v24, v1;
	v48 =	vadd.s32 v36, v14;
	v21 =	vadd.f32 v21, v7  }
0x27f: {  	v58 =	vadd.s32 v42, v14;
	v40 =	vor.u32 $0x6, v55;
	v55 =	vbroadcast v47, $0x0;
	[tilespmem:v28+s11+$0x0] =	vst.idx.msk $0xffff, v45;
	v28 =	vld [tilespmem:s29+$0xFFFFFED0]  }
0x280: {  	v49 =	vld [tilespmem:s29+$0xFFFFFC50];
	v36 =	vadd.s32 v36, v16;
	v57 =	vbroadcast v24, $0x0;
	v24 =	vor.u32 $0x6, v48;
	[tilespmem:v19+s11+$0x0] =	vst.idx.msk $0xffff, v21  }
0x281: {  	v51 =	vld [tilespmem:s28+$0xFFFFFC70];
	v26 =	vadd.f32 v26, v8;
	v45 =	vadd.f32 v18, v5;
	v18 =	vadd.s32 v55, v0  }
0x282: {  	v61 =	vadd.s32 v46, v14;
	v48 =	vld [tilespmem:s28+$0xFFFFFF80];
	v53 =	vor.u32 $0x4, v18;
	v18 =	vshll.u32 v43, v1  }
0x283: {  	v4 =	vmovc v62;
	v58 =	vor.u32 $0x5, v58;
	v19 =	vadd.s32 v57, v0;
	[tilespmem:v20+s11+$0x0] =	vst.idx.msk $0xffff, v26;
	v43 =	vld [tilespmem:s28+$0xFFFFFE80];
	v18 =	vbroadcast v18, $0x0  }
0x284: {  	[tilespmem:v15+s11+$0x0] =	vst.idx.msk $0xffff, v30;
	v47 =	vadd.s32 v55, v14;
	v19 =	vor.u32 $0x1, v19;
	v26 =	vld [tilespmem:s28+$0xFFFFFFF0];
	v28 =	vadd.f32 v28, v5  }
0x285: {  	v30 =	vor.u32 $0x4, v47;
	v20 =	vadd.f32 v59, v7;
	v60 =	vld [tilespmem:s29+$0xFFFFFD60];
	[tilespmem:v40+s11+$0x0] =	vst.idx.msk $0xffff, v31;
	v21 =	vadd.s32 v18, v0  }
0x286: {  	v31 =	vor.u32 $0x3, v56;
	v56 =	vld [tilespmem:s29+$0xFFFFFFD0];
	v0 =	vadd.s32 v46, v0;
	[tilespmem:v50+s11+$0x0] =	vst.idx.msk $0xffff, v28;
	v28 =	vadd.f32 v49, v5  }
0x287: {  	v47 =	vld [tilespmem:s29+$0xFFFFFF60];
	[tilespmem:v33+s11+$0x0] =	vst.idx.msk $0xffff, v20;
	v49 =	vadd.f32 v48, v6;
	v48 =	vor.u32 $0x7, v0;
	v0 =	vadd.f32 v51, v7  }
0x288: {  	v62 =	vadd.s32 v55, v16;
	v15 =	vadd.s32 v57, v16;
	v59 =	vor.u32 $0x3, v13;
	v3 =	vld [tilespmem:s28+$0xFFFFFE00];
	[tilespmem:v53+s11+$0x0] =	vst.idx.msk $0xffff, v45  }
0x289: {  	v13 =	vmov v52;
	v52 =	vadd.f32 v38, v6;
	v50 =	vld [tilespmem:s28+$0xFFFFFD00];
	[tilespmem:v37+s11+$0x0] =	vst.idx.msk $0xffff, v0;
	v0 =	vadd.f32 v26, v7  }
0x28a: {  	v15 =	vor.u32 $0x1, v15;
	v40 =	vadd.s32 v57, v14;
	v43 =	vadd.f32 v43, v6;
	[tilespmem:v19+s11+$0x0] =	vst.idx.msk $0xffff, v32;
	v33 =	vld [tilespmem:s29+$0xFFFFFEE0]  }
0x28b: {  	v40 =	vor.u32 $0x1, v40;
	v60 =	vadd.f32 v60, v8;
	v45 =	vld [tilespmem:s29+$0xFFFFFE60];
	[tilespmem:v29+s11+$0x0] =	vst.idx.msk $0xffff, v0;
	v0 =	vadd.s32 v2, v14  }
0x28c: {  	v38 =	vadd.s32 v18, v35;
	v53 =	vadd.s32 v44, v16;
	[tilespmem:v22+s11+$0x0] =	vst.idx.msk $0xffff, v43;
	v43 =	vor.u32 $0x3, v0;
	v0 =	vld [tilespmem:$0x1FFC0]  }
0x28d: {  	v20 =	vor.u32 $0x7, v61;
	v19 =	vadd.s32 v42, v16;
	v44 =	vadd.f32 v47, v8;
	[tilespmem:v54+s11+$0x0] =	vst.idx.msk $0xffff, v60  }
0x28e: {  	v9 =	vmovc v1;
	v32 =	vor.u32 $0x5, v19;
	v19 =	vor.u32 $0x6, v36;
	v54 =	vor.u32 $0x2, v11;
	[tilespmem:v17+s11+$0x0] =	vst.idx.msk $0xffff, v49;
	v17 =	vld [tilespmem:s28+$0xFFFFFC80]  }
0x28f: {  	p0 =	slt.u32 s30, $0xF8;
	v11 =	vmovc v25;
	v22 =	vadd.s32 v55, v35;
	v25 =	vadd.s32 v42, v35;
	v2 =	vadd.f32 v33, v8  }
.Ltmp1:
0x290: {  	v1 =	vmovc v63;
	v37 =	vadd.s32 v57, v35;
	v49 =	vadd.s32 v46, v16;
	v63 =	vadd.f32 v50, v6;
	(pc) =	sbr.rel @p0 .LBB2_5-.Ltmp1, $4  }
0x291: {  	v36 =	vor.u32 $0x2, v53;
	v47 =	vld [tilespmem:s29+$0xFFFFFD70];
	v29 =	vadd.s32 v46, v35;
	[tilespmem:v58+s11+$0x0] =	vst.idx.msk $0xffff, v2;
	v2 =	vadd.f32 v3, v6  }
0x292: {  	v26 =	vor.u32 $0x4, v62;
	v45 =	vadd.f32 v45, v8;
	v51 =	vld [tilespmem:s28+$0x0];
	[tilespmem:v27+s11+$0x0] =	vst.idx.msk $0xffff, v63;
	v27 =	vadd.f32 v34, v6  }
0x293: {  	v62 =	vmov v4;
	v50 =	vadd.f32 v56, v5;
	v53 =	vld [tilespmem:s29+$0xFFFFFCE0];
	v46 =	vadd.f32 v17, v6;
	[tilespmem:v59+s11+$0x0] =	vst.idx.msk $0xffff, v2  }
0x294: {  	s28 =	smov.u32 s29;
	v17 =	vor.u32 $0x6, v39;
	v63 =	vmovc v1;
	v1 =	vmovc v9;
	v9 =	vmov v10;
	v10 =	vmov v41;
	v41 =	vld [tilespmem:s29+$0xFFFFFEF0];
	s29 =	sadd.s32 $0x400, s29;
	[tilespmem:v0+s11+$0x0] =	vst.idx.msk $0xffff, v27  }
0x295: {  	_ =	sdelay $0x3  }
0x296: {  	[tilespmem:v31+s11+$0x0] =	vst.idx.msk $0xffff, v12  }
0x297: {  	[tilespmem:v48+s11+$0x0] =	vst.idx.msk $0xffff, v50;
	v0 =	vld [tilespmem:s28+$0xFFFFFDE0]  }
0x298: {  	[tilespmem:v54+s11+$0x0] =	vst.idx.msk $0xffff, v52  }
0x299: {  	[tilespmem:v21+s11+$0x0] =	vst.idx.msk $0xffff, v28;
	v2 =	vld [tilespmem:s28+$0xFFFFFFE0]  }
0x29a: {  	[tilespmem:v24+s11+$0x0] =	vst.idx.msk $0xffff, v44;
	v5 =	vld [tilespmem:s28+$0xFFFFFC60];
	v3 =	vadd.f32 v53, v8  }
0x29b: {  	[tilespmem:v30+s11+$0x0] =	vst.idx.msk $0xffff, v45;
	v34 =	vld [tilespmem:s28+$0xFFFFFF70]  }
0x29c: {  	v14 =	vadd.s32 v18, v14;
	[tilespmem:v40+s11+$0x0] =	vst.idx.msk $0xffff, v3;
	v3 =	vld [tilespmem:s28+$0xFFFFFE70];
	v0 =	vadd.f32 v0, v8  }
0x29d: {  	[tilespmem:v9+s11+$0x0] =	vst.idx.msk $0xffff, v46;
	v44 =	vor.u32 $0x7, v49;
	v49 =	vadd.f32 v47, v7;
	v35 =	vld [tilespmem:s28+$0xFFFFFCF0]  }
0x29e: {  	[tilespmem:v43+s11+$0x0] =	vst.idx.msk $0xffff, v0;
	v0 =	vadd.f32 v2, v8  }
0x29f: {  	[tilespmem:v36+s11+$0x0] =	vst.idx.msk $0xffff, v49;
	v2 =	vadd.f32 v5, v8;
	v39 =	vld [tilespmem:s28+$0xFFFFFDF0]  }
0x2a0: {  	v40 =	vadd.f32 v34, v7;
	[tilespmem:v20+s11+$0x0] =	vst.idx.msk $0xffff, v0  }
0x2a1: {  	v0 =	vor.u32 $0x3, v23;
	[tilespmem:v14+s11+$0x0] =	vst.idx.msk $0xffff, v2;
	v2 =	vadd.f32 v3, v7;
	v3 =	vld [tilespmem:s28+$0xFFFFFFF0]  }
0x2a2: {  	v56 =	vld [tilespmem:s28+$0xFFFFFD80];
	[tilespmem:v19+s11+$0x0] =	vst.idx.msk $0xffff, v40;
	v42 =	vadd.f32 v35, v7  }
0x2a3: {  	v45 =	vadd.f32 v41, v7;
	v43 =	vld [tilespmem:s28+$0xFFFFFC70];
	[tilespmem:v26+s11+$0x0] =	vst.idx.msk $0xffff, v2  }
0x2a4: {  	v10 =	vor.u32 $0x2, v10;
	v2 =	vld [tilespmem:s28+$0xFFFFFF80];
	[tilespmem:v15+s11+$0x0] =	vst.idx.msk $0xffff, v42;
	v5 =	vadd.f32 v39, v7  }
0x2a5: {  	v46 =	vadd.s32 v18, v16;
	v33 =	vadd.f32 v51, v6;
	[tilespmem:v32+s11+$0x0] =	vst.idx.msk $0xffff, v45;
	v50 =	vld [tilespmem:s28+$0xFFFFFD00]  }
0x2a6: {  	v51 =	vld [tilespmem:s28+$0xFFFFFF00];
	[tilespmem:v0+s11+$0x0] =	vst.idx.msk $0xffff, v5;
	v0 =	vadd.f32 v3, v7  }
0x2a7: {  	[tilespmem:v11+s11+$0x0] =	vst.idx.msk $0xffff, v33;
	v61 =	vadd.f32 v56, v6;
	v3 =	vor.u32 $0x1, v37;
	v54 =	vld [tilespmem:s28+$0xFFFFFE00]  }
0x2a8: {  	v55 =	vor.u32 $0x5, v25;
	v48 =	vld [tilespmem:s28+$0xFFFFFE80];
	v53 =	vadd.f32 v43, v7;
	[tilespmem:v44+s11+$0x0] =	vst.idx.msk $0xffff, v0  }
0x2a9: {  	[tilespmem:v10+s11+$0x0] =	vst.idx.msk $0xffff, v61;
	v2 =	vadd.f32 v2, v6;
	v0 =	vor.u32 $0x3, v13;
	v58 =	vld [tilespmem:s28+$0x0]  }
0x2aa: {  	v52 =	vor.u32 $0x4, v22;
	[tilespmem:v46+s11+$0x0] =	vst.idx.msk $0xffff, v53;
	v12 =	vadd.f32 v50, v6  }
0x2ab: {  	v59 =	vor.u32 $0x7, v29;
	v60 =	vadd.f32 v51, v6;
	[tilespmem:v17+s11+$0x0] =	vst.idx.msk $0xffff, v2  }
0x2ac: {  	v2 =	vld [tilespmem:s28+$0xFFFFFC80];
	[tilespmem:v3+s11+$0x0] =	vst.idx.msk $0xffff, v12;
	v3 =	vadd.f32 v54, v6  }
0x2ad: {  	[tilespmem:v55+s11+$0x0] =	vst.idx.msk $0xffff, v60;
	v57 =	vadd.f32 v48, v6  }
0x2ae: {  	[tilespmem:v0+s11+$0x0] =	vst.idx.msk $0xffff, v3;
	v0 =	vadd.f32 v58, v6  }
0x2af: {  	[tilespmem:v52+s11+$0x0] =	vst.idx.msk $0xffff, v57  }
0x2b0: {  	[tilespmem:v59+s11+$0x0] =	vst.idx.msk $0xffff, v0  }
0x2b1: {  	s1 =	sshll.u32 s23, $0xF;
	v2 =	vadd.f32 v2, v6;
	s2 =	rddreg [dreg:$0x5]  }
0x2b2: {  	s13 =	rddreg [dreg:$0x2];
	s23 =	sor.u32 s2, s1  }
0x2b3: {  	[tilespmem:v38+s11+$0x0] =	vst.idx.msk $0xffff, v2;
	s1 =	sadd.s32 s13, s23  }
0x2b4: {  	[hbm4b:s1+s4] =	stream.linear.scatter [tilespmem:s11], [sflag:$0x5], $0x80, $0x38;
	[tilespmem:$0x19A00] =	vst v63  }
0x2b5: {  	s8 =	simm.s32 $0x10288;
	s14 =	sadd.s32 $0x10, s1  }
0x2b6: {  	[hbm4b:s14+s4] =	stream.linear.scatter [tilespmem:s8], [sflag:$0x5], $0x80, $0x38;
	[tilespmem:$0x19A00] =	vst v63  }
0x2b7: {  	s28 =	simm.s32 $0x10310;
	s22 =	sadd.s32 $0x20, s1  }
0x2b8: {  	[hbm4b:s22+s4] =	stream.linear.scatter [tilespmem:s28], [sflag:$0x5], $0x80, $0x38;
	[tilespmem:$0x19A00] =	vst v63  }
0x2b9: {  	s30 =	simm.s32 $0x10398;
	s29 =	sadd.s32 $0x30, s1  }
0x2ba: {  	[hbm4b:s29+s4] =	stream.linear.scatter [tilespmem:s30], [sflag:$0x5], $0x80, $0x38;
	[tilespmem:$0x19A00] =	vst v63  }
0x2bb: {  	s12 =	simm.s32 $0x10420;
	s8 =	sadd.s32 $0x40, s1  }
0x2bc: {  	[hbm4b:s8+s4] =	stream.linear.scatter [tilespmem:s12], [sflag:$0x5], $0x80, $0x38;
	[tilespmem:$0x19A00] =	vst v63  }
0x2bd: {  	s13 =	sadd.s32 $0x50, s1;
	s14 =	simm.s32 $0x104A8  }
0x2be: {  	[hbm4b:s13+s4] =	stream.linear.scatter [tilespmem:s14], [sflag:$0x5], $0x80, $0x38;
	[tilespmem:$0x19A00] =	vst v63  }
0x2bf: {  	s22 =	sadd.s32 $0x60, s1;
	s28 =	simm.s32 $0x10530  }
0x2c0: {  	[hbm4b:s22+s4] =	stream.linear.scatter [tilespmem:s28], [sflag:$0x5], $0x80, $0x38;
	[tilespmem:$0x19A00] =	vst v63  }
0x2c1: {  	s29 =	sadd.s32 $0x70, s1;
	s30 =	simm.s32 $0x105B8  }
0x2c2: {  	[hbm4b:s29+s4] =	stream.linear.scatter [tilespmem:s30], [sflag:$0x5], $0x80, $0x38;
	[tilespmem:$0x19A00] =	vst v63  }
0x2c3: {  	s8 =	sadd.s32 $0x80, s1;
	s12 =	simm.s32 $0x10640  }
0x2c4: {  	[hbm4b:s8+s4] =	stream.linear.scatter [tilespmem:s12], [sflag:$0x5], $0x80, $0x38;
	[tilespmem:$0x19A00] =	vst v63  }
0x2c5: {  	s13 =	sadd.s32 $0x90, s1;
	s14 =	simm.s32 $0x106C8  }
0x2c6: {  	[hbm4b:s13+s4] =	stream.linear.scatter [tilespmem:s14], [sflag:$0x5], $0x80, $0x38;
	[tilespmem:$0x19A00] =	vst v63  }
0x2c7: {  	s22 =	sadd.s32 $0xA0, s1;
	s28 =	simm.s32 $0x10750  }
0x2c8: {  	[hbm4b:s22+s4] =	stream.linear.scatter [tilespmem:s28], [sflag:$0x5], $0x80, $0x38;
	[tilespmem:$0x19A00] =	vst v63  }
0x2c9: {  	s29 =	sadd.s32 $0xB0, s1;
	s30 =	simm.s32 $0x107D8  }
0x2ca: {  	[hbm4b:s29+s4] =	stream.linear.scatter [tilespmem:s30], [sflag:$0x5], $0x80, $0x38;
	[tilespmem:$0x19A00] =	vst v63  }
0x2cb: {  	s8 =	sadd.s32 $0xC0, s1;
	s12 =	simm.s32 $0x10860  }
0x2cc: {  	[hbm4b:s8+s4] =	stream.linear.scatter [tilespmem:s12], [sflag:$0x5], $0x80, $0x38;
	[tilespmem:$0x19A00] =	vst v63  }
0x2cd: {  	s13 =	sadd.s32 $0xD0, s1;
	s14 =	simm.s32 $0x108E8  }
0x2ce: {  	[hbm4b:s13+s4] =	stream.linear.scatter [tilespmem:s14], [sflag:$0x5], $0x80, $0x38;
	[tilespmem:$0x19A00] =	vst v63  }
0x2cf: {  	s22 =	sadd.s32 $0xE0, s1;
	s28 =	simm.s32 $0x10970  }
0x2d0: {  	[hbm4b:s22+s4] =	stream.linear.scatter [tilespmem:s28], [sflag:$0x5], $0x80, $0x38;
	[tilespmem:$0x19A00] =	vst v63  }
0x2d1: {  	s1 =	sadd.s32 $0xF0, s1;
	s29 =	simm.s32 $0x109F8  }
0x2d2: {  	[hbm4b:s1+s4] =	stream.linear.scatter [tilespmem:s29], [sflag:$0x5], $0x80, $0x38;
	[tilespmem:$0x19A00] =	vst v63  }
0x2d3: {  	s30 =	simm.s32 $0x10EC0;
	s1 =	sadd.s32 s23, s15  }
0x2d4: {  	[hbm4b:s1+s4] =	stream.linear.scatter [tilespmem:s30], [sflag:$0x5], $0x80, $0x38;
	[tilespmem:$0x19A00] =	vst v63  }
0x2d5: {  	s12 =	simm.s32 $0x10F48;
	s8 =	sadd.s32 $0x10, s1  }
0x2d6: {  	[hbm4b:s8+s4] =	stream.linear.scatter [tilespmem:s12], [sflag:$0x5], $0x80, $0x38;
	[tilespmem:$0x19A00] =	vst v63  }
0x2d7: {  	s14 =	simm.s32 $0x10FD0;
	s13 =	sadd.s32 $0x20, s1  }
0x2d8: {  	[hbm4b:s13+s4] =	stream.linear.scatter [tilespmem:s14], [sflag:$0x5], $0x80, $0x38;
	[tilespmem:$0x19A00] =	vst v63  }
0x2d9: {  	s28 =	simm.s32 $0x11058;
	s22 =	sadd.s32 $0x30, s1  }
0x2da: {  	[hbm4b:s22+s4] =	stream.linear.scatter [tilespmem:s28], [sflag:$0x5], $0x80, $0x38;
	[tilespmem:$0x19A00] =	vst v63  }
0x2db: {  	s29 =	sadd.s32 $0x40, s1;
	s30 =	simm.s32 $0x110E0  }
0x2dc: {  	[hbm4b:s29+s4] =	stream.linear.scatter [tilespmem:s30], [sflag:$0x5], $0x80, $0x38;
	[tilespmem:$0x19A00] =	vst v63  }
0x2dd: {  	s8 =	sadd.s32 $0x50, s1;
	s12 =	simm.s32 $0x11168  }
0x2de: {  	[hbm4b:s8+s4] =	stream.linear.scatter [tilespmem:s12], [sflag:$0x5], $0x80, $0x38;
	[tilespmem:$0x19A00] =	vst v63  }
0x2df: {  	s13 =	sadd.s32 $0x60, s1;
	s14 =	simm.s32 $0x111F0  }
0x2e0: {  	[hbm4b:s13+s4] =	stream.linear.scatter [tilespmem:s14], [sflag:$0x5], $0x80, $0x38;
	[tilespmem:$0x19A00] =	vst v63  }
0x2e1: {  	s22 =	sadd.s32 $0x70, s1;
	s28 =	simm.s32 $0x11278  }
0x2e2: {  	[hbm4b:s22+s4] =	stream.linear.scatter [tilespmem:s28], [sflag:$0x5], $0x80, $0x38;
	[tilespmem:$0x19A00] =	vst v63  }
0x2e3: {  	s29 =	sadd.s32 $0x80, s1;
	s30 =	simm.s32 $0x11300  }
0x2e4: {  	[hbm4b:s29+s4] =	stream.linear.scatter [tilespmem:s30], [sflag:$0x5], $0x80, $0x38;
	[tilespmem:$0x19A00] =	vst v63  }
0x2e5: {  	s8 =	sadd.s32 $0x90, s1;
	s12 =	simm.s32 $0x11388  }
0x2e6: {  	[hbm4b:s8+s4] =	stream.linear.scatter [tilespmem:s12], [sflag:$0x5], $0x80, $0x38;
	[tilespmem:$0x19A00] =	vst v63  }
0x2e7: {  	s13 =	sadd.s32 $0xA0, s1;
	s14 =	simm.s32 $0x11410  }
0x2e8: {  	[hbm4b:s13+s4] =	stream.linear.scatter [tilespmem:s14], [sflag:$0x5], $0x80, $0x38;
	[tilespmem:$0x19A00] =	vst v63  }
0x2e9: {  	s22 =	sadd.s32 $0xB0, s1;
	s28 =	simm.s32 $0x11498  }
0x2ea: {  	[hbm4b:s22+s4] =	stream.linear.scatter [tilespmem:s28], [sflag:$0x5], $0x80, $0x38;
	[tilespmem:$0x19A00] =	vst v63  }
0x2eb: {  	s29 =	sadd.s32 $0xC0, s1;
	s30 =	simm.s32 $0x11520  }
0x2ec: {  	[hbm4b:s29+s4] =	stream.linear.scatter [tilespmem:s30], [sflag:$0x5], $0x80, $0x38;
	[tilespmem:$0x19A00] =	vst v63  }
0x2ed: {  	s8 =	sadd.s32 $0xD0, s1;
	s12 =	simm.s32 $0x115A8  }
0x2ee: {  	[hbm4b:s8+s4] =	stream.linear.scatter [tilespmem:s12], [sflag:$0x5], $0x80, $0x38;
	[tilespmem:$0x19A00] =	vst v63  }
0x2ef: {  	s13 =	sadd.s32 $0xE0, s1;
	s14 =	simm.s32 $0x11630  }
0x2f0: {  	[hbm4b:s13+s4] =	stream.linear.scatter [tilespmem:s14], [sflag:$0x5], $0x80, $0x38;
	[tilespmem:$0x19A00] =	vst v63  }
0x2f1: {  	s1 =	sadd.s32 $0xF0, s1;
	s22 =	simm.s32 $0x116B8  }
0x2f2: {  	[hbm4b:s1+s4] =	stream.linear.scatter [tilespmem:s22], [sflag:$0x5], $0x80, $0x38;
	[tilespmem:$0x19A00] =	vst v63  }
0x2f3: {  	s28 =	simm.s32 $0x11B80;
	s1 =	sadd.s32 s23, s16  }
0x2f4: {  	[hbm4b:s1+s4] =	stream.linear.scatter [tilespmem:s28], [sflag:$0x5], $0x80, $0x38;
	[tilespmem:$0x19A00] =	vst v63  }
0x2f5: {  	s30 =	simm.s32 $0x11C08;
	s29 =	sadd.s32 $0x10, s1  }
0x2f6: {  	[hbm4b:s29+s4] =	stream.linear.scatter [tilespmem:s30], [sflag:$0x5], $0x80, $0x38;
	[tilespmem:$0x19A00] =	vst v63  }
0x2f7: {  	s12 =	simm.s32 $0x11C90;
	s8 =	sadd.s32 $0x20, s1  }
0x2f8: {  	[hbm4b:s8+s4] =	stream.linear.scatter [tilespmem:s12], [sflag:$0x5], $0x80, $0x38;
	[tilespmem:$0x19A00] =	vst v63  }
0x2f9: {  	s14 =	simm.s32 $0x11D18;
	s13 =	sadd.s32 $0x30, s1  }
0x2fa: {  	[hbm4b:s13+s4] =	stream.linear.scatter [tilespmem:s14], [sflag:$0x5], $0x80, $0x38;
	[tilespmem:$0x19A00] =	vst v63  }
0x2fb: {  	s22 =	sadd.s32 $0x40, s1;
	s28 =	simm.s32 $0x11DA0  }
0x2fc: {  	[hbm4b:s22+s4] =	stream.linear.scatter [tilespmem:s28], [sflag:$0x5], $0x80, $0x38;
	[tilespmem:$0x19A00] =	vst v63  }
0x2fd: {  	s29 =	sadd.s32 $0x50, s1;
	s30 =	simm.s32 $0x11E28  }
0x2fe: {  	[hbm4b:s29+s4] =	stream.linear.scatter [tilespmem:s30], [sflag:$0x5], $0x80, $0x38;
	[tilespmem:$0x19A00] =	vst v63  }
0x2ff: {  	s8 =	sadd.s32 $0x60, s1;
	s12 =	simm.s32 $0x11EB0  }
0x300: {  	[hbm4b:s8+s4] =	stream.linear.scatter [tilespmem:s12], [sflag:$0x5], $0x80, $0x38;
	[tilespmem:$0x19A00] =	vst v63  }
0x301: {  	s13 =	sadd.s32 $0x70, s1;
	s14 =	simm.s32 $0x11F38  }
0x302: {  	[hbm4b:s13+s4] =	stream.linear.scatter [tilespmem:s14], [sflag:$0x5], $0x80, $0x38;
	[tilespmem:$0x19A00] =	vst v63  }
0x303: {  	s22 =	sadd.s32 $0x80, s1;
	s28 =	simm.s32 $0x11FC0  }
0x304: {  	[hbm4b:s22+s4] =	stream.linear.scatter [tilespmem:s28], [sflag:$0x5], $0x80, $0x38;
	[tilespmem:$0x19A00] =	vst v63  }
0x305: {  	s29 =	sadd.s32 $0x90, s1;
	s30 =	simm.s32 $0x12048  }
0x306: {  	[hbm4b:s29+s4] =	stream.linear.scatter [tilespmem:s30], [sflag:$0x5], $0x80, $0x38;
	[tilespmem:$0x19A00] =	vst v63  }
0x307: {  	s8 =	sadd.s32 $0xA0, s1;
	s12 =	simm.s32 $0x120D0  }
0x308: {  	[hbm4b:s8+s4] =	stream.linear.scatter [tilespmem:s12], [sflag:$0x5], $0x80, $0x38;
	[tilespmem:$0x19A00] =	vst v63  }
0x309: {  	s13 =	sadd.s32 $0xB0, s1;
	s14 =	simm.s32 $0x12158  }
0x30a: {  	[hbm4b:s13+s4] =	stream.linear.scatter [tilespmem:s14], [sflag:$0x5], $0x80, $0x38;
	[tilespmem:$0x19A00] =	vst v63  }
0x30b: {  	s22 =	sadd.s32 $0xC0, s1;
	s28 =	simm.s32 $0x121E0  }
0x30c: {  	[hbm4b:s22+s4] =	stream.linear.scatter [tilespmem:s28], [sflag:$0x5], $0x80, $0x38;
	[tilespmem:$0x19A00] =	vst v63  }
0x30d: {  	s29 =	sadd.s32 $0xD0, s1;
	s30 =	simm.s32 $0x12268  }
0x30e: {  	[hbm4b:s29+s4] =	stream.linear.scatter [tilespmem:s30], [sflag:$0x5], $0x80, $0x38;
	[tilespmem:$0x19A00] =	vst v63  }
0x30f: {  	s8 =	sadd.s32 $0xE0, s1;
	s12 =	simm.s32 $0x122F0  }
0x310: {  	[hbm4b:s8+s4] =	stream.linear.scatter [tilespmem:s12], [sflag:$0x5], $0x80, $0x38;
	[tilespmem:$0x19A00] =	vst v63  }
0x311: {  	s1 =	sadd.s32 $0xF0, s1;
	s13 =	simm.s32 $0x12378  }
0x312: {  	[hbm4b:s1+s4] =	stream.linear.scatter [tilespmem:s13], [sflag:$0x5], $0x80, $0x38;
	[tilespmem:$0x19A00] =	vst v63  }
0x313: {  	s14 =	simm.s32 $0x12840;
	s1 =	sadd.s32 s23, s17  }
0x314: {  	[hbm4b:s1+s4] =	stream.linear.scatter [tilespmem:s14], [sflag:$0x5], $0x80, $0x38;
	[tilespmem:$0x19A00] =	vst v63  }
0x315: {  	s28 =	simm.s32 $0x128C8;
	s22 =	sadd.s32 $0x10, s1  }
0x316: {  	[hbm4b:s22+s4] =	stream.linear.scatter [tilespmem:s28], [sflag:$0x5], $0x80, $0x38;
	[tilespmem:$0x19A00] =	vst v63  }
0x317: {  	s30 =	simm.s32 $0x12950;
	s29 =	sadd.s32 $0x20, s1  }
0x318: {  	[hbm4b:s29+s4] =	stream.linear.scatter [tilespmem:s30], [sflag:$0x5], $0x80, $0x38;
	[tilespmem:$0x19A00] =	vst v63  }
0x319: {  	s12 =	simm.s32 $0x129D8;
	s8 =	sadd.s32 $0x30, s1  }
0x31a: {  	[hbm4b:s8+s4] =	stream.linear.scatter [tilespmem:s12], [sflag:$0x5], $0x80, $0x38;
	[tilespmem:$0x19A00] =	vst v63  }
0x31b: {  	s13 =	sadd.s32 $0x40, s1;
	s14 =	simm.s32 $0x12A60  }
0x31c: {  	[hbm4b:s13+s4] =	stream.linear.scatter [tilespmem:s14], [sflag:$0x5], $0x80, $0x38;
	[tilespmem:$0x19A00] =	vst v63  }
0x31d: {  	s22 =	sadd.s32 $0x50, s1;
	s28 =	simm.s32 $0x12AE8  }
0x31e: {  	[hbm4b:s22+s4] =	stream.linear.scatter [tilespmem:s28], [sflag:$0x5], $0x80, $0x38;
	[tilespmem:$0x19A00] =	vst v63  }
0x31f: {  	s29 =	sadd.s32 $0x60, s1;
	s30 =	simm.s32 $0x12B70  }
0x320: {  	[hbm4b:s29+s4] =	stream.linear.scatter [tilespmem:s30], [sflag:$0x5], $0x80, $0x38;
	[tilespmem:$0x19A00] =	vst v63  }
0x321: {  	s8 =	sadd.s32 $0x70, s1;
	s12 =	simm.s32 $0x12BF8  }
0x322: {  	[hbm4b:s8+s4] =	stream.linear.scatter [tilespmem:s12], [sflag:$0x5], $0x80, $0x38;
	[tilespmem:$0x19A00] =	vst v63  }
0x323: {  	s13 =	sadd.s32 $0x80, s1;
	s14 =	simm.s32 $0x12C80  }
0x324: {  	[hbm4b:s13+s4] =	stream.linear.scatter [tilespmem:s14], [sflag:$0x5], $0x80, $0x38;
	[tilespmem:$0x19A00] =	vst v63  }
0x325: {  	s22 =	sadd.s32 $0x90, s1;
	s28 =	simm.s32 $0x12D08  }
0x326: {  	[hbm4b:s22+s4] =	stream.linear.scatter [tilespmem:s28], [sflag:$0x5], $0x80, $0x38;
	[tilespmem:$0x19A00] =	vst v63  }
0x327: {  	s29 =	sadd.s32 $0xA0, s1;
	s30 =	simm.s32 $0x12D90  }
0x328: {  	[hbm4b:s29+s4] =	stream.linear.scatter [tilespmem:s30], [sflag:$0x5], $0x80, $0x38;
	[tilespmem:$0x19A00] =	vst v63  }
0x329: {  	s8 =	sadd.s32 $0xB0, s1;
	s12 =	simm.s32 $0x12E18  }
0x32a: {  	[hbm4b:s8+s4] =	stream.linear.scatter [tilespmem:s12], [sflag:$0x5], $0x80, $0x38;
	[tilespmem:$0x19A00] =	vst v63  }
0x32b: {  	s13 =	sadd.s32 $0xC0, s1;
	s14 =	simm.s32 $0x12EA0  }
0x32c: {  	[hbm4b:s13+s4] =	stream.linear.scatter [tilespmem:s14], [sflag:$0x5], $0x80, $0x38;
	[tilespmem:$0x19A00] =	vst v63  }
0x32d: {  	s22 =	sadd.s32 $0xD0, s1;
	s28 =	simm.s32 $0x12F28  }
0x32e: {  	[hbm4b:s22+s4] =	stream.linear.scatter [tilespmem:s28], [sflag:$0x5], $0x80, $0x38;
	[tilespmem:$0x19A00] =	vst v63  }
0x32f: {  	s29 =	sadd.s32 $0xE0, s1;
	s30 =	simm.s32 $0x12FB0  }
0x330: {  	[hbm4b:s29+s4] =	stream.linear.scatter [tilespmem:s30], [sflag:$0x5], $0x80, $0x38;
	[tilespmem:$0x19A00] =	vst v63  }
0x331: {  	s1 =	sadd.s32 $0xF0, s1;
	s8 =	simm.s32 $0x13038  }
0x332: {  	[hbm4b:s1+s4] =	stream.linear.scatter [tilespmem:s8], [sflag:$0x5], $0x80, $0x38;
	[tilespmem:$0x19A00] =	vst v63  }
0x333: {  	s12 =	simm.s32 $0x13500;
	s1 =	sadd.s32 s23, s18  }
0x334: {  	[hbm4b:s1+s4] =	stream.linear.scatter [tilespmem:s12], [sflag:$0x5], $0x80, $0x38;
	[tilespmem:$0x19A00] =	vst v63  }
0x335: {  	s14 =	simm.s32 $0x13588;
	s13 =	sadd.s32 $0x10, s1  }
0x336: {  	[hbm4b:s13+s4] =	stream.linear.scatter [tilespmem:s14], [sflag:$0x5], $0x80, $0x38;
	[tilespmem:$0x19A00] =	vst v63  }
0x337: {  	s28 =	simm.s32 $0x13610;
	s22 =	sadd.s32 $0x20, s1  }
0x338: {  	[hbm4b:s22+s4] =	stream.linear.scatter [tilespmem:s28], [sflag:$0x5], $0x80, $0x38;
	[tilespmem:$0x19A00] =	vst v63  }
0x339: {  	s30 =	simm.s32 $0x13698;
	s29 =	sadd.s32 $0x30, s1  }
0x33a: {  	[hbm4b:s29+s4] =	stream.linear.scatter [tilespmem:s30], [sflag:$0x5], $0x80, $0x38;
	[tilespmem:$0x19A00] =	vst v63  }
0x33b: {  	s8 =	sadd.s32 $0x40, s1;
	s12 =	simm.s32 $0x13720  }
0x33c: {  	[hbm4b:s8+s4] =	stream.linear.scatter [tilespmem:s12], [sflag:$0x5], $0x80, $0x38;
	[tilespmem:$0x19A00] =	vst v63  }
0x33d: {  	s13 =	sadd.s32 $0x50, s1;
	s14 =	simm.s32 $0x137A8  }
0x33e: {  	[hbm4b:s13+s4] =	stream.linear.scatter [tilespmem:s14], [sflag:$0x5], $0x80, $0x38;
	[tilespmem:$0x19A00] =	vst v63  }
0x33f: {  	s22 =	sadd.s32 $0x60, s1;
	s28 =	simm.s32 $0x13830  }
0x340: {  	[hbm4b:s22+s4] =	stream.linear.scatter [tilespmem:s28], [sflag:$0x5], $0x80, $0x38;
	[tilespmem:$0x19A00] =	vst v63  }
0x341: {  	s29 =	sadd.s32 $0x70, s1;
	s30 =	simm.s32 $0x138B8  }
0x342: {  	[hbm4b:s29+s4] =	stream.linear.scatter [tilespmem:s30], [sflag:$0x5], $0x80, $0x38;
	[tilespmem:$0x19A00] =	vst v63  }
0x343: {  	s8 =	sadd.s32 $0x80, s1;
	s12 =	simm.s32 $0x13940  }
0x344: {  	[hbm4b:s8+s4] =	stream.linear.scatter [tilespmem:s12], [sflag:$0x5], $0x80, $0x38;
	[tilespmem:$0x19A00] =	vst v63  }
0x345: {  	s13 =	sadd.s32 $0x90, s1;
	s14 =	simm.s32 $0x139C8  }
0x346: {  	[hbm4b:s13+s4] =	stream.linear.scatter [tilespmem:s14], [sflag:$0x5], $0x80, $0x38;
	[tilespmem:$0x19A00] =	vst v63  }
0x347: {  	s22 =	sadd.s32 $0xA0, s1;
	s28 =	simm.s32 $0x13A50  }
0x348: {  	[hbm4b:s22+s4] =	stream.linear.scatter [tilespmem:s28], [sflag:$0x5], $0x80, $0x38;
	[tilespmem:$0x19A00] =	vst v63  }
0x349: {  	s29 =	sadd.s32 $0xB0, s1;
	s30 =	simm.s32 $0x13AD8  }
0x34a: {  	[hbm4b:s29+s4] =	stream.linear.scatter [tilespmem:s30], [sflag:$0x5], $0x80, $0x38;
	[tilespmem:$0x19A00] =	vst v63  }
0x34b: {  	s8 =	sadd.s32 $0xC0, s1;
	s12 =	simm.s32 $0x13B60  }
0x34c: {  	[hbm4b:s8+s4] =	stream.linear.scatter [tilespmem:s12], [sflag:$0x5], $0x80, $0x38;
	[tilespmem:$0x19A00] =	vst v63  }
0x34d: {  	s13 =	sadd.s32 $0xD0, s1;
	s14 =	simm.s32 $0x13BE8  }
0x34e: {  	[hbm4b:s13+s4] =	stream.linear.scatter [tilespmem:s14], [sflag:$0x5], $0x80, $0x38;
	[tilespmem:$0x19A00] =	vst v63  }
0x34f: {  	s22 =	sadd.s32 $0xE0, s1;
	s28 =	simm.s32 $0x13C70  }
0x350: {  	[hbm4b:s22+s4] =	stream.linear.scatter [tilespmem:s28], [sflag:$0x5], $0x80, $0x38;
	[tilespmem:$0x19A00] =	vst v63  }
0x351: {  	s1 =	sadd.s32 $0xF0, s1;
	s29 =	simm.s32 $0x13CF8  }
0x352: {  	[hbm4b:s1+s4] =	stream.linear.scatter [tilespmem:s29], [sflag:$0x5], $0x80, $0x38;
	[tilespmem:$0x19A00] =	vst v63  }
0x353: {  	s30 =	simm.s32 $0x141C0;
	s1 =	sadd.s32 s23, s19  }
0x354: {  	[hbm4b:s1+s4] =	stream.linear.scatter [tilespmem:s30], [sflag:$0x5], $0x80, $0x38;
	[tilespmem:$0x19A00] =	vst v63  }
0x355: {  	s12 =	simm.s32 $0x14248;
	s8 =	sadd.s32 $0x10, s1  }
0x356: {  	[hbm4b:s8+s4] =	stream.linear.scatter [tilespmem:s12], [sflag:$0x5], $0x80, $0x38;
	[tilespmem:$0x19A00] =	vst v63  }
0x357: {  	s14 =	simm.s32 $0x142D0;
	s13 =	sadd.s32 $0x20, s1  }
0x358: {  	[hbm4b:s13+s4] =	stream.linear.scatter [tilespmem:s14], [sflag:$0x5], $0x80, $0x38;
	[tilespmem:$0x19A00] =	vst v63  }
0x359: {  	s28 =	simm.s32 $0x14358;
	s22 =	sadd.s32 $0x30, s1  }
0x35a: {  	[hbm4b:s22+s4] =	stream.linear.scatter [tilespmem:s28], [sflag:$0x5], $0x80, $0x38;
	[tilespmem:$0x19A00] =	vst v63  }
0x35b: {  	s29 =	sadd.s32 $0x40, s1;
	s30 =	simm.s32 $0x143E0  }
0x35c: {  	[hbm4b:s29+s4] =	stream.linear.scatter [tilespmem:s30], [sflag:$0x5], $0x80, $0x38;
	[tilespmem:$0x19A00] =	vst v63  }
0x35d: {  	s8 =	sadd.s32 $0x50, s1;
	s12 =	simm.s32 $0x14468  }
0x35e: {  	[hbm4b:s8+s4] =	stream.linear.scatter [tilespmem:s12], [sflag:$0x5], $0x80, $0x38;
	[tilespmem:$0x19A00] =	vst v63  }
0x35f: {  	s13 =	sadd.s32 $0x60, s1;
	s14 =	simm.s32 $0x144F0  }
0x360: {  	[hbm4b:s13+s4] =	stream.linear.scatter [tilespmem:s14], [sflag:$0x5], $0x80, $0x38;
	[tilespmem:$0x19A00] =	vst v63  }
0x361: {  	s22 =	sadd.s32 $0x70, s1;
	s28 =	simm.s32 $0x14578  }
0x362: {  	[hbm4b:s22+s4] =	stream.linear.scatter [tilespmem:s28], [sflag:$0x5], $0x80, $0x38;
	[tilespmem:$0x19A00] =	vst v63  }
0x363: {  	s29 =	sadd.s32 $0x80, s1;
	s30 =	simm.s32 $0x14600  }
0x364: {  	[hbm4b:s29+s4] =	stream.linear.scatter [tilespmem:s30], [sflag:$0x5], $0x80, $0x38;
	[tilespmem:$0x19A00] =	vst v63  }
0x365: {  	s8 =	sadd.s32 $0x90, s1;
	s12 =	simm.s32 $0x14688  }
0x366: {  	[hbm4b:s8+s4] =	stream.linear.scatter [tilespmem:s12], [sflag:$0x5], $0x80, $0x38;
	[tilespmem:$0x19A00] =	vst v63  }
0x367: {  	s13 =	sadd.s32 $0xA0, s1;
	s14 =	simm.s32 $0x14710  }
0x368: {  	[hbm4b:s13+s4] =	stream.linear.scatter [tilespmem:s14], [sflag:$0x5], $0x80, $0x38;
	[tilespmem:$0x19A00] =	vst v63  }
0x369: {  	s22 =	sadd.s32 $0xB0, s1;
	s28 =	simm.s32 $0x14798  }
0x36a: {  	[hbm4b:s22+s4] =	stream.linear.scatter [tilespmem:s28], [sflag:$0x5], $0x80, $0x38;
	[tilespmem:$0x19A00] =	vst v63  }
0x36b: {  	s29 =	sadd.s32 $0xC0, s1;
	s30 =	simm.s32 $0x14820  }
0x36c: {  	[hbm4b:s29+s4] =	stream.linear.scatter [tilespmem:s30], [sflag:$0x5], $0x80, $0x38;
	[tilespmem:$0x19A00] =	vst v63  }
0x36d: {  	s8 =	sadd.s32 $0xD0, s1;
	s12 =	simm.s32 $0x148A8  }
0x36e: {  	[hbm4b:s8+s4] =	stream.linear.scatter [tilespmem:s12], [sflag:$0x5], $0x80, $0x38;
	[tilespmem:$0x19A00] =	vst v63  }
0x36f: {  	s13 =	sadd.s32 $0xE0, s1;
	s14 =	simm.s32 $0x14930  }
0x370: {  	[hbm4b:s13+s4] =	stream.linear.scatter [tilespmem:s14], [sflag:$0x5], $0x80, $0x38;
	[tilespmem:$0x19A00] =	vst v63  }
0x371: {  	s1 =	sadd.s32 $0xF0, s1;
	s22 =	simm.s32 $0x149B8  }
0x372: {  	[hbm4b:s1+s4] =	stream.linear.scatter [tilespmem:s22], [sflag:$0x5], $0x80, $0x38;
	[tilespmem:$0x19A00] =	vst v63  }
0x373: {  	s28 =	simm.s32 $0x14E80;
	s1 =	sadd.s32 s23, s20  }
0x374: {  	[hbm4b:s1+s4] =	stream.linear.scatter [tilespmem:s28], [sflag:$0x5], $0x80, $0x38;
	[tilespmem:$0x19A00] =	vst v63  }
0x375: {  	s30 =	simm.s32 $0x14F08;
	s29 =	sadd.s32 $0x10, s1  }
0x376: {  	[hbm4b:s29+s4] =	stream.linear.scatter [tilespmem:s30], [sflag:$0x5], $0x80, $0x38;
	[tilespmem:$0x19A00] =	vst v63  }
0x377: {  	s12 =	simm.s32 $0x14F90;
	s8 =	sadd.s32 $0x20, s1  }
0x378: {  	[hbm4b:s8+s4] =	stream.linear.scatter [tilespmem:s12], [sflag:$0x5], $0x80, $0x38;
	[tilespmem:$0x19A00] =	vst v63  }
0x379: {  	s14 =	simm.s32 $0x15018;
	s13 =	sadd.s32 $0x30, s1  }
0x37a: {  	[hbm4b:s13+s4] =	stream.linear.scatter [tilespmem:s14], [sflag:$0x5], $0x80, $0x38;
	[tilespmem:$0x19A00] =	vst v63  }
0x37b: {  	s22 =	sadd.s32 $0x40, s1;
	s28 =	simm.s32 $0x150A0  }
0x37c: {  	[hbm4b:s22+s4] =	stream.linear.scatter [tilespmem:s28], [sflag:$0x5], $0x80, $0x38;
	[tilespmem:$0x19A00] =	vst v63  }
0x37d: {  	s29 =	sadd.s32 $0x50, s1;
	s30 =	simm.s32 $0x15128  }
0x37e: {  	[hbm4b:s29+s4] =	stream.linear.scatter [tilespmem:s30], [sflag:$0x5], $0x80, $0x38;
	[tilespmem:$0x19A00] =	vst v63  }
0x37f: {  	s8 =	sadd.s32 $0x60, s1;
	s12 =	simm.s32 $0x151B0  }
0x380: {  	[hbm4b:s8+s4] =	stream.linear.scatter [tilespmem:s12], [sflag:$0x5], $0x80, $0x38;
	[tilespmem:$0x19A00] =	vst v63  }
0x381: {  	s13 =	sadd.s32 $0x70, s1;
	s14 =	simm.s32 $0x15238  }
0x382: {  	[hbm4b:s13+s4] =	stream.linear.scatter [tilespmem:s14], [sflag:$0x5], $0x80, $0x38;
	[tilespmem:$0x19A00] =	vst v63  }
0x383: {  	s22 =	sadd.s32 $0x80, s1;
	s28 =	simm.s32 $0x152C0  }
0x384: {  	[hbm4b:s22+s4] =	stream.linear.scatter [tilespmem:s28], [sflag:$0x5], $0x80, $0x38;
	[tilespmem:$0x19A00] =	vst v63  }
0x385: {  	s29 =	sadd.s32 $0x90, s1;
	s30 =	simm.s32 $0x15348  }
0x386: {  	[hbm4b:s29+s4] =	stream.linear.scatter [tilespmem:s30], [sflag:$0x5], $0x80, $0x38;
	[tilespmem:$0x19A00] =	vst v63  }
0x387: {  	s8 =	sadd.s32 $0xA0, s1;
	s12 =	simm.s32 $0x153D0  }
0x388: {  	[hbm4b:s8+s4] =	stream.linear.scatter [tilespmem:s12], [sflag:$0x5], $0x80, $0x38;
	[tilespmem:$0x19A00] =	vst v63  }
0x389: {  	s13 =	sadd.s32 $0xB0, s1;
	s14 =	simm.s32 $0x15458  }
0x38a: {  	[hbm4b:s13+s4] =	stream.linear.scatter [tilespmem:s14], [sflag:$0x5], $0x80, $0x38;
	[tilespmem:$0x19A00] =	vst v63  }
0x38b: {  	s22 =	sadd.s32 $0xC0, s1;
	s28 =	simm.s32 $0x154E0  }
0x38c: {  	[hbm4b:s22+s4] =	stream.linear.scatter [tilespmem:s28], [sflag:$0x5], $0x80, $0x38;
	[tilespmem:$0x19A00] =	vst v63  }
0x38d: {  	s29 =	sadd.s32 $0xD0, s1;
	s30 =	simm.s32 $0x15568  }
0x38e: {  	[hbm4b:s29+s4] =	stream.linear.scatter [tilespmem:s30], [sflag:$0x5], $0x80, $0x38;
	[tilespmem:$0x19A00] =	vst v63  }
0x38f: {  	s12 =	sadd.s32 $0xE0, s1;
	s13 =	simm.s32 $0x155F0  }
0x390: {  	[hbm4b:s12+s4] =	stream.linear.scatter [tilespmem:s13], [sflag:$0x5], $0x80, $0x38;
	[tilespmem:$0x19A00] =	vst v63  }
0x391: {  	s1 =	sadd.s32 $0xF0, s1;
	s14 =	simm.s32 $0x15678  }
0x392: {  	[hbm4b:s1+s4] =	stream.linear.scatter [tilespmem:s14], [sflag:$0x5], $0x80, $0x38;
	[tilespmem:$0x19A00] =	vst v63  }
0x393: {  	s22 =	simm.s32 $0x15B40;
	s1 =	sadd.s32 s23, s21  }
0x394: {  	[hbm4b:s1+s4] =	stream.linear.scatter [tilespmem:s22], [sflag:$0x5], $0x80, $0x38;
	[tilespmem:$0x19A00] =	vst v63  }
0x395: {  	s28 =	simm.s32 $0x15BC8;
	s23 =	sadd.s32 $0x10, s1  }
0x396: {  	[hbm4b:s23+s4] =	stream.linear.scatter [tilespmem:s28], [sflag:$0x5], $0x80, $0x38;
	[tilespmem:$0x19A00] =	vst v63  }
0x397: {  	s30 =	simm.s32 $0x15C50;
	s29 =	sadd.s32 $0x20, s1  }
0x398: {  	[hbm4b:s29+s4] =	stream.linear.scatter [tilespmem:s30], [sflag:$0x5], $0x80, $0x38;
	[tilespmem:$0x19A00] =	vst v63  }
0x399: {  	s13 =	simm.s32 $0x15CD8;
	s12 =	sadd.s32 $0x30, s1  }
0x39a: {  	[hbm4b:s12+s4] =	stream.linear.scatter [tilespmem:s13], [sflag:$0x5], $0x80, $0x38;
	[tilespmem:$0x19A00] =	vst v63  }
0x39b: {  	s14 =	sadd.s32 $0x40, s1;
	s22 =	simm.s32 $0x15D60  }
0x39c: {  	[hbm4b:s14+s4] =	stream.linear.scatter [tilespmem:s22], [sflag:$0x5], $0x80, $0x38;
	[tilespmem:$0x19A00] =	vst v63  }
0x39d: {  	s23 =	sadd.s32 $0x50, s1;
	s28 =	simm.s32 $0x15DE8  }
0x39e: {  	[hbm4b:s23+s4] =	stream.linear.scatter [tilespmem:s28], [sflag:$0x5], $0x80, $0x38;
	[tilespmem:$0x19A00] =	vst v63  }
0x39f: {  	s29 =	sadd.s32 $0x60, s1;
	s30 =	simm.s32 $0x15E70  }
0x3a0: {  	[hbm4b:s29+s4] =	stream.linear.scatter [tilespmem:s30], [sflag:$0x5], $0x80, $0x38;
	[tilespmem:$0x19A00] =	vst v63  }
0x3a1: {  	s12 =	sadd.s32 $0x70, s1;
	s13 =	simm.s32 $0x15EF8  }
0x3a2: {  	[hbm4b:s12+s4] =	stream.linear.scatter [tilespmem:s13], [sflag:$0x5], $0x80, $0x38;
	[tilespmem:$0x19A00] =	vst v63  }
0x3a3: {  	s14 =	sadd.s32 $0x80, s1;
	s22 =	simm.s32 $0x15F80  }
0x3a4: {  	[hbm4b:s14+s4] =	stream.linear.scatter [tilespmem:s22], [sflag:$0x5], $0x80, $0x38;
	[tilespmem:$0x19A00] =	vst v63  }
0x3a5: {  	s23 =	sadd.s32 $0x90, s1;
	s28 =	simm.s32 $0x16008  }
0x3a6: {  	[hbm4b:s23+s4] =	stream.linear.scatter [tilespmem:s28], [sflag:$0x5], $0x80, $0x38;
	[tilespmem:$0x19A00] =	vst v63  }
0x3a7: {  	s29 =	sadd.s32 $0xA0, s1;
	s30 =	simm.s32 $0x16090  }
0x3a8: {  	[hbm4b:s29+s4] =	stream.linear.scatter [tilespmem:s30], [sflag:$0x5], $0x80, $0x38;
	[tilespmem:$0x19A00] =	vst v63  }
0x3a9: {  	s8 =	sadd.s32 $0xB0, s1;
	s12 =	simm.s32 $0x16118  }
0x3aa: {  	[hbm4b:s8+s4] =	stream.linear.scatter [tilespmem:s12], [sflag:$0x5], $0x80, $0x38;
	[tilespmem:$0x19A00] =	vst v63  }
0x3ab: {  	s3 =	sadd.s32 $0x1, s3;
	s13 =	sadd.s32 $0xC0, s1;
	s14 =	simm.s32 $0x161A0  }
0x3ac: {  	[hbm4b:s13+s4] =	stream.linear.scatter [tilespmem:s14], [sflag:$0x5], $0x80, $0x38;
	[tilespmem:$0x19A00] =	vst v63  }
0x3ad: {  	p0 =	sne.s32 s3, $0x32;
	s22 =	sadd.s32 $0xD0, s1;
	s23 =	simm.s32 $0x16228  }
0x3ae: {  	[hbm4b:s22+s4] =	stream.linear.scatter [tilespmem:s23], [sflag:$0x5], $0x80, $0x38;
	[tilespmem:$0x19A00] =	vst v63  }
.Ltmp2:
0x3af: {  	_ = 	snop;
	(pc) =	sbr.rel @p0 .LBB2_2-.Ltmp2, $4  }
0x3b0: {  	s28 =	sadd.s32 $0xE0, s1;
	s29 =	simm.s32 $0x162B0  }
0x3b1: {  	[hbm4b:s28+s4] =	stream.linear.scatter [tilespmem:s29], [sflag:$0x5], $0x80, $0x38;
	[tilespmem:$0x19A00] =	vst v63  }
0x3b2: {  	s1 =	sadd.s32 $0xF0, s1;
	s30 =	simm.s32 $0x16338  }
0x3b3: {  	[hbm4b:s1+s4] =	stream.linear.scatter [tilespmem:s30], [sflag:$0x5], $0x80, $0x38;
	[tilespmem:$0x19A00] =	vst v63  }
0x3b4: {  	_ =	swait.ge [sflag:s24], $0x800  }
0x3b5: {  	[sflag:s24] =	ssyncset.done $0x0  }
0x3b6: {  	[sflag:s24] =	ssyncadd.s32 $0xFFFFF800  }
0x3b7: {  	_ =	swait.ge [sflag:s24], $0x800  }
0x3b8: {  	[sflag:s24] =	ssyncset.done $0x0  }
0x3b9: {  	[sflag:s24] =	ssyncadd.s32 $0xFFFFF800  }
0x3ba: {  	_ =	swait.ge [sflag:s24], $0x800  }
0x3bb: {  	[sflag:s24] =	ssyncset.done $0x0  }
0x3bc: {  	[sflag:s24] =	ssyncadd.s32 $0xFFFFF800  }
0x3bd: {  	_ =	swait.ge [sflag:s24], $0x800  }
0x3be: {  	[sflag:s24] =	ssyncset.done $0x0  }
0x3bf: {  	[sflag:s24] =	ssyncadd.s32 $0xFFFFF800  }
0x3c0: {  	_ =	swait.ge [sflag:s24], $0x800  }
0x3c1: {  	[sflag:s24] =	ssyncset.done $0x0  }
0x3c2: {  	[sflag:s24] =	ssyncadd.s32 $0xFFFFF800  }
0x3c3: {  	_ =	swait.ge [sflag:s24], $0x800  }
0x3c4: {  	[sflag:s24] =	ssyncset.done $0x0  }
0x3c5: {  	[sflag:s24] =	ssyncadd.s32 $0xFFFFF800  }
0x3c6: {  	_ =	swait.ge [sflag:s24], $0x800  }
0x3c7: {  	[sflag:s24] =	ssyncset.done $0x0  }
0x3c8: {  	[sflag:s24] =	ssyncadd.s32 $0xFFFFF800  }
0x3c9: {  	_ =	swait.ge [sflag:s24], $0x800  }
0x3ca: {  	[sflag:s24] =	ssyncset.done $0x0  }
0x3cb: {  	[sflag:s24] =	ssyncadd.s32 $0xFFFFF800  }
0x3cc: {  	_ =	swait.ge [sflag:s0], $0x80  }
0x3cd: {  	[sflag:s0] =	ssyncset.done $0x0  }
0x3ce: {  	[sflag:s0] =	ssyncadd.s32 $0xFFFFFF80  }
0x3cf: {  	_ =	swait.ge [sflag:s0], $0x80  }
0x3d0: {  	[sflag:s0] =	ssyncset.done $0x0  }
0x3d1: {  	s2 =	simm.s32 $0x3;
	[sflag:s0] =	ssyncadd.s32 $0xFFFFFF80  }
0x3d2: {  	_ =	swait.ge [sflag:s2], $0x8000  }
0x3d3: {  	s3 =	rddreg [dreg:$0xb]  }
0x3d4: {  	s1 =	rddreg [dreg:$0xa];
	s3 =	sadd.s32 $0x1, s3  }
0x3d5: {  	p0 =	sne.s32 s3, s1  }
.Ltmp3:
0x3d6: {  	_ = 	snop;
	(pc) =	sbr.rel @p0 .LBB2_1-.Ltmp3, $3  }
0x3d7: {  	_ =	sdelay $0x1  }
0x3d8: {  	[sflag:s2] =	ssyncset.done $0x0  }
0x3d9: {  	[sflag:s2] =	ssyncadd.s32 $0xFFFF8000  }
0x3da: {  	_ =	sfence.sel $0x180000  }
0x3db: {  	[bflag:$0x0] =	sbarrier.arrive $0xFFFF  }
0x3dc: {  	_ =	strace $0x90000047  }
0x3dd: {  	s0 =	stileid.u32;
	[bflag:$0x2] =	sbarrier.arrive $0xFFFF  }
0x3de: {  	p0 =	sne.s32 s0, $0x0;
	s0 =	rddreg [dreg:$0x3]  }
0x3df: {  	s0 =	sadd.s32 @!p0 $0x100000, s0  }
0x3e0: {  	[sflag:s0] =	ssyncadd.tile.s32 @!p0 $0x1;
	_ =	shalt  }
.Lfunc_end2:
_tile_overlayer_lowered:
.L_overlay_start_2:
0x3e1: {  	(tag) =	ssettag $0x2  }
0x3e2: {  	s0 =	rddreg [dreg:$0x0];
	s2 =	stileid.u32  }
0x3e3: {  	s1 =	rddreg [dreg:$0x1];
	p0 =	sne.s32 s2, $0x0  }
0x3e4: {  	s3 =	rddreg [dreg:$0x2];
	[bflag:$0x3] =	sbarrier.arrive $0xFFFF;
	s2 =	simm.s32 @!p0 $0x1C06  }
0x3e5: {  	[timem:s3], [sflag:s2] =	dma.local @!p0 [hbm:s0], s1  }
0x3e6: {  	s0 =	simm.s32 @!p0 $0x6  }
0x3e7: {  	_ =	swait.ge @!p0 [sflag:s0], s1  }
0x3e8: {  	s1 =	ssub.s32 @!p0 $0x0, s1;
	[sflag:s0] =	ssyncset.done @!p0 $0x0  }
0x3e9: {  	[sflag:s0] =	ssyncadd.s32 @!p0 s1  }
0x3ea: {  	[bflag:$0x3] =	sbarrier.arrive $0xFFFF  }
0x3eb: {  	_ =	shalt  }

</sc_bundles>
